<compile_context>
chip_gen: v7x
topology: tpu7x:2x2x1
jax: 0.10.2.dev20260603
libtpu: 0.0.44.dev20260713+nightly
codegen_flags: <defaults>
</compile_context>

<pallas_src>
import functools

import jax
import jax.numpy as jnp
from jax import lax
from jax.experimental import pallas as pl
from jax.experimental.pallas import tpu as pltpu
from jax.experimental.pallas import tpu_sc as plsc

N = 10000
NPAD = 10240
E = 320000
NA = 200
NO = 5000
NL = 1000
NC = 50
ED = 32
HD = 128
B = 64
NT = NA + NO + NL

NCORE = 2
NSUB = 16
NWORK = NCORE * NSUB
CH = 128
EPW = NPAD
EPAD = NWORK * EPW
CPW = EPW // CH
NCHE = EPAD // CH
FPAD = 32768
FCH = FPAD // CH
FCPW = FCH // NWORK
RPS = NPAD // NSUB

_f32 = jnp.float32
_i32 = jnp.int32

_sc_mesh = functools.partial(
    plsc.VectorSubcoreMesh, core_axis_name="c", subcore_axis_name="s",
    num_cores=NCORE, num_subcores=NSUB)


def _tables_body(a_ref, o_ref, l_ref, win_ref, bin_ref, t_ref):
    wa = win_ref[0:ED, :]
    wo = win_ref[ED:2 * ED, :]
    wl = win_ref[2 * ED:3 * ED, :]
    woh = win_ref[3 * ED:3 * ED + NA, :]
    t_ref[0:NA, :] = (jnp.dot(a_ref[...], wa, preferred_element_type=_f32)
                      + woh + bin_ref[...])
    t_ref[NA:NA + NO, :] = jnp.dot(o_ref[...], wo, preferred_element_type=_f32)
    t_ref[NA + NO:NT, :] = jnp.dot(l_ref[...], wl, preferred_element_type=_f32)


def _tc_tables(a_tab, o_tab, l_tab, w_in, b_in):
    return pl.pallas_call(
        _tables_body,
        out_shape=jax.ShapeDtypeStruct((NT, HD), _f32),
    )(a_tab, o_tab, l_tab, w_in, b_in)


def _sc1_body(t_hbm, idxf_hbm, feat_hbm, gidx, rbg, g0, g1):
    c = lax.axis_index("c")
    s = lax.axis_index("s")
    w = c * NSUB + s

    pltpu.sync_copy(idxf_hbm.at[pl.ds(w * FCPW, FCPW)], gidx)
    pltpu.async_copy(t_hbm.at[gidx.at[0, 0]], rbg.at[0], g0)
    for k in range(FCPW):
        p = k % 2
        sem = g0 if p == 0 else g1
        osem = g1 if p == 0 else g0
        pltpu.make_async_copy(t_hbm.at[gidx.at[k, 0]], rbg.at[p], sem).wait()
        if k < FCPW - 1:
            pltpu.async_copy(t_hbm.at[gidx.at[k + 1, 0]], rbg.at[1 - p], osem)
        pltpu.sync_copy(rbg.at[p], feat_hbm.at[pl.ds(w * FCPW * CH + k * CH, CH)])


def _sc_feat(t, idxf):
    kfn = pl.kernel(
        _sc1_body,
        out_type=jax.ShapeDtypeStruct((FPAD, HD), _f32),
        mesh=_sc_mesh(),
        scratch_types=[
            pltpu.VMEM((FCPW, 1, CH), _i32),
            pltpu.VMEM((2, CH, HD), _f32),
            pltpu.SemaphoreType.DMA,
            pltpu.SemaphoreType.DMA,
        ],
    )
    return kfn(t, idxf)


def _x0_body(xa_ref, xo_ref, xl_ref, d0_ref, d1_ref, w1_ref,
             x0_ref, g1_ref, dinv_ref):
    deg = d0_ref[0, :, 0:1] + d1_ref[0, :, 0:1] + 1.0
    dv = 1.0 / jnp.sqrt(deg)
    x0 = jnp.maximum(xa_ref[...] + xo_ref[...] + xl_ref[...], 0.0)
    x0_ref[...] = x0
    dinv_ref[...] = dv
    g1_ref[...] = jnp.dot(x0, w1_ref[...], preferred_element_type=_f32) * dv


def _tc_x0(feat, deg2, w1):
    blk = 1024
    nblk = NPAD // blk
    return pl.pallas_call(
        _x0_body,
        grid=(nblk,),
        in_specs=[
            pl.BlockSpec((blk, HD), lambda i: (i, 0)),
            pl.BlockSpec((blk, HD), lambda i: (i + nblk, 0)),
            pl.BlockSpec((blk, HD), lambda i: (i + 2 * nblk, 0)),
            pl.BlockSpec((1, blk, HD), lambda i: (0, i, 0)),
            pl.BlockSpec((1, blk, HD), lambda i: (1, i, 0)),
            pl.BlockSpec((HD, HD), lambda i: (0, 0)),
        ],
        out_specs=[
            pl.BlockSpec((blk, HD), lambda i: (i, 0)),
            pl.BlockSpec((blk, HD), lambda i: (i, 0)),
            pl.BlockSpec((blk, 1), lambda i: (i, 0)),
        ],
        out_shape=[
            jax.ShapeDtypeStruct((NPAD, HD), _f32),
            jax.ShapeDtypeStruct((NPAD, HD), _f32),
            jax.ShapeDtypeStruct((NPAD, 1), _f32),
        ],
    )(feat, feat, feat, deg2, deg2, w1)


def _agg_body(g_hbm, esrc_hbm, edst_hbm, acc_hbm,
              zb, ibs, ibd, rb, accsh, g0, g1, s0, s1):
    c = lax.axis_index("c")
    s = lax.axis_index("s")

    @pl.loop(0, 16)
    def _(i):
        @pl.loop(0, HD // 16)
        def _(k):
            zb[i, pl.ds(k * 16, 16)] = jnp.zeros((16,), _f32)

    @pl.loop(0, RPS // 16)
    def _(r):
        pltpu.sync_copy(zb, accsh.at[pl.ds(s * RPS + r * 16, 16)])

    plsc.subcore_barrier()

    ebase0 = (c * (NCHE // 2) + s * CPW) * CH

    @pl.loop(0, CPW)
    def _(j):
        pltpu.sync_copy(esrc_hbm.at[pl.ds(ebase0 + j * CH, CH)], ibs)
        pltpu.sync_copy(edst_hbm.at[pl.ds(ebase0 + j * CH, CH)], ibd)
        pltpu.sync_copy(g_hbm.at[ibs], rb)
        pltpu.sync_copy(rb, accsh.at[ibd], add=True)

    plsc.subcore_barrier()

    @pl.loop(0, RPS // CH)
    def _(r):
        pltpu.sync_copy(accsh.at[pl.ds(s * RPS + r * CH, CH)],
                        acc_hbm.at[pl.ds(c * NPAD + s * RPS + r * CH, CH)])


def _sc_agg(g, esrc, edst):
    kfn = pl.kernel(
        _agg_body,
        out_type=jax.ShapeDtypeStruct((NCORE * NPAD, HD), _f32),
        mesh=_sc_mesh(),
        scratch_types=[
            pltpu.VMEM((16, HD), _f32),
            pltpu.VMEM((CH,), _i32),
            pltpu.VMEM((CH,), _i32),
            pltpu.VMEM((CH, HD), _f32),
            pltpu.VMEM_SHARED((NPAD, HD), _f32),
            pltpu.SemaphoreType.DMA,
            pltpu.SemaphoreType.DMA,
            pltpu.SemaphoreType.DMA,
            pltpu.SemaphoreType.DMA,
        ],
    )
    return kfn(g, esrc, edst).reshape(NCORE, NPAD, HD)


def _post_body(a0_ref, a1_ref, g_ref, xp_ref, dv_ref, b_ref, gam_ref, bet_ref,
               wn_ref, xn_ref, gn_ref):
    dv = dv_ref[...]
    agg = a0_ref[0] + a1_ref[0] + g_ref[...]
    pre = agg * dv + b_ref[...]
    m = jnp.mean(pre, axis=-1, keepdims=True)
    cen = pre - m
    v = jnp.mean(cen * cen, axis=-1, keepdims=True)
    ln = cen / jnp.sqrt(v + 1e-5) * gam_ref[...] + bet_ref[...]
    xn = xp_ref[...] + jnp.maximum(ln, 0.0)
    xn_ref[...] = xn
    if wn_ref is not None:
        gn_ref[...] = jnp.dot(xn, wn_ref[...], preferred_element_type=_f32) * dv


def _post_body_last(a0_ref, a1_ref, g_ref, xp_ref, dv_ref, b_ref, gam_ref,
                    bet_ref, xn_ref):
    _post_body(a0_ref, a1_ref, g_ref, xp_ref, dv_ref, b_ref, gam_ref, bet_ref,
               None, xn_ref, None)


def _tc_post(acc, g, xp, dinv, b, gam, bet, wn=None):
    blk = 1024
    nblk = NPAD // blk
    in_specs = [
        pl.BlockSpec((1, blk, HD), lambda i: (0, i, 0)),
        pl.BlockSpec((1, blk, HD), lambda i: (1, i, 0)),
        pl.BlockSpec((blk, HD), lambda i: (i, 0)),
        pl.BlockSpec((blk, HD), lambda i: (i, 0)),
        pl.BlockSpec((blk, 1), lambda i: (i, 0)),
        pl.BlockSpec((1, HD), lambda i: (0, 0)),
        pl.BlockSpec((1, HD), lambda i: (0, 0)),
        pl.BlockSpec((1, HD), lambda i: (0, 0)),
    ]
    args = [acc, acc, g, xp, dinv, b, gam, bet]
    if wn is None:
        return pl.pallas_call(
            _post_body_last,
            grid=(nblk,),
            in_specs=in_specs,
            out_specs=pl.BlockSpec((blk, HD), lambda i: (i, 0)),
            out_shape=jax.ShapeDtypeStruct((NPAD, HD), _f32),
        )(*args)
    in_specs.append(pl.BlockSpec((HD, HD), lambda i: (0, 0)))
    args.append(wn)
    return pl.pallas_call(
        _post_body,
        grid=(nblk,),
        in_specs=in_specs,
        out_specs=[
            pl.BlockSpec((blk, HD), lambda i: (i, 0)),
            pl.BlockSpec((blk, HD), lambda i: (i, 0)),
        ],
        out_shape=[
            jax.ShapeDtypeStruct((NPAD, HD), _f32),
            jax.ShapeDtypeStruct((NPAD, HD), _f32),
        ],
    )(*args)


_PBLK = 1000
_NPB = N // _PBLK


def _pool_body(x_ref, bat_ref, act_ref, wc1_ref, bc1_ref, wc2_ref, bc2_ref,
               wc3_ref, bc3_ref, logits_ref, xg_ref,
               xsum_s, xmax_s, ag_s, cnt_s):
    i = pl.program_id(0)

    @pl.when(i == 0)
    def _():
        xsum_s[...] = jnp.zeros((B, HD), _f32)
        xmax_s[...] = jnp.full((B, HD), -jnp.inf, _f32)
        ag_s[...] = jnp.zeros((B, NA), _f32)
        cnt_s[...] = jnp.zeros((B, 1), _f32)

    x = x_ref[...]
    bat = bat_ref[...]
    sf = (bat == lax.broadcasted_iota(_i32, (_PBLK, B), 1)).astype(_f32)
    ohf = (act_ref[...] == lax.broadcasted_iota(_i32, (_PBLK, NA), 1)).astype(_f32)
    dn = (((0,), (0,)), ((), ()))
    xsum_s[...] += lax.dot_general(sf, x, dn, preferred_element_type=_f32)
    ag_s[...] += lax.dot_general(sf, ohf, dn, preferred_element_type=_f32)
    cnt_s[...] += lax.dot_general(sf, jnp.ones((_PBLK, 1), _f32), dn,
                                  preferred_element_type=_f32)

    b0 = bat_ref[0, 0]
    b1 = bat_ref[_PBLK - 1, 0]

    def seg_body(b, _):
        vals = jnp.where(bat == b, x, -jnp.inf)
        mx = jnp.max(vals, axis=0, keepdims=True)
        xmax_s[pl.ds(b, 1), :] = jnp.maximum(xmax_s[pl.ds(b, 1), :], mx)
        return 0

    lax.fori_loop(b0, b1 + 1, seg_body, 0)

    @pl.when(i == _NPB - 1)
    def _():
        cnt = cnt_s[...]
        nonempty = cnt > 0.0
        xmean = xsum_s[...] / jnp.maximum(cnt, 1.0)
        xmax = xmax_s[...]
        agf = jnp.where(nonempty, (ag_s[...] > 0.0).astype(_f32), -jnp.inf)
        xg_ref[:, 0:HD] = xmean
        xg_ref[:, HD:2 * HD] = xmax
        xg_ref[:, 2 * HD:2 * HD + NA] = agf
        h1 = jnp.maximum(
            lax.dot_general(xmean, wc1_ref[0:HD, :], (((1,), (0,)), ((), ())),
                            preferred_element_type=_f32)
            + lax.dot_general(xmax, wc1_ref[HD:2 * HD, :],
                              (((1,), (0,)), ((), ())),
                              preferred_element_type=_f32)
            + lax.dot_general(agf, wc1_ref[2 * HD:2 * HD + NA, :],
                              (((1,), (0,)), ((), ())),
                              preferred_element_type=_f32)
            + bc1_ref[...], 0.0)
        h2 = jnp.maximum(
            jnp.dot(h1, wc2_ref[...], preferred_element_type=_f32)
            + bc2_ref[...], 0.0)
        logits_ref[...] = (jnp.dot(h2, wc3_ref[...], preferred_element_type=_f32)
                           + bc3_ref[...])


def _tc_pool_head(x3, bat2, act2, wc1, bc1, wc2, bc2, wc3, bc3):
    return pl.pallas_call(
        _pool_body,
        grid=(_NPB,),
        in_specs=[
            pl.BlockSpec((_PBLK, HD), lambda i: (i, 0)),
            pl.BlockSpec((_PBLK, 1), lambda i: (i, 0)),
            pl.BlockSpec((_PBLK, 1), lambda i: (i, 0)),
            pl.BlockSpec((2 * HD + NA, HD), lambda i: (0, 0)),
            pl.BlockSpec((1, HD), lambda i: (0, 0)),
            pl.BlockSpec((HD, HD // 2), lambda i: (0, 0)),
            pl.BlockSpec((1, HD // 2), lambda i: (0, 0)),
            pl.BlockSpec((HD // 2, NC), lambda i: (0, 0)),
            pl.BlockSpec((1, NC), lambda i: (0, 0)),
        ],
        out_specs=[
            pl.BlockSpec((B, NC), lambda i: (0, 0)),
            pl.BlockSpec((B, 2 * HD + NA), lambda i: (0, 0)),
        ],
        out_shape=[
            jax.ShapeDtypeStruct((B, NC), _f32),
            jax.ShapeDtypeStruct((B, 2 * HD + NA), _f32),
        ],
        scratch_shapes=[
            pltpu.VMEM((B, HD), _f32),
            pltpu.VMEM((B, HD), _f32),
            pltpu.VMEM((B, NA), _f32),
            pltpu.VMEM((B, 1), _f32),
        ],
    )(x3, bat2, act2, wc1, bc1, wc2, bc2, wc3, bc3)


def kernel(action, object, location, edge_index, batch,
           A_tab, O_tab, L_tab, W_in, b_in,
           W1, b1, g1, be1, W2, b2, g2, be2, W3, b3, g3, be3,
           Wc1, bc1, Wc2, bc2, Wc3, bc3):
    action = action.astype(_i32)
    object = object.astype(_i32)
    location = location.astype(_i32)
    batch = batch.astype(_i32)
    edge_index = edge_index.astype(_i32)

    pad_e = EPAD - E
    esrc = jnp.concatenate([edge_index[0], jnp.full((pad_e,), N, _i32)])
    edst = jnp.concatenate([edge_index[1], jnp.full((pad_e,), NPAD - 1, _i32)])

    padn = NPAD - N
    ia = jnp.concatenate([action, jnp.zeros((padn,), _i32)])
    io = jnp.concatenate([object + NA, jnp.zeros((padn,), _i32)])
    il = jnp.concatenate([location + NA + NO, jnp.zeros((padn,), _i32)])
    idxf = jnp.concatenate([ia, io, il, jnp.zeros((FPAD - 3 * NPAD,), _i32)])
    idxf = idxf.reshape(FCH, 1, CH)

    bat2 = batch.reshape(N, 1)
    act2 = action.reshape(N, 1)
    b_in2 = b_in.reshape(1, HD)
    b1_2, gam1, bet1 = b1.reshape(1, HD), g1.reshape(1, HD), be1.reshape(1, HD)
    b2_2, gam2, bet2 = b2.reshape(1, HD), g2.reshape(1, HD), be2.reshape(1, HD)
    b3_2, gam3, bet3 = b3.reshape(1, HD), g3.reshape(1, HD), be3.reshape(1, HD)
    bc1_2 = bc1.reshape(1, HD)
    bc2_2 = bc2.reshape(1, HD // 2)
    bc3_2 = bc3.reshape(1, NC)

    t = _tc_tables(A_tab, O_tab, L_tab, W_in, b_in2)
    feat = _sc_feat(t, idxf)
    deg2 = _sc_agg(jnp.ones((NPAD, HD), _f32), esrc, edst)
    x0, gm1, dinv = _tc_x0(feat, deg2, W1)
    acc1 = _sc_agg(gm1, esrc, edst)
    x1, gm2 = _tc_post(acc1, gm1, x0, dinv, b1_2, gam1, bet1, W2)
    acc2 = _sc_agg(gm2, esrc, edst)
    x2, gm3 = _tc_post(acc2, gm2, x1, dinv, b2_2, gam2, bet2, W3)
    acc3 = _sc_agg(gm3, esrc, edst)
    x3 = _tc_post(acc3, gm3, x2, dinv, b3_2, gam3, bet3)
    logits, x_graph = _tc_pool_head(x3, bat2, act2, Wc1, bc1_2, Wc2, bc2_2,
                                    Wc3, bc3_2)
    return (logits, x_graph)

# --- scband reference (transcript-rebuilt; emitter-appended) ---
"""Pipeline reference for scband-working-crime-gnn-4518305595545 (READ-ONLY COPY).

The authoritative reference and input builder live on the scoring server;
editing this copy changes nothing except your own understanding.
"""

import jax, jax.numpy as jnp
import numpy as np

N = 10000
E = 320000
NA = 200
NO = 5000
NL = 1000
NC = 50
ED = 32
HD = 128
B = 64

PARAM_SHAPES = {
    "A_tab": (NA, ED), "O_tab": (NO, ED), "L_tab": (NL, ED),
    "W_in": (ED * 3 + NA, HD), "b_in": (HD,),
    "W1": (HD, HD), "b1": (HD,), "g1": (HD,), "be1": (HD,),
    "W2": (HD, HD), "b2": (HD,), "g2": (HD,), "be2": (HD,),
    "W3": (HD, HD), "b3": (HD,), "g3": (HD,), "be3": (HD,),
    "Wc1": (HD * 2 + NA, HD), "bc1": (HD,),
    "Wc2": (HD, HD // 2), "bc2": (HD // 2,),
    "Wc3": (HD // 2, NC), "bc3": (NC,),
}

def setup_inputs(seed: int = 0) -> dict:
    key = jax.random.key(seed)
    ks = jax.random.split(key, 8 + len(PARAM_SHAPES))
    inp = {}
    inp["action"] = jax.random.randint(ks[0], (N,), 0, NA)
    inp["object"] = jax.random.randint(ks[1], (N,), 0, NO)
    inp["location"] = jax.random.randint(ks[2], (N,), 0, NL)
    inp["edge_index"] = jax.random.randint(ks[3], (2, E), 0, N)
    inp["batch"] = jnp.sort(jax.random.randint(ks[4], (N,), 0, B))
    for i, (name, shp) in enumerate(PARAM_SHAPES.items()):
        if name in ("g1", "g2", "g3"):
            inp[name] = jnp.ones(shp, dtype=jnp.float32)
        elif name in ("be1", "be2", "be3") or name.startswith("b"):
            inp[name] = jnp.zeros(shp, dtype=jnp.float32)
        else:
            inp[name] = jax.random.normal(ks[8 + i], shp, dtype=jnp.float32) * 0.05
    return inp

def _layernorm(x, g, b):
    m = x.mean(-1, keepdims=True)
    v = ((x - m) ** 2).mean(-1, keepdims=True)
    return (x - m) / jnp.sqrt(v + 1e-5) * g + b

def _gcn(x, src, dst, W, b):
    h = x @ W
    deg = jnp.zeros((N,), dtype=x.dtype).at[dst].add(1.0)
    dinv = jnp.where(deg > 0, 1.0 / jnp.sqrt(deg), 0.0)
    norm = dinv[src] * dinv[dst]
    msg = h[src] * norm[:, None]
    out = jnp.zeros_like(h).at[dst].add(msg)
    return out + b

def reference(action, object, location, edge_index, batch,
              A_tab, O_tab, L_tab, W_in, b_in,
              W1, b1, g1, be1, W2, b2, g2, be2, W3, b3, g3, be3,
              Wc1, bc1, Wc2, bc2, Wc3, bc3):
    loop = jnp.arange(N)
    src = jnp.concatenate([edge_index[0], loop])
    dst = jnp.concatenate([edge_index[1], loop])
    a = A_tab[action]
    o = O_tab[object]
    l = L_tab[location]
    oh = jax.nn.one_hot(action, NA, dtype=jnp.float32)
    x = jnp.concatenate([a, o, l, oh], axis=-1)
    x = jax.nn.relu(x @ W_in + b_in)
    x1 = jax.nn.relu(_layernorm(_gcn(x, src, dst, W1, b1), g1, be1))
    x = x + x1
    x2 = jax.nn.relu(_layernorm(_gcn(x, src, dst, W2, b2), g2, be2))
    x = x + x2
    x3 = jax.nn.relu(_layernorm(_gcn(x, src, dst, W3, b3), g3, be3))
    x = x + x3
    xsum = jax.ops.segment_sum(x, batch, num_segments=B)
    cnt = jax.ops.segment_sum(jnp.ones((N, 1), dtype=x.dtype), batch, num_segments=B)
    x_mean = xsum / jnp.maximum(cnt, 1.0)
    x_max = jax.ops.segment_max(x, batch, num_segments=B)
    action_global = jax.ops.segment_max(oh, batch, num_segments=B)
    x_graph = jnp.concatenate([x_mean, x_max, action_global], axis=-1)
    h = jax.nn.relu(x_graph @ Wc1 + bc1)
    h = jax.nn.relu(h @ Wc2 + bc2)
    logits = h @ Wc3 + bc3
    return (logits, x_graph)

if __name__ == "__main__":
    import jax
    _d = setup_inputs()
    print(jax.jit(kernel)(*tuple(_d.values())))

</pallas_src>

<mosaic_0001>
#map = affine_map<(d0, d1) -> (0, 0)>
#map1 = affine_map<(d0, d1) -> (0)>
module attributes {stable_mosaic.version = 14 : i64} {
  func.func @_agg_body(%arg0: i32, %arg1: i32, %arg2: memref<10240x128xf32, #tpu.memory_space<hbm>>, %arg3: memref<327680xi32, #tpu.memory_space<hbm>>, %arg4: memref<327680xi32, #tpu.memory_space<hbm>>, %arg5: memref<20480x128xf32, #tpu.memory_space<hbm>>, %arg6: memref<16x128xf32, #tpu.memory_space<vmem>>, %arg7: memref<128xi32, #tpu.memory_space<vmem>>, %arg8: memref<128xi32, #tpu.memory_space<vmem>>, %arg9: memref<128x128xf32, #tpu.memory_space<vmem>>, %arg10: memref<10240x128xf32, #tpu.memory_space<vmem_shared>>, %arg11: memref<!tpu.dma_semaphore, #tpu.memory_space<semaphore_mem>>, %arg12: memref<!tpu.dma_semaphore, #tpu.memory_space<semaphore_mem>>, %arg13: memref<!tpu.dma_semaphore, #tpu.memory_space<semaphore_mem>>, %arg14: memref<!tpu.dma_semaphore, #tpu.memory_space<semaphore_mem>>) attributes {dimension_semantics = [#tpu.dimension_semantics<core_parallel>, #tpu.dimension_semantics<subcore_parallel>], iteration_bounds = array<i64: 2, 16>, scalar_prefetch = 0 : i64, scratch_operands = 9 : i64, tpu.core_type = #tpu.core_type<sc_vector_subcore>, window_params = [{transform_indices = #map}, {transform_indices = #map1}, {transform_indices = #map1}, {transform_indices = #map}]} {
    %scan3A = arith.constant 0 : i32
    %scan3A_0 = arith.constant 16 : i32
    %scan3A_1 = arith.addi %scan3A, %scan3A_0 : i32
    %scan3A_2 = arith.constant 1 : i32
    scf.for %scan3A_25 = %scan3A to %scan3A_1 step %scan3A_2  : i32 {
      %mul3A_26 = arith.constant 1 : i32
      %mul3A_27 = arith.muli %scan3A_25, %mul3A_26 : i32
      %add3A_28 = arith.constant 0 : i32
      %add3A_29 = arith.addi %add3A_28, %mul3A_27 : i32
      %scan3A_30 = arith.constant 0 : i32
      %scan3A_31 = arith.constant 8 : i32
      %scan3A_32 = arith.addi %scan3A_30, %scan3A_31 : i32
      %scan3A_33 = arith.constant 1 : i32
      scf.for %scan3A_35 = %scan3A_30 to %scan3A_32 step %scan3A_33  : i32 {
        %mul3A_36 = arith.constant 1 : i32
        %mul3A_37 = arith.muli %scan3A_35, %mul3A_36 : i32
        %add3A_38 = arith.constant 0 : i32
        %add3A_39 = arith.addi %add3A_38, %mul3A_37 : i32
        %broadcast_in_dim3A = arith.constant 0.000000e+00 : f32
        %broadcast_in_dim3A_40 = vector.broadcast %broadcast_in_dim3A : f32 to vector<16xf32>
        %mul3A_41 = arith.constant 16 : i32
        %mul3A_42 = arith.muli %add3A_39, %mul3A_41 : i32
        %swap3A = arith.index_cast %add3A_29 : i32 to index
        %swap3A_43 = arith.index_cast %mul3A_42 : i32 to index
        %swap3A_44 = tpu.vector_load %arg6[%swap3A, %swap3A_43] {strides = array<i32>} : memref<16x128xf32, #tpu.memory_space<vmem>>, vector<1x16xf32>,
        %swap3A_45 = vector.shape_cast %swap3A_44 : vector<1x16xf32> to vector<16xf32>
        %swap3A_46 = vector.shape_cast %broadcast_in_dim3A_40 : vector<16xf32> to vector<1x16xf32>
        tpu.vector_store %arg6[%swap3A, %swap3A_43], %swap3A_46 {strides = array<i32>} : memref<16x128xf32, #tpu.memory_space<vmem>>, vector<1x16xf32>,
      }
      %scan3A_34 = arith.constant 8 : i32
    }
    %scan3A_3 = arith.constant 16 : i32
    %scan3A_4 = arith.constant 0 : i32
    %scan3A_5 = arith.constant 40 : i32
    %scan3A_6 = arith.addi %scan3A_4, %scan3A_5 : i32
    %scan3A_7 = arith.constant 1 : i32
    scf.for %scan3A_25 = %scan3A_4 to %scan3A_6 step %scan3A_7  : i32 {
      %mul3A_26 = arith.constant 1 : i32
      %mul3A_27 = arith.muli %scan3A_25, %mul3A_26 : i32
      %add3A_28 = arith.constant 0 : i32
      %add3A_29 = arith.addi %add3A_28, %mul3A_27 : i32
      %mul3A_30 = arith.constant 640 : i32
      %mul3A_31 = arith.muli %arg1, %mul3A_30 : i32
      %mul3A_32 = arith.constant 16 : i32
      %mul3A_33 = arith.muli %add3A_29, %mul3A_32 : i32
      %add3A_34 = arith.addi %mul3A_31, %mul3A_33 : i32
      "tpu.region"() ({
        %run_scoped3A = tpu.sem_alloc : memref<!tpu.dma_semaphore, #tpu.memory_space<semaphore_mem>>
        %dma_start3A = arith.constant 0 : i32
        %dma_start3A_35 = tpu.memref_slice %arg10[%add3A_34, %dma_start3A] : memref<10240x128xf32, #tpu.memory_space<vmem_shared>> -> memref<16x128xf32, #tpu.memory_space<vmem_shared>>
        %dma_start3A_36 = arith.constant 0 : i32
        %dma_start3A_37 = tpu.memref_slice %arg10[%add3A_34, %dma_start3A_36] : memref<10240x128xf32, #tpu.memory_space<vmem_shared>> -> memref<16x128xf32, #tpu.memory_space<vmem_shared>>
        tpu.enqueue_dma source(%arg6 : memref<16x128xf32, #tpu.memory_space<vmem>>) target(%dma_start3A_37 : memref<16x128xf32, #tpu.memory_space<vmem_shared>>) target_semaphore(%run_scoped3A : memref<!tpu.dma_semaphore, #tpu.memory_space<semaphore_mem>>)
        %dma_wait3A = arith.constant 0 : i32
        %dma_wait3A_38 = tpu.memref_slice %arg10[%add3A_34, %dma_wait3A] : memref<10240x128xf32, #tpu.memory_space<vmem_shared>> -> memref<16x128xf32, #tpu.memory_space<vmem_shared>>
        %dma_wait3A_39 = arith.constant 0 : i32
        %dma_wait3A_40 = tpu.memref_slice %arg10[%add3A_34, %dma_wait3A_39] : memref<10240x128xf32, #tpu.memory_space<vmem_shared>> -> memref<16x128xf32, #tpu.memory_space<vmem_shared>>
        tpu.wait_dma2 semaphore(%run_scoped3A : memref<!tpu.dma_semaphore, #tpu.memory_space<semaphore_mem>>) src(%arg6 : memref<16x128xf32, #tpu.memory_space<vmem>>) dst(%dma_wait3A_40 : memref<16x128xf32, #tpu.memory_space<vmem_shared>>)
        tpu.yield
      }) : () -> ()
    }
    %scan3A_8 = arith.constant 40 : i32
    %barrier3A = arith.constant 0 : index
    tpu.barrier barrier_id(%barrier3A)
    %mul3A = arith.constant 1280 : i32
    %mul3A_9 = arith.muli %arg0, %mul3A : i32
    %mul3A_10 = arith.constant 80 : i32
    %mul3A_11 = arith.muli %arg1, %mul3A_10 : i32
    %add3A = arith.addi %mul3A_9, %mul3A_11 : i32
    %mul3A_12 = arith.constant 128 : i32
    %mul3A_13 = arith.muli %add3A, %mul3A_12 : i32
    %scan3A_14 = arith.constant 0 : i32
    %scan3A_15 = arith.constant 80 : i32
    %scan3A_16 = arith.addi %scan3A_14, %scan3A_15 : i32
    %scan3A_17 = arith.constant 1 : i32
    scf.for %scan3A_25 = %scan3A_14 to %scan3A_16 step %scan3A_17  : i32 {
      %mul3A_26 = arith.constant 1 : i32
      %mul3A_27 = arith.muli %scan3A_25, %mul3A_26 : i32
      %add3A_28 = arith.constant 0 : i32
      %add3A_29 = arith.addi %add3A_28, %mul3A_27 : i32
      %mul3A_30 = arith.constant 128 : i32
      %mul3A_31 = arith.muli %add3A_29, %mul3A_30 : i32
      %add3A_32 = arith.addi %mul3A_13, %mul3A_31 : i32
      "tpu.region"() ({
        %run_scoped3A = tpu.sem_alloc : memref<!tpu.dma_semaphore, #tpu.memory_space<semaphore_mem>>
        %dma_start3A = tpu.memref_slice %arg3[%add3A_32] : memref<327680xi32, #tpu.memory_space<hbm>> -> memref<128xi32, #tpu.memory_space<hbm>>
        %dma_start3A_36 = tpu.memref_slice %arg3[%add3A_32] : memref<327680xi32, #tpu.memory_space<hbm>> -> memref<128xi32, #tpu.memory_space<hbm>>
        tpu.enqueue_dma source(%dma_start3A_36 : memref<128xi32, #tpu.memory_space<hbm>>) target(%arg7 : memref<128xi32, #tpu.memory_space<vmem>>) target_semaphore(%run_scoped3A : memref<!tpu.dma_semaphore, #tpu.memory_space<semaphore_mem>>)
        %dma_wait3A = tpu.memref_slice %arg3[%add3A_32] : memref<327680xi32, #tpu.memory_space<hbm>> -> memref<128xi32, #tpu.memory_space<hbm>>
        %dma_wait3A_37 = tpu.memref_slice %arg3[%add3A_32] : memref<327680xi32, #tpu.memory_space<hbm>> -> memref<128xi32, #tpu.memory_space<hbm>>
        tpu.wait_dma2 semaphore(%run_scoped3A : memref<!tpu.dma_semaphore, #tpu.memory_space<semaphore_mem>>) src(%dma_wait3A_37 : memref<128xi32, #tpu.memory_space<hbm>>) dst(%arg7 : memref<128xi32, #tpu.memory_space<vmem>>)
        tpu.yield
      }) : () -> ()
      %mul3A_33 = arith.constant 128 : i32
      %mul3A_34 = arith.muli %add3A_29, %mul3A_33 : i32
      %add3A_35 = arith.addi %mul3A_13, %mul3A_34 : i32
      "tpu.region"() ({
        %run_scoped3A = tpu.sem_alloc : memref<!tpu.dma_semaphore, #tpu.memory_space<semaphore_mem>>
        %dma_start3A = tpu.memref_slice %arg4[%add3A_35] : memref<327680xi32, #tpu.memory_space<hbm>> -> memref<128xi32, #tpu.memory_space<hbm>>
        %dma_start3A_36 = tpu.memref_slice %arg4[%add3A_35] : memref<327680xi32, #tpu.memory_space<hbm>> -> memref<128xi32, #tpu.memory_space<hbm>>
        tpu.enqueue_dma source(%dma_start3A_36 : memref<128xi32, #tpu.memory_space<hbm>>) target(%arg8 : memref<128xi32, #tpu.memory_space<vmem>>) target_semaphore(%run_scoped3A : memref<!tpu.dma_semaphore, #tpu.memory_space<semaphore_mem>>)
        %dma_wait3A = tpu.memref_slice %arg4[%add3A_35] : memref<327680xi32, #tpu.memory_space<hbm>> -> memref<128xi32, #tpu.memory_space<hbm>>
        %dma_wait3A_37 = tpu.memref_slice %arg4[%add3A_35] : memref<327680xi32, #tpu.memory_space<hbm>> -> memref<128xi32, #tpu.memory_space<hbm>>
        tpu.wait_dma2 semaphore(%run_scoped3A : memref<!tpu.dma_semaphore, #tpu.memory_space<semaphore_mem>>) src(%dma_wait3A_37 : memref<128xi32, #tpu.memory_space<hbm>>) dst(%arg8 : memref<128xi32, #tpu.memory_space<vmem>>)
        tpu.yield
      }) : () -> ()
      "tpu.region"() ({
        %run_scoped3A = tpu.sem_alloc : memref<!tpu.dma_semaphore, #tpu.memory_space<semaphore_mem>>
        %dma_start3A = arith.constant 0 : i32
        %dma_start3A_36 = arith.constant 0 : i32
        %dma_start3A_37 = tpu.memref_slice %arg2[%dma_start3A, %dma_start3A_36] : memref<10240x128xf32, #tpu.memory_space<hbm>> -> memref<10240x128xf32, #tpu.memory_space<hbm>>
        tpu.enqueue_indirect_dma source(%dma_start3A_37 : memref<10240x128xf32, #tpu.memory_space<hbm>>) target(%arg9 : memref<128x128xf32, #tpu.memory_space<vmem>>) offsets(%arg7 : memref<128xi32, #tpu.memory_space<vmem>>) semaphore(%run_scoped3A : memref<!tpu.dma_semaphore, #tpu.memory_space<semaphore_mem>>)
        %dma_wait3A = arith.constant 0 : i32
        %dma_wait3A_38 = arith.constant 0 : i32
        %dma_wait3A_39 = tpu.memref_slice %arg2[%dma_wait3A, %dma_wait3A_38] : memref<10240x128xf32, #tpu.memory_space<hbm>> -> memref<10240x128xf32, #tpu.memory_space<hbm>>
        tpu.wait_indirect_dma semaphore(%run_scoped3A : memref<!tpu.dma_semaphore, #tpu.memory_space<semaphore_mem>>) src(%dma_wait3A_39 : memref<10240x128xf32, #tpu.memory_space<hbm>>) dst(%arg9 : memref<128x128xf32, #tpu.memory_space<vmem>>)
        tpu.yield
      }) : () -> ()
      "tpu.region"() ({
        %run_scoped3A = tpu.sem_alloc : memref<!tpu.dma_semaphore, #tpu.memory_space<semaphore_mem>>
        %dma_start3A = arith.constant 0 : i32
        %dma_start3A_36 = arith.constant 0 : i32
        %dma_start3A_37 = tpu.memref_slice %arg10[%dma_start3A, %dma_start3A_36] : memref<10240x128xf32, #tpu.memory_space<vmem_shared>> -> memref<10240x128xf32, #tpu.memory_space<vmem_shared>>
        tpu.enqueue_indirect_dma source(%arg9 : memref<128x128xf32, #tpu.memory_space<vmem>>) target(%dma_start3A_37 : memref<10240x128xf32, #tpu.memory_space<vmem_shared>>) offsets(%arg8 : memref<128xi32, #tpu.memory_space<vmem>>) semaphore(%run_scoped3A : memref<!tpu.dma_semaphore, #tpu.memory_space<semaphore_mem>>) {add = true}
        %dma_wait3A = arith.constant 0 : i32
        %dma_wait3A_38 = arith.constant 0 : i32
        %dma_wait3A_39 = tpu.memref_slice %arg10[%dma_wait3A, %dma_wait3A_38] : memref<10240x128xf32, #tpu.memory_space<vmem_shared>> -> memref<10240x128xf32, #tpu.memory_space<vmem_shared>>
        tpu.wait_indirect_dma semaphore(%run_scoped3A : memref<!tpu.dma_semaphore, #tpu.memory_space<semaphore_mem>>) src(%arg9 : memref<128x128xf32, #tpu.memory_space<vmem>>) dst(%dma_wait3A_39 : memref<10240x128xf32, #tpu.memory_space<vmem_shared>>)
        tpu.yield
      }) : () -> ()
    }
    %scan3A_18 = arith.constant 80 : i32
    %barrier3A_19 = arith.constant 0 : index
    tpu.barrier barrier_id(%barrier3A_19)
    %scan3A_20 = arith.constant 0 : i32
    %scan3A_21 = arith.constant 5 : i32
    %scan3A_22 = arith.addi %scan3A_20, %scan3A_21 : i32
    %scan3A_23 = arith.constant 1 : i32
    scf.for %scan3A_25 = %scan3A_20 to %scan3A_22 step %scan3A_23  : i32 {
      %mul3A_26 = arith.constant 1 : i32
      %mul3A_27 = arith.muli %scan3A_25, %mul3A_26 : i32
      %add3A_28 = arith.constant 0 : i32
      %add3A_29 = arith.addi %add3A_28, %mul3A_27 : i32
      %mul3A_30 = arith.constant 640 : i32
      %mul3A_31 = arith.muli %arg1, %mul3A_30 : i32
      %mul3A_32 = arith.constant 128 : i32
      %mul3A_33 = arith.muli %add3A_29, %mul3A_32 : i32
      %add3A_34 = arith.addi %mul3A_31, %mul3A_33 : i32
      %mul3A_35 = arith.constant 10240 : i32
      %mul3A_36 = arith.muli %arg0, %mul3A_35 : i32
      %mul3A_37 = arith.constant 640 : i32
      %mul3A_38 = arith.muli %arg1, %mul3A_37 : i32
      %add3A_39 = arith.addi %mul3A_36, %mul3A_38 : i32
      %mul3A_40 = arith.constant 128 : i32
      %mul3A_41 = arith.muli %add3A_29, %mul3A_40 : i32
      %add3A_42 = arith.addi %add3A_39, %mul3A_41 : i32
      "tpu.region"() ({
        %run_scoped3A = tpu.sem_alloc : memref<!tpu.dma_semaphore, #tpu.memory_space<semaphore_mem>>
        %dma_start3A = arith.constant 0 : i32
        %dma_start3A_43 = tpu.memref_slice %arg5[%add3A_42, %dma_start3A] : memref<20480x128xf32, #tpu.memory_space<hbm>> -> memref<128x128xf32, #tpu.memory_space<hbm>>
        %dma_start3A_44 = arith.constant 0 : i32
        %dma_start3A_45 = tpu.memref_slice %arg10[%add3A_34, %dma_start3A_44] : memref<10240x128xf32, #tpu.memory_space<vmem_shared>> -> memref<128x128xf32, #tpu.memory_space<vmem_shared>>
        tpu.enqueue_dma source(%dma_start3A_45 : memref<128x128xf32, #tpu.memory_space<vmem_shared>>) target(%dma_start3A_43 : memref<128x128xf32, #tpu.memory_space<hbm>>) target_semaphore(%run_scoped3A : memref<!tpu.dma_semaphore, #tpu.memory_space<semaphore_mem>>)
        %dma_wait3A = arith.constant 0 : i32
        %dma_wait3A_46 = tpu.memref_slice %arg5[%add3A_42, %dma_wait3A] : memref<20480x128xf32, #tpu.memory_space<hbm>> -> memref<128x128xf32, #tpu.memory_space<hbm>>
        %dma_wait3A_47 = arith.constant 0 : i32
        %dma_wait3A_48 = tpu.memref_slice %arg10[%add3A_34, %dma_wait3A_47] : memref<10240x128xf32, #tpu.memory_space<vmem_shared>> -> memref<128x128xf32, #tpu.memory_space<vmem_shared>>
        tpu.wait_dma2 semaphore(%run_scoped3A : memref<!tpu.dma_semaphore, #tpu.memory_space<semaphore_mem>>) src(%dma_wait3A_48 : memref<128x128xf32, #tpu.memory_space<vmem_shared>>) dst(%dma_wait3A_46 : memref<128x128xf32, #tpu.memory_space<hbm>>)
        tpu.yield
      }) : () -> ()
    }
    %scan3A_24 = arith.constant 5 : i32
    return
  }
}

#map = affine_map<(d0, d1) -> (0, 0)>
#map1 = affine_map<(d0, d1) -> (0)>
module attributes {stable_mosaic.version = 14 : i64} {
  func.func @_agg_body(%arg0: i32, %arg1: i32, %arg2: memref<10240x128xf32, #tpu.memory_space<hbm>>, %arg3: memref<327680xi32, #tpu.memory_space<hbm>>, %arg4: memref<327680xi32, #tpu.memory_space<hbm>>, %arg5: memref<20480x128xf32, #tpu.memory_space<hbm>>, %arg6: memref<16x128xf32, #tpu.memory_space<vmem>>, %arg7: memref<128xi32, #tpu.memory_space<vmem>>, %arg8: memref<128xi32, #tpu.memory_space<vmem>>, %arg9: memref<128x128xf32, #tpu.memory_space<vmem>>, %arg10: memref<10240x128xf32, #tpu.memory_space<vmem_shared>>, %arg11: memref<!tpu.dma_semaphore, #tpu.memory_space<semaphore_mem>>, %arg12: memref<!tpu.dma_semaphore, #tpu.memory_space<semaphore_mem>>, %arg13: memref<!tpu.dma_semaphore, #tpu.memory_space<semaphore_mem>>, %arg14: memref<!tpu.dma_semaphore, #tpu.memory_space<semaphore_mem>>) attributes {dimension_semantics = [#tpu.dimension_semantics<core_parallel>, #tpu.dimension_semantics<subcore_parallel>], iteration_bounds = array<i64: 2, 16>, scalar_prefetch = 0 : i64, scratch_operands = 9 : i64, tpu.core_type = #tpu.core_type<sc_vector_subcore>, window_params = [{transform_indices = #map}, {transform_indices = #map1}, {transform_indices = #map1}, {transform_indices = #map}]} {
    %scan3A = arith.constant 0 : i32
    %scan3A_0 = arith.constant 16 : i32
    %scan3A_1 = arith.addi %scan3A, %scan3A_0 : i32
    %scan3A_2 = arith.constant 1 : i32
    scf.for %scan3A_25 = %scan3A to %scan3A_1 step %scan3A_2  : i32 {
      %mul3A_26 = arith.constant 1 : i32
      %mul3A_27 = arith.muli %scan3A_25, %mul3A_26 : i32
      %add3A_28 = arith.constant 0 : i32
      %add3A_29 = arith.addi %add3A_28, %mul3A_27 : i32
      %scan3A_30 = arith.constant 0 : i32
      %scan3A_31 = arith.constant 8 : i32
      %scan3A_32 = arith.addi %scan3A_30, %scan3A_31 : i32
      %scan3A_33 = arith.constant 1 : i32
      scf.for %scan3A_35 = %scan3A_30 to %scan3A_32 step %scan3A_33  : i32 {
        %mul3A_36 = arith.constant 1 : i32
        %mul3A_37 = arith.muli %scan3A_35, %mul3A_36 : i32
        %add3A_38 = arith.constant 0 : i32
        %add3A_39 = arith.addi %add3A_38, %mul3A_37 : i32
        %broadcast_in_dim3A = arith.constant 0.000000e+00 : f32
        %broadcast_in_dim3A_40 = vector.broadcast %broadcast_in_dim3A : f32 to vector<16xf32>
        %mul3A_41 = arith.constant 16 : i32
        %mul3A_42 = arith.muli %add3A_39, %mul3A_41 : i32
        %swap3A = arith.index_cast %add3A_29 : i32 to index
        %swap3A_43 = arith.index_cast %mul3A_42 : i32 to index
        %swap3A_44 = tpu.vector_load %arg6[%swap3A, %swap3A_43] {strides = array<i32>} : memref<16x128xf32, #tpu.memory_space<vmem>>, vector<1x16xf32>,
        %swap3A_45 = vector.shape_cast %swap3A_44 : vector<1x16xf32> to vector<16xf32>
        %swap3A_46 = vector.shape_cast %broadcast_in_dim3A_40 : vector<16xf32> to vector<1x16xf32>
        tpu.vector_store %arg6[%swap3A, %swap3A_43], %swap3A_46 {strides = array<i32>} : memref<16x128xf32, #tpu.memory_space<vmem>>, vector<1x16xf32>,
      }
      %scan3A_34 = arith.constant 8 : i32
    }
    %scan3A_3 = arith.constant 16 : i32
    %scan3A_4 = arith.constant 0 : i32
    %scan3A_5 = arith.constant 40 : i32
    %scan3A_6 = arith.addi %scan3A_4, %scan3A_5 : i32
    %scan3A_7 = arith.constant 1 : i32
    scf.for %scan3A_25 = %scan3A_4 to %scan3A_6 step %scan3A_7  : i32 {
      %mul3A_26 = arith.constant 1 : i32
      %mul3A_27 = arith.muli %scan3A_25, %mul3A_26 : i32
      %add3A_28 = arith.constant 0 : i32
      %add3A_29 = arith.addi %add3A_28, %mul3A_27 : i32
      %mul3A_30 = arith.constant 640 : i32
      %mul3A_31 = arith.muli %arg1, %mul3A_30 : i32
      %mul3A_32 = arith.constant 16 : i32
      %mul3A_33 = arith.muli %add3A_29, %mul3A_32 : i32
      %add3A_34 = arith.addi %mul3A_31, %mul3A_33 : i32
      "tpu.region"() ({
        %run_scoped3A = tpu.sem_alloc : memref<!tpu.dma_semaphore, #tpu.memory_space<semaphore_mem>>
        %dma_start3A = arith.constant 0 : i32
        %dma_start3A_35 = tpu.memref_slice %arg10[%add3A_34, %dma_start3A] : memref<10240x128xf32, #tpu.memory_space<vmem_shared>> -> memref<16x128xf32, #tpu.memory_space<vmem_shared>>
        %dma_start3A_36 = arith.constant 0 : i32
        %dma_start3A_37 = tpu.memref_slice %arg10[%add3A_34, %dma_start3A_36] : memref<10240x128xf32, #tpu.memory_space<vmem_shared>> -> memref<16x128xf32, #tpu.memory_space<vmem_shared>>
        tpu.enqueue_dma source(%arg6 : memref<16x128xf32, #tpu.memory_space<vmem>>) target(%dma_start3A_37 : memref<16x128xf32, #tpu.memory_space<vmem_shared>>) target_semaphore(%run_scoped3A : memref<!tpu.dma_semaphore, #tpu.memory_space<semaphore_mem>>)
        %dma_wait3A = arith.constant 0 : i32
        %dma_wait3A_38 = tpu.memref_slice %arg10[%add3A_34, %dma_wait3A] : memref<10240x128xf32, #tpu.memory_space<vmem_shared>> -> memref<16x128xf32, #tpu.memory_space<vmem_shared>>
        %dma_wait3A_39 = arith.constant 0 : i32
        %dma_wait3A_40 = tpu.memref_slice %arg10[%add3A_34, %dma_wait3A_39] : memref<10240x128xf32, #tpu.memory_space<vmem_shared>> -> memref<16x128xf32, #tpu.memory_space<vmem_shared>>
        tpu.wait_dma2 semaphore(%run_scoped3A : memref<!tpu.dma_semaphore, #tpu.memory_space<semaphore_mem>>) src(%arg6 : memref<16x128xf32, #tpu.memory_space<vmem>>) dst(%dma_wait3A_40 : memref<16x128xf32, #tpu.memory_space<vmem_shared>>)
        tpu.yield
      }) : () -> ()
    }
    %scan3A_8 = arith.constant 40 : i32
    %barrier3A = arith.constant 0 : index
    tpu.barrier barrier_id(%barrier3A)
    %mul3A = arith.constant 1280 : i32
    %mul3A_9 = arith.muli %arg0, %mul3A : i32
    %mul3A_10 = arith.constant 80 : i32
    %mul3A_11 = arith.muli %arg1, %mul3A_10 : i32
    %add3A = arith.addi %mul3A_9, %mul3A_11 : i32
    %mul3A_12 = arith.constant 128 : i32
    %mul3A_13 = arith.muli %add3A, %mul3A_12 : i32
    %scan3A_14 = arith.constant 0 : i32
    %scan3A_15 = arith.constant 80 : i32
    %scan3A_16 = arith.addi %scan3A_14, %scan3A_15 : i32
    %scan3A_17 = arith.constant 1 : i32
    scf.for %scan3A_25 = %scan3A_14 to %scan3A_16 step %scan3A_17  : i32 {
      %mul3A_26 = arith.constant 1 : i32
      %mul3A_27 = arith.muli %scan3A_25, %mul3A_26 : i32
      %add3A_28 = arith.constant 0 : i32
      %add3A_29 = arith.addi %add3A_28, %mul3A_27 : i32
      %mul3A_30 = arith.constant 128 : i32
      %mul3A_31 = arith.muli %add3A_29, %mul3A_30 : i32
      %add3A_32 = arith.addi %mul3A_13, %mul3A_31 : i32
      "tpu.region"() ({
        %run_scoped3A = tpu.sem_alloc : memref<!tpu.dma_semaphore, #tpu.memory_space<semaphore_mem>>
        %dma_start3A = tpu.memref_slice %arg3[%add3A_32] : memref<327680xi32, #tpu.memory_space<hbm>> -> memref<128xi32, #tpu.memory_space<hbm>>
        %dma_start3A_36 = tpu.memref_slice %arg3[%add3A_32] : memref<327680xi32, #tpu.memory_space<hbm>> -> memref<128xi32, #tpu.memory_space<hbm>>
        tpu.enqueue_dma source(%dma_start3A_36 : memref<128xi32, #tpu.memory_space<hbm>>) target(%arg7 : memref<128xi32, #tpu.memory_space<vmem>>) target_semaphore(%run_scoped3A : memref<!tpu.dma_semaphore, #tpu.memory_space<semaphore_mem>>)
        %dma_wait3A = tpu.memref_slice %arg3[%add3A_32] : memref<327680xi32, #tpu.memory_space<hbm>> -> memref<128xi32, #tpu.memory_space<hbm>>
        %dma_wait3A_37 = tpu.memref_slice %arg3[%add3A_32] : memref<327680xi32, #tpu.memory_space<hbm>> -> memref<128xi32, #tpu.memory_space<hbm>>
        tpu.wait_dma2 semaphore(%run_scoped3A : memref<!tpu.dma_semaphore, #tpu.memory_space<semaphore_mem>>) src(%dma_wait3A_37 : memref<128xi32, #tpu.memory_space<hbm>>) dst(%arg7 : memref<128xi32, #tpu.memory_space<vmem>>)
        tpu.yield
      }) : () -> ()
      %mul3A_33 = arith.constant 128 : i32
      %mul3A_34 = arith.muli %add3A_29, %mul3A_33 : i32
      %add3A_35 = arith.addi %mul3A_13, %mul3A_34 : i32
      "tpu.region"() ({
        %run_scoped3A = tpu.sem_alloc : memref<!tpu.dma_semaphore, #tpu.memory_space<semaphore_mem>>
        %dma_start3A = tpu.memref_slice %arg4[%add3A_35] : memref<327680xi32, #tpu.memory_space<hbm>> -> memref<128xi32, #tpu.memory_space<hbm>>
        %dma_start3A_36 = tpu.memref_slice %arg4[%add3A_35] : memref<327680xi32, #tpu.memory_space<hbm>> -> memref<128xi32, #tpu.memory_space<hbm>>
        tpu.enqueue_dma source(%dma_start3A_36 : memref<128xi32, #tpu.memory_space<hbm>>) target(%arg8 : memref<128xi32, #tpu.memory_space<vmem>>) target_semaphore(%run_scoped3A : memref<!tpu.dma_semaphore, #tpu.memory_space<semaphore_mem>>)
        %dma_wait3A = tpu.memref_slice %arg4[%add3A_35] : memref<327680xi32, #tpu.memory_space<hbm>> -> memref<128xi32, #tpu.memory_space<hbm>>
        %dma_wait3A_37 = tpu.memref_slice %arg4[%add3A_35] : memref<327680xi32, #tpu.memory_space<hbm>> -> memref<128xi32, #tpu.memory_space<hbm>>
        tpu.wait_dma2 semaphore(%run_scoped3A : memref<!tpu.dma_semaphore, #tpu.memory_space<semaphore_mem>>) src(%dma_wait3A_37 : memref<128xi32, #tpu.memory_space<hbm>>) dst(%arg8 : memref<128xi32, #tpu.memory_space<vmem>>)
        tpu.yield
      }) : () -> ()
      "tpu.region"() ({
        %run_scoped3A = tpu.sem_alloc : memref<!tpu.dma_semaphore, #tpu.memory_space<semaphore_mem>>
        %dma_start3A = arith.constant 0 : i32
        %dma_start3A_36 = arith.constant 0 : i32
        %dma_start3A_37 = tpu.memref_slice %arg2[%dma_start3A, %dma_start3A_36] : memref<10240x128xf32, #tpu.memory_space<hbm>> -> memref<10240x128xf32, #tpu.memory_space<hbm>>
        tpu.enqueue_indirect_dma source(%dma_start3A_37 : memref<10240x128xf32, #tpu.memory_space<hbm>>) target(%arg9 : memref<128x128xf32, #tpu.memory_space<vmem>>) offsets(%arg7 : memref<128xi32, #tpu.memory_space<vmem>>) semaphore(%run_scoped3A : memref<!tpu.dma_semaphore, #tpu.memory_space<semaphore_mem>>)
        %dma_wait3A = arith.constant 0 : i32
        %dma_wait3A_38 = arith.constant 0 : i32
        %dma_wait3A_39 = tpu.memref_slice %arg2[%dma_wait3A, %dma_wait3A_38] : memref<10240x128xf32, #tpu.memory_space<hbm>> -> memref<10240x128xf32, #tpu.memory_space<hbm>>
        tpu.wait_indirect_dma semaphore(%run_scoped3A : memref<!tpu.dma_semaphore, #tpu.memory_space<semaphore_mem>>) src(%dma_wait3A_39 : memref<10240x128xf32, #tpu.memory_space<hbm>>) dst(%arg9 : memref<128x128xf32, #tpu.memory_space<vmem>>)
        tpu.yield
      }) : () -> ()
      "tpu.region"() ({
        %run_scoped3A = tpu.sem_alloc : memref<!tpu.dma_semaphore, #tpu.memory_space<semaphore_mem>>
        %dma_start3A = arith.constant 0 : i32
        %dma_start3A_36 = arith.constant 0 : i32
        %dma_start3A_37 = tpu.memref_slice %arg10[%dma_start3A, %dma_start3A_36] : memref<10240x128xf32, #tpu.memory_space<vmem_shared>> -> memref<10240x128xf32, #tpu.memory_space<vmem_shared>>
        tpu.enqueue_indirect_dma source(%arg9 : memref<128x128xf32, #tpu.memory_space<vmem>>) target(%dma_start3A_37 : memref<10240x128xf32, #tpu.memory_space<vmem_shared>>) offsets(%arg8 : memref<128xi32, #tpu.memory_space<vmem>>) semaphore(%run_scoped3A : memref<!tpu.dma_semaphore, #tpu.memory_space<semaphore_mem>>) {add = true}
        %dma_wait3A = arith.constant 0 : i32
        %dma_wait3A_38 = arith.constant 0 : i32
        %dma_wait3A_39 = tpu.memref_slice %arg10[%dma_wait3A, %dma_wait3A_38] : memref<10240x128xf32, #tpu.memory_space<vmem_shared>> -> memref<10240x128xf32, #tpu.memory_space<vmem_shared>>
        tpu.wait_indirect_dma semaphore(%run_scoped3A : memref<!tpu.dma_semaphore, #tpu.memory_space<semaphore_mem>>) src(%arg9 : memref<128x128xf32, #tpu.memory_space<vmem>>) dst(%dma_wait3A_39 : memref<10240x128xf32, #tpu.memory_space<vmem_shared>>)
        tpu.yield
      }) : () -> ()
    }
    %scan3A_18 = arith.constant 80 : i32
    %barrier3A_19 = arith.constant 0 : index
    tpu.barrier barrier_id(%barrier3A_19)
    %scan3A_20 = arith.constant 0 : i32
    %scan3A_21 = arith.constant 5 : i32
    %scan3A_22 = arith.addi %scan3A_20, %scan3A_21 : i32
    %scan3A_23 = arith.constant 1 : i32
    scf.for %scan3A_25 = %scan3A_20 to %scan3A_22 step %scan3A_23  : i32 {
      %mul3A_26 = arith.constant 1 : i32
      %mul3A_27 = arith.muli %scan3A_25, %mul3A_26 : i32
      %add3A_28 = arith.constant 0 : i32
      %add3A_29 = arith.addi %add3A_28, %mul3A_27 : i32
      %mul3A_30 = arith.constant 640 : i32
      %mul3A_31 = arith.muli %arg1, %mul3A_30 : i32
      %mul3A_32 = arith.constant 128 : i32
      %mul3A_33 = arith.muli %add3A_29, %mul3A_32 : i32
      %add3A_34 = arith.addi %mul3A_31, %mul3A_33 : i32
      %mul3A_35 = arith.constant 10240 : i32
      %mul3A_36 = arith.muli %arg0, %mul3A_35 : i32
      %mul3A_37 = arith.constant 640 : i32
      %mul3A_38 = arith.muli %arg1, %mul3A_37 : i32
      %add3A_39 = arith.addi %mul3A_36, %mul3A_38 : i32
      %mul3A_40 = arith.constant 128 : i32
      %mul3A_41 = arith.muli %add3A_29, %mul3A_40 : i32
      %add3A_42 = arith.addi %add3A_39, %mul3A_41 : i32
      "tpu.region"() ({
        %run_scoped3A = tpu.sem_alloc : memref<!tpu.dma_semaphore, #tpu.memory_space<semaphore_mem>>
        %dma_start3A = arith.constant 0 : i32
        %dma_start3A_43 = tpu.memref_slice %arg5[%add3A_42, %dma_start3A] : memref<20480x128xf32, #tpu.memory_space<hbm>> -> memref<128x128xf32, #tpu.memory_space<hbm>>
        %dma_start3A_44 = arith.constant 0 : i32
        %dma_start3A_45 = tpu.memref_slice %arg10[%add3A_34, %dma_start3A_44] : memref<10240x128xf32, #tpu.memory_space<vmem_shared>> -> memref<128x128xf32, #tpu.memory_space<vmem_shared>>
        tpu.enqueue_dma source(%dma_start3A_45 : memref<128x128xf32, #tpu.memory_space<vmem_shared>>) target(%dma_start3A_43 : memref<128x128xf32, #tpu.memory_space<hbm>>) target_semaphore(%run_scoped3A : memref<!tpu.dma_semaphore, #tpu.memory_space<semaphore_mem>>)
        %dma_wait3A = arith.constant 0 : i32
        %dma_wait3A_46 = tpu.memref_slice %arg5[%add3A_42, %dma_wait3A] : memref<20480x128xf32, #tpu.memory_space<hbm>> -> memref<128x128xf32, #tpu.memory_space<hbm>>
        %dma_wait3A_47 = arith.constant 0 : i32
        %dma_wait3A_48 = tpu.memref_slice %arg10[%add3A_34, %dma_wait3A_47] : memref<10240x128xf32, #tpu.memory_space<vmem_shared>> -> memref<128x128xf32, #tpu.memory_space<vmem_shared>>
        tpu.wait_dma2 semaphore(%run_scoped3A : memref<!tpu.dma_semaphore, #tpu.memory_space<semaphore_mem>>) src(%dma_wait3A_48 : memref<128x128xf32, #tpu.memory_space<vmem_shared>>) dst(%dma_wait3A_46 : memref<128x128xf32, #tpu.memory_space<hbm>>)
        tpu.yield
      }) : () -> ()
    }
    %scan3A_24 = arith.constant 5 : i32
    return
  }
}

#map = affine_map<(d0, d1) -> (0, 0)>
#map1 = affine_map<(d0, d1) -> (0)>
module attributes {stable_mosaic.version = 14 : i64} {
  func.func @_agg_body(%arg0: i32, %arg1: i32, %arg2: memref<10240x128xf32, #tpu.memory_space<hbm>>, %arg3: memref<327680xi32, #tpu.memory_space<hbm>>, %arg4: memref<327680xi32, #tpu.memory_space<hbm>>, %arg5: memref<20480x128xf32, #tpu.memory_space<hbm>>, %arg6: memref<16x128xf32, #tpu.memory_space<vmem>>, %arg7: memref<128xi32, #tpu.memory_space<vmem>>, %arg8: memref<128xi32, #tpu.memory_space<vmem>>, %arg9: memref<128x128xf32, #tpu.memory_space<vmem>>, %arg10: memref<10240x128xf32, #tpu.memory_space<vmem_shared>>, %arg11: memref<!tpu.dma_semaphore, #tpu.memory_space<semaphore_mem>>, %arg12: memref<!tpu.dma_semaphore, #tpu.memory_space<semaphore_mem>>, %arg13: memref<!tpu.dma_semaphore, #tpu.memory_space<semaphore_mem>>, %arg14: memref<!tpu.dma_semaphore, #tpu.memory_space<semaphore_mem>>) attributes {dimension_semantics = [#tpu.dimension_semantics<core_parallel>, #tpu.dimension_semantics<subcore_parallel>], iteration_bounds = array<i64: 2, 16>, scalar_prefetch = 0 : i64, scratch_operands = 9 : i64, tpu.core_type = #tpu.core_type<sc_vector_subcore>, window_params = [{transform_indices = #map}, {transform_indices = #map1}, {transform_indices = #map1}, {transform_indices = #map}]} {
    %scan3A = arith.constant 0 : i32
    %scan3A_0 = arith.constant 16 : i32
    %scan3A_1 = arith.addi %scan3A, %scan3A_0 : i32
    %scan3A_2 = arith.constant 1 : i32
    scf.for %scan3A_25 = %scan3A to %scan3A_1 step %scan3A_2  : i32 {
      %mul3A_26 = arith.constant 1 : i32
      %mul3A_27 = arith.muli %scan3A_25, %mul3A_26 : i32
      %add3A_28 = arith.constant 0 : i32
      %add3A_29 = arith.addi %add3A_28, %mul3A_27 : i32
      %scan3A_30 = arith.constant 0 : i32
      %scan3A_31 = arith.constant 8 : i32
      %scan3A_32 = arith.addi %scan3A_30, %scan3A_31 : i32
      %scan3A_33 = arith.constant 1 : i32
      scf.for %scan3A_35 = %scan3A_30 to %scan3A_32 step %scan3A_33  : i32 {
        %mul3A_36 = arith.constant 1 : i32
        %mul3A_37 = arith.muli %scan3A_35, %mul3A_36 : i32
        %add3A_38 = arith.constant 0 : i32
        %add3A_39 = arith.addi %add3A_38, %mul3A_37 : i32
        %broadcast_in_dim3A = arith.constant 0.000000e+00 : f32
        %broadcast_in_dim3A_40 = vector.broadcast %broadcast_in_dim3A : f32 to vector<16xf32>
        %mul3A_41 = arith.constant 16 : i32
        %mul3A_42 = arith.muli %add3A_39, %mul3A_41 : i32
        %swap3A = arith.index_cast %add3A_29 : i32 to index
        %swap3A_43 = arith.index_cast %mul3A_42 : i32 to index
        %swap3A_44 = tpu.vector_load %arg6[%swap3A, %swap3A_43] {strides = array<i32>} : memref<16x128xf32, #tpu.memory_space<vmem>>, vector<1x16xf32>,
        %swap3A_45 = vector.shape_cast %swap3A_44 : vector<1x16xf32> to vector<16xf32>
        %swap3A_46 = vector.shape_cast %broadcast_in_dim3A_40 : vector<16xf32> to vector<1x16xf32>
        tpu.vector_store %arg6[%swap3A, %swap3A_43], %swap3A_46 {strides = array<i32>} : memref<16x128xf32, #tpu.memory_space<vmem>>, vector<1x16xf32>,
      }
      %scan3A_34 = arith.constant 8 : i32
    }
    %scan3A_3 = arith.constant 16 : i32
    %scan3A_4 = arith.constant 0 : i32
    %scan3A_5 = arith.constant 40 : i32
    %scan3A_6 = arith.addi %scan3A_4, %scan3A_5 : i32
    %scan3A_7 = arith.constant 1 : i32
    scf.for %scan3A_25 = %scan3A_4 to %scan3A_6 step %scan3A_7  : i32 {
      %mul3A_26 = arith.constant 1 : i32
      %mul3A_27 = arith.muli %scan3A_25, %mul3A_26 : i32
      %add3A_28 = arith.constant 0 : i32
      %add3A_29 = arith.addi %add3A_28, %mul3A_27 : i32
      %mul3A_30 = arith.constant 640 : i32
      %mul3A_31 = arith.muli %arg1, %mul3A_30 : i32
      %mul3A_32 = arith.constant 16 : i32
      %mul3A_33 = arith.muli %add3A_29, %mul3A_32 : i32
      %add3A_34 = arith.addi %mul3A_31, %mul3A_33 : i32
      "tpu.region"() ({
        %run_scoped3A = tpu.sem_alloc : memref<!tpu.dma_semaphore, #tpu.memory_space<semaphore_mem>>
        %dma_start3A = arith.constant 0 : i32
        %dma_start3A_35 = tpu.memref_slice %arg10[%add3A_34, %dma_start3A] : memref<10240x128xf32, #tpu.memory_space<vmem_shared>> -> memref<16x128xf32, #tpu.memory_space<vmem_shared>>
        %dma_start3A_36 = arith.constant 0 : i32
        %dma_start3A_37 = tpu.memref_slice %arg10[%add3A_34, %dma_start3A_36] : memref<10240x128xf32, #tpu.memory_space<vmem_shared>> -> memref<16x128xf32, #tpu.memory_space<vmem_shared>>
        tpu.enqueue_dma source(%arg6 : memref<16x128xf32, #tpu.memory_space<vmem>>) target(%dma_start3A_37 : memref<16x128xf32, #tpu.memory_space<vmem_shared>>) target_semaphore(%run_scoped3A : memref<!tpu.dma_semaphore, #tpu.memory_space<semaphore_mem>>)
        %dma_wait3A = arith.constant 0 : i32
        %dma_wait3A_38 = tpu.memref_slice %arg10[%add3A_34, %dma_wait3A] : memref<10240x128xf32, #tpu.memory_space<vmem_shared>> -> memref<16x128xf32, #tpu.memory_space<vmem_shared>>
        %dma_wait3A_39 = arith.constant 0 : i32
        %dma_wait3A_40 = tpu.memref_slice %arg10[%add3A_34, %dma_wait3A_39] : memref<10240x128xf32, #tpu.memory_space<vmem_shared>> -> memref<16x128xf32, #tpu.memory_space<vmem_shared>>
        tpu.wait_dma2 semaphore(%run_scoped3A : memref<!tpu.dma_semaphore, #tpu.memory_space<semaphore_mem>>) src(%arg6 : memref<16x128xf32, #tpu.memory_space<vmem>>) dst(%dma_wait3A_40 : memref<16x128xf32, #tpu.memory_space<vmem_shared>>)
        tpu.yield
      }) : () -> ()
    }
    %scan3A_8 = arith.constant 40 : i32
    %barrier3A = arith.constant 0 : index
    tpu.barrier barrier_id(%barrier3A)
    %mul3A = arith.constant 1280 : i32
    %mul3A_9 = arith.muli %arg0, %mul3A : i32
    %mul3A_10 = arith.constant 80 : i32
    %mul3A_11 = arith.muli %arg1, %mul3A_10 : i32
    %add3A = arith.addi %mul3A_9, %mul3A_11 : i32
    %mul3A_12 = arith.constant 128 : i32
    %mul3A_13 = arith.muli %add3A, %mul3A_12 : i32
    %scan3A_14 = arith.constant 0 : i32
    %scan3A_15 = arith.constant 80 : i32
    %scan3A_16 = arith.addi %scan3A_14, %scan3A_15 : i32
    %scan3A_17 = arith.constant 1 : i32
    scf.for %scan3A_25 = %scan3A_14 to %scan3A_16 step %scan3A_17  : i32 {
      %mul3A_26 = arith.constant 1 : i32
      %mul3A_27 = arith.muli %scan3A_25, %mul3A_26 : i32
      %add3A_28 = arith.constant 0 : i32
      %add3A_29 = arith.addi %add3A_28, %mul3A_27 : i32
      %mul3A_30 = arith.constant 128 : i32
      %mul3A_31 = arith.muli %add3A_29, %mul3A_30 : i32
      %add3A_32 = arith.addi %mul3A_13, %mul3A_31 : i32
      "tpu.region"() ({
        %run_scoped3A = tpu.sem_alloc : memref<!tpu.dma_semaphore, #tpu.memory_space<semaphore_mem>>
        %dma_start3A = tpu.memref_slice %arg3[%add3A_32] : memref<327680xi32, #tpu.memory_space<hbm>> -> memref<128xi32, #tpu.memory_space<hbm>>
        %dma_start3A_36 = tpu.memref_slice %arg3[%add3A_32] : memref<327680xi32, #tpu.memory_space<hbm>> -> memref<128xi32, #tpu.memory_space<hbm>>
        tpu.enqueue_dma source(%dma_start3A_36 : memref<128xi32, #tpu.memory_space<hbm>>) target(%arg7 : memref<128xi32, #tpu.memory_space<vmem>>) target_semaphore(%run_scoped3A : memref<!tpu.dma_semaphore, #tpu.memory_space<semaphore_mem>>)
        %dma_wait3A = tpu.memref_slice %arg3[%add3A_32] : memref<327680xi32, #tpu.memory_space<hbm>> -> memref<128xi32, #tpu.memory_space<hbm>>
        %dma_wait3A_37 = tpu.memref_slice %arg3[%add3A_32] : memref<327680xi32, #tpu.memory_space<hbm>> -> memref<128xi32, #tpu.memory_space<hbm>>
        tpu.wait_dma2 semaphore(%run_scoped3A : memref<!tpu.dma_semaphore, #tpu.memory_space<semaphore_mem>>) src(%dma_wait3A_37 : memref<128xi32, #tpu.memory_space<hbm>>) dst(%arg7 : memref<128xi32, #tpu.memory_space<vmem>>)
        tpu.yield
      }) : () -> ()
      %mul3A_33 = arith.constant 128 : i32
      %mul3A_34 = arith.muli %add3A_29, %mul3A_33 : i32
      %add3A_35 = arith.addi %mul3A_13, %mul3A_34 : i32
      "tpu.region"() ({
        %run_scoped3A = tpu.sem_alloc : memref<!tpu.dma_semaphore, #tpu.memory_space<semaphore_mem>>
        %dma_start3A = tpu.memref_slice %arg4[%add3A_35] : memref<327680xi32, #tpu.memory_space<hbm>> -> memref<128xi32, #tpu.memory_space<hbm>>
        %dma_start3A_36 = tpu.memref_slice %arg4[%add3A_35] : memref<327680xi32, #tpu.memory_space<hbm>> -> memref<128xi32, #tpu.memory_space<hbm>>
        tpu.enqueue_dma source(%dma_start3A_36 : memref<128xi32, #tpu.memory_space<hbm>>) target(%arg8 : memref<128xi32, #tpu.memory_space<vmem>>) target_semaphore(%run_scoped3A : memref<!tpu.dma_semaphore, #tpu.memory_space<semaphore_mem>>)
        %dma_wait3A = tpu.memref_slice %arg4[%add3A_35] : memref<327680xi32, #tpu.memory_space<hbm>> -> memref<128xi32, #tpu.memory_space<hbm>>
        %dma_wait3A_37 = tpu.memref_slice %arg4[%add3A_35] : memref<327680xi32, #tpu.memory_space<hbm>> -> memref<128xi32, #tpu.memory_space<hbm>>
        tpu.wait_dma2 semaphore(%run_scoped3A : memref<!tpu.dma_semaphore, #tpu.memory_space<semaphore_mem>>) src(%dma_wait3A_37 : memref<128xi32, #tpu.memory_space<hbm>>) dst(%arg8 : memref<128xi32, #tpu.memory_space<vmem>>)
        tpu.yield
      }) : () -> ()
      "tpu.region"() ({
        %run_scoped3A = tpu.sem_alloc : memref<!tpu.dma_semaphore, #tpu.memory_space<semaphore_mem>>
        %dma_start3A = arith.constant 0 : i32
        %dma_start3A_36 = arith.constant 0 : i32
        %dma_start3A_37 = tpu.memref_slice %arg2[%dma_start3A, %dma_start3A_36] : memref<10240x128xf32, #tpu.memory_space<hbm>> -> memref<10240x128xf32, #tpu.memory_space<hbm>>
        tpu.enqueue_indirect_dma source(%dma_start3A_37 : memref<10240x128xf32, #tpu.memory_space<hbm>>) target(%arg9 : memref<128x128xf32, #tpu.memory_space<vmem>>) offsets(%arg7 : memref<128xi32, #tpu.memory_space<vmem>>) semaphore(%run_scoped3A : memref<!tpu.dma_semaphore, #tpu.memory_space<semaphore_mem>>)
        %dma_wait3A = arith.constant 0 : i32
        %dma_wait3A_38 = arith.constant 0 : i32
        %dma_wait3A_39 = tpu.memref_slice %arg2[%dma_wait3A, %dma_wait3A_38] : memref<10240x128xf32, #tpu.memory_space<hbm>> -> memref<10240x128xf32, #tpu.memory_space<hbm>>
        tpu.wait_indirect_dma semaphore(%run_scoped3A : memref<!tpu.dma_semaphore, #tpu.memory_space<semaphore_mem>>) src(%dma_wait3A_39 : memref<10240x128xf32, #tpu.memory_space<hbm>>) dst(%arg9 : memref<128x128xf32, #tpu.memory_space<vmem>>)
        tpu.yield
      }) : () -> ()
      "tpu.region"() ({
        %run_scoped3A = tpu.sem_alloc : memref<!tpu.dma_semaphore, #tpu.memory_space<semaphore_mem>>
        %dma_start3A = arith.constant 0 : i32
        %dma_start3A_36 = arith.constant 0 : i32
        %dma_start3A_37 = tpu.memref_slice %arg10[%dma_start3A, %dma_start3A_36] : memref<10240x128xf32, #tpu.memory_space<vmem_shared>> -> memref<10240x128xf32, #tpu.memory_space<vmem_shared>>
        tpu.enqueue_indirect_dma source(%arg9 : memref<128x128xf32, #tpu.memory_space<vmem>>) target(%dma_start3A_37 : memref<10240x128xf32, #tpu.memory_space<vmem_shared>>) offsets(%arg8 : memref<128xi32, #tpu.memory_space<vmem>>) semaphore(%run_scoped3A : memref<!tpu.dma_semaphore, #tpu.memory_space<semaphore_mem>>) {add = true}
        %dma_wait3A = arith.constant 0 : i32
        %dma_wait3A_38 = arith.constant 0 : i32
        %dma_wait3A_39 = tpu.memref_slice %arg10[%dma_wait3A, %dma_wait3A_38] : memref<10240x128xf32, #tpu.memory_space<vmem_shared>> -> memref<10240x128xf32, #tpu.memory_space<vmem_shared>>
        tpu.wait_indirect_dma semaphore(%run_scoped3A : memref<!tpu.dma_semaphore, #tpu.memory_space<semaphore_mem>>) src(%arg9 : memref<128x128xf32, #tpu.memory_space<vmem>>) dst(%dma_wait3A_39 : memref<10240x128xf32, #tpu.memory_space<vmem_shared>>)
        tpu.yield
      }) : () -> ()
    }
    %scan3A_18 = arith.constant 80 : i32
    %barrier3A_19 = arith.constant 0 : index
    tpu.barrier barrier_id(%barrier3A_19)
    %scan3A_20 = arith.constant 0 : i32
    %scan3A_21 = arith.constant 5 : i32
    %scan3A_22 = arith.addi %scan3A_20, %scan3A_21 : i32
    %scan3A_23 = arith.constant 1 : i32
    scf.for %scan3A_25 = %scan3A_20 to %scan3A_22 step %scan3A_23  : i32 {
      %mul3A_26 = arith.constant 1 : i32
      %mul3A_27 = arith.muli %scan3A_25, %mul3A_26 : i32
      %add3A_28 = arith.constant 0 : i32
      %add3A_29 = arith.addi %add3A_28, %mul3A_27 : i32
      %mul3A_30 = arith.constant 640 : i32
      %mul3A_31 = arith.muli %arg1, %mul3A_30 : i32
      %mul3A_32 = arith.constant 128 : i32
      %mul3A_33 = arith.muli %add3A_29, %mul3A_32 : i32
      %add3A_34 = arith.addi %mul3A_31, %mul3A_33 : i32
      %mul3A_35 = arith.constant 10240 : i32
      %mul3A_36 = arith.muli %arg0, %mul3A_35 : i32
      %mul3A_37 = arith.constant 640 : i32
      %mul3A_38 = arith.muli %arg1, %mul3A_37 : i32
      %add3A_39 = arith.addi %mul3A_36, %mul3A_38 : i32
      %mul3A_40 = arith.constant 128 : i32
      %mul3A_41 = arith.muli %add3A_29, %mul3A_40 : i32
      %add3A_42 = arith.addi %add3A_39, %mul3A_41 : i32
      "tpu.region"() ({
        %run_scoped3A = tpu.sem_alloc : memref<!tpu.dma_semaphore, #tpu.memory_space<semaphore_mem>>
        %dma_start3A = arith.constant 0 : i32
        %dma_start3A_43 = tpu.memref_slice %arg5[%add3A_42, %dma_start3A] : memref<20480x128xf32, #tpu.memory_space<hbm>> -> memref<128x128xf32, #tpu.memory_space<hbm>>
        %dma_start3A_44 = arith.constant 0 : i32
        %dma_start3A_45 = tpu.memref_slice %arg10[%add3A_34, %dma_start3A_44] : memref<10240x128xf32, #tpu.memory_space<vmem_shared>> -> memref<128x128xf32, #tpu.memory_space<vmem_shared>>
        tpu.enqueue_dma source(%dma_start3A_45 : memref<128x128xf32, #tpu.memory_space<vmem_shared>>) target(%dma_start3A_43 : memref<128x128xf32, #tpu.memory_space<hbm>>) target_semaphore(%run_scoped3A : memref<!tpu.dma_semaphore, #tpu.memory_space<semaphore_mem>>)
        %dma_wait3A = arith.constant 0 : i32
        %dma_wait3A_46 = tpu.memref_slice %arg5[%add3A_42, %dma_wait3A] : memref<20480x128xf32, #tpu.memory_space<hbm>> -> memref<128x128xf32, #tpu.memory_space<hbm>>
        %dma_wait3A_47 = arith.constant 0 : i32
        %dma_wait3A_48 = tpu.memref_slice %arg10[%add3A_34, %dma_wait3A_47] : memref<10240x128xf32, #tpu.memory_space<vmem_shared>> -> memref<128x128xf32, #tpu.memory_space<vmem_shared>>
        tpu.wait_dma2 semaphore(%run_scoped3A : memref<!tpu.dma_semaphore, #tpu.memory_space<semaphore_mem>>) src(%dma_wait3A_48 : memref<128x128xf32, #tpu.memory_space<vmem_shared>>) dst(%dma_wait3A_46 : memref<128x128xf32, #tpu.memory_space<hbm>>)
        tpu.yield
      }) : () -> ()
    }
    %scan3A_24 = arith.constant 5 : i32
    return
  }
}

#map = affine_map<(d0, d1) -> (0, 0)>
#map1 = affine_map<(d0, d1) -> (0, 0, 0)>
module attributes {stable_mosaic.version = 14 : i64} {
  func.func @_sc1_body(%arg0: i32, %arg1: i32, %arg2: memref<6200x128xf32, #tpu.memory_space<hbm>>, %arg3: memref<256x1x128xi32, #tpu.memory_space<hbm>>, %arg4: memref<32768x128xf32, #tpu.memory_space<hbm>>, %arg5: memref<8x1x128xi32, #tpu.memory_space<vmem>>, %arg6: memref<2x128x128xf32, #tpu.memory_space<vmem>>, %arg7: memref<!tpu.dma_semaphore, #tpu.memory_space<semaphore_mem>>, %arg8: memref<!tpu.dma_semaphore, #tpu.memory_space<semaphore_mem>>) attributes {dimension_semantics = [#tpu.dimension_semantics<core_parallel>, #tpu.dimension_semantics<subcore_parallel>], iteration_bounds = array<i64: 2, 16>, scalar_prefetch = 0 : i64, scratch_operands = 4 : i64, tpu.core_type = #tpu.core_type<sc_vector_subcore>, window_params = [{transform_indices = #map}, {transform_indices = #map1}, {transform_indices = #map}]} {
    %mul3A = arith.constant 16 : i32
    %mul3A_0 = arith.muli %arg0, %mul3A : i32
    %add3A = arith.addi %mul3A_0, %arg1 : i32
    %mul3A_1 = arith.constant 8 : i32
    %mul3A_2 = arith.muli %add3A, %mul3A_1 : i32
    "tpu.region"() ({
      %run_scoped3A_264 = tpu.sem_alloc : memref<!tpu.dma_semaphore, #tpu.memory_space<semaphore_mem>>
      %dma_start3A_265 = arith.constant 0 : i32
      %dma_start3A_266 = arith.constant 0 : i32
      %dma_start3A_267 = tpu.memref_slice %arg3[%mul3A_2, %dma_start3A_265, %dma_start3A_266] : memref<256x1x128xi32, #tpu.memory_space<hbm>> -> memref<8x1x128xi32, #tpu.memory_space<hbm>>
      %dma_start3A_268 = arith.constant 0 : i32
      %dma_start3A_269 = arith.constant 0 : i32
      %dma_start3A_270 = tpu.memref_slice %arg3[%mul3A_2, %dma_start3A_268, %dma_start3A_269] : memref<256x1x128xi32, #tpu.memory_space<hbm>> -> memref<8x1x128xi32, #tpu.memory_space<hbm>>
      tpu.enqueue_dma source(%dma_start3A_270 : memref<8x1x128xi32, #tpu.memory_space<hbm>>) target(%arg5 : memref<8x1x128xi32, #tpu.memory_space<vmem>>) target_semaphore(%run_scoped3A_264 : memref<!tpu.dma_semaphore, #tpu.memory_space<semaphore_mem>>)
      %dma_wait3A_271 = arith.constant 0 : i32
      %dma_wait3A_272 = arith.constant 0 : i32
      %dma_wait3A_273 = tpu.memref_slice %arg3[%mul3A_2, %dma_wait3A_271, %dma_wait3A_272] : memref<256x1x128xi32, #tpu.memory_space<hbm>> -> memref<8x1x128xi32, #tpu.memory_space<hbm>>
      %dma_wait3A_274 = arith.constant 0 : i32
      %dma_wait3A_275 = arith.constant 0 : i32
      %dma_wait3A_276 = tpu.memref_slice %arg3[%mul3A_2, %dma_wait3A_274, %dma_wait3A_275] : memref<256x1x128xi32, #tpu.memory_space<hbm>> -> memref<8x1x128xi32, #tpu.memory_space<hbm>>
      tpu.wait_dma2 semaphore(%run_scoped3A_264 : memref<!tpu.dma_semaphore, #tpu.memory_space<semaphore_mem>>) src(%dma_wait3A_276 : memref<8x1x128xi32, #tpu.memory_space<hbm>>) dst(%arg5 : memref<8x1x128xi32, #tpu.memory_space<vmem>>)
      tpu.yield
    }) : () -> ()
    %dma_start3A = arith.constant 0 : i32
    %dma_start3A_3 = arith.constant 0 : i32
    %dma_start3A_4 = arith.constant 0 : i32
    %dma_start3A_5 = arith.constant 0 : i32
    %dma_start3A_6 = arith.constant 0 : i32
    %dma_start3A_7 = tpu.memref_slice %arg6[%dma_start3A_4, %dma_start3A_5, %dma_start3A_6] : memref<2x128x128xf32, #tpu.memory_space<vmem>> -> memref<1x128x128xf32, #tpu.memory_space<vmem>>
    %dma_start3A_8 = tpu.memref_squeeze %dma_start3A_7 : memref<1x128x128xf32, #tpu.memory_space<vmem>> -> memref<128x128xf32, #tpu.memory_space<vmem>>
    %dma_start3A_9 = arith.constant 0 : i32
    %dma_start3A_10 = tpu.memref_slice %arg5[%dma_start3A, %dma_start3A_3, %dma_start3A_9] : memref<8x1x128xi32, #tpu.memory_space<vmem>> -> memref<1x1x128xi32, #tpu.memory_space<vmem>>
    %dma_start3A_11 = tpu.memref_squeeze %dma_start3A_10 : memref<1x1x128xi32, #tpu.memory_space<vmem>> -> memref<128xi32, #tpu.memory_space<vmem>>
    %dma_start3A_12 = arith.constant 0 : i32
    %dma_start3A_13 = arith.constant 0 : i32
    %dma_start3A_14 = tpu.memref_slice %arg2[%dma_start3A_12, %dma_start3A_13] : memref<6200x128xf32, #tpu.memory_space<hbm>> -> memref<6200x128xf32, #tpu.memory_space<hbm>>
    tpu.enqueue_indirect_dma source(%dma_start3A_14 : memref<6200x128xf32, #tpu.memory_space<hbm>>) target(%dma_start3A_8 : memref<128x128xf32, #tpu.memory_space<vmem>>) offsets(%dma_start3A_11 : memref<128xi32, #tpu.memory_space<vmem>>) semaphore(%arg7 : memref<!tpu.dma_semaphore, #tpu.memory_space<semaphore_mem>>)
    %dma_wait3A = arith.constant 0 : i32
    %dma_wait3A_15 = arith.constant 0 : i32
    %dma_wait3A_16 = arith.constant 0 : i32
    %dma_wait3A_17 = arith.constant 0 : i32
    %dma_wait3A_18 = arith.constant 0 : i32
    %dma_wait3A_19 = tpu.memref_slice %arg6[%dma_wait3A_16, %dma_wait3A_17, %dma_wait3A_18] : memref<2x128x128xf32, #tpu.memory_space<vmem>> -> memref<1x128x128xf32, #tpu.memory_space<vmem>>
    %dma_wait3A_20 = tpu.memref_squeeze %dma_wait3A_19 : memref<1x128x128xf32, #tpu.memory_space<vmem>> -> memref<128x128xf32, #tpu.memory_space<vmem>>
    %dma_wait3A_21 = arith.constant 0 : i32
    %dma_wait3A_22 = tpu.memref_slice %arg5[%dma_wait3A, %dma_wait3A_15, %dma_wait3A_21] : memref<8x1x128xi32, #tpu.memory_space<vmem>> -> memref<1x1x128xi32, #tpu.memory_space<vmem>>
    %dma_wait3A_23 = tpu.memref_squeeze %dma_wait3A_22 : memref<1x1x128xi32, #tpu.memory_space<vmem>> -> memref<128xi32, #tpu.memory_space<vmem>>
    %dma_wait3A_24 = arith.constant 0 : i32
    %dma_wait3A_25 = arith.constant 0 : i32
    %dma_wait3A_26 = tpu.memref_slice %arg2[%dma_wait3A_24, %dma_wait3A_25] : memref<6200x128xf32, #tpu.memory_space<hbm>> -> memref<6200x128xf32, #tpu.memory_space<hbm>>
    tpu.wait_indirect_dma semaphore(%arg7 : memref<!tpu.dma_semaphore, #tpu.memory_space<semaphore_mem>>) src(%dma_wait3A_26 : memref<6200x128xf32, #tpu.memory_space<hbm>>) dst(%dma_wait3A_20 : memref<128x128xf32, #tpu.memory_space<vmem>>)
    %dma_start3A_27 = arith.constant 1 : i32
    %dma_start3A_28 = arith.constant 0 : i32
    %dma_start3A_29 = arith.constant 1 : i32
    %dma_start3A_30 = arith.constant 0 : i32
    %dma_start3A_31 = arith.constant 0 : i32
    %dma_start3A_32 = tpu.memref_slice %arg6[%dma_start3A_29, %dma_start3A_30, %dma_start3A_31] : memref<2x128x128xf32, #tpu.memory_space<vmem>> -> memref<1x128x128xf32, #tpu.memory_space<vmem>>
    %dma_start3A_33 = tpu.memref_squeeze %dma_start3A_32 : memref<1x128x128xf32, #tpu.memory_space<vmem>> -> memref<128x128xf32, #tpu.memory_space<vmem>>
    %dma_start3A_34 = arith.constant 0 : i32
    %dma_start3A_35 = tpu.memref_slice %arg5[%dma_start3A_27, %dma_start3A_28, %dma_start3A_34] : memref<8x1x128xi32, #tpu.memory_space<vmem>> -> memref<1x1x128xi32, #tpu.memory_space<vmem>>
    %dma_start3A_36 = tpu.memref_squeeze %dma_start3A_35 : memref<1x1x128xi32, #tpu.memory_space<vmem>> -> memref<128xi32, #tpu.memory_space<vmem>>
    %dma_start3A_37 = arith.constant 0 : i32
    %dma_start3A_38 = arith.constant 0 : i32
    %dma_start3A_39 = tpu.memref_slice %arg2[%dma_start3A_37, %dma_start3A_38] : memref<6200x128xf32, #tpu.memory_space<hbm>> -> memref<6200x128xf32, #tpu.memory_space<hbm>>
    tpu.enqueue_indirect_dma source(%dma_start3A_39 : memref<6200x128xf32, #tpu.memory_space<hbm>>) target(%dma_start3A_33 : memref<128x128xf32, #tpu.memory_space<vmem>>) offsets(%dma_start3A_36 : memref<128xi32, #tpu.memory_space<vmem>>) semaphore(%arg8 : memref<!tpu.dma_semaphore, #tpu.memory_space<semaphore_mem>>)
    %mul3A_40 = arith.constant 8 : i32
    %mul3A_41 = arith.muli %add3A, %mul3A_40 : i32
    %mul3A_42 = arith.constant 128 : i32
    %mul3A_43 = arith.muli %mul3A_41, %mul3A_42 : i32
    %add3A_44 = arith.constant 0 : i32
    %add3A_45 = arith.addi %mul3A_43, %add3A_44 : i32
    %run_scoped3A = arith.constant 0 : i32
    "tpu.region"() ({
      %run_scoped3A_264 = tpu.sem_alloc : memref<!tpu.dma_semaphore, #tpu.memory_space<semaphore_mem>>
      %dma_start3A_265 = arith.constant 0 : i32
      %dma_start3A_266 = arith.constant 0 : i32
      %dma_start3A_267 = tpu.memref_slice %arg6[%run_scoped3A, %dma_start3A_265, %dma_start3A_266] : memref<2x128x128xf32, #tpu.memory_space<vmem>> -> memref<1x128x128xf32, #tpu.memory_space<vmem>>
      %dma_start3A_268 = tpu.memref_squeeze %dma_start3A_267 : memref<1x128x128xf32, #tpu.memory_space<vmem>> -> memref<128x128xf32, #tpu.memory_space<vmem>>
      %dma_start3A_269 = arith.constant 0 : i32
      %dma_start3A_270 = tpu.memref_slice %arg4[%add3A_45, %dma_start3A_269] : memref<32768x128xf32, #tpu.memory_space<hbm>> -> memref<128x128xf32, #tpu.memory_space<hbm>>
      %dma_start3A_271 = arith.constant 0 : i32
      %dma_start3A_272 = tpu.memref_slice %arg4[%add3A_45, %dma_start3A_271] : memref<32768x128xf32, #tpu.memory_space<hbm>> -> memref<128x128xf32, #tpu.memory_space<hbm>>
      %dma_start3A_273 = arith.constant 0 : i32
      %dma_start3A_274 = arith.constant 0 : i32
      %dma_start3A_275 = tpu.memref_slice %arg6[%run_scoped3A, %dma_start3A_273, %dma_start3A_274] : memref<2x128x128xf32, #tpu.memory_space<vmem>> -> memref<1x128x128xf32, #tpu.memory_space<vmem>>
      %dma_start3A_276 = tpu.memref_squeeze %dma_start3A_275 : memref<1x128x128xf32, #tpu.memory_space<vmem>> -> memref<128x128xf32, #tpu.memory_space<vmem>>
      tpu.enqueue_dma source(%dma_start3A_276 : memref<128x128xf32, #tpu.memory_space<vmem>>) target(%dma_start3A_272 : memref<128x128xf32, #tpu.memory_space<hbm>>) target_semaphore(%run_scoped3A_264 : memref<!tpu.dma_semaphore, #tpu.memory_space<semaphore_mem>>)
      %dma_wait3A_277 = arith.constant 0 : i32
      %dma_wait3A_278 = arith.constant 0 : i32
      %dma_wait3A_279 = tpu.memref_slice %arg6[%run_scoped3A, %dma_wait3A_277, %dma_wait3A_278] : memref<2x128x128xf32, #tpu.memory_space<vmem>> -> memref<1x128x128xf32, #tpu.memory_space<vmem>>
      %dma_wait3A_280 = tpu.memref_squeeze %dma_wait3A_279 : memref<1x128x128xf32, #tpu.memory_space<vmem>> -> memref<128x128xf32, #tpu.memory_space<vmem>>
      %dma_wait3A_281 = arith.constant 0 : i32
      %dma_wait3A_282 = tpu.memref_slice %arg4[%add3A_45, %dma_wait3A_281] : memref<32768x128xf32, #tpu.memory_space<hbm>> -> memref<128x128xf32, #tpu.memory_space<hbm>>
      %dma_wait3A_283 = arith.constant 0 : i32
      %dma_wait3A_284 = tpu.memref_slice %arg4[%add3A_45, %dma_wait3A_283] : memref<32768x128xf32, #tpu.memory_space<hbm>> -> memref<128x128xf32, #tpu.memory_space<hbm>>
      %dma_wait3A_285 = arith.constant 0 : i32
      %dma_wait3A_286 = arith.constant 0 : i32
      %dma_wait3A_287 = tpu.memref_slice %arg6[%run_scoped3A, %dma_wait3A_285, %dma_wait3A_286] : memref<2x128x128xf32, #tpu.memory_space<vmem>> -> memref<1x128x128xf32, #tpu.memory_space<vmem>>
      %dma_wait3A_288 = tpu.memref_squeeze %dma_wait3A_287 : memref<1x128x128xf32, #tpu.memory_space<vmem>> -> memref<128x128xf32, #tpu.memory_space<vmem>>
      tpu.wait_dma2 semaphore(%run_scoped3A_264 : memref<!tpu.dma_semaphore, #tpu.memory_space<semaphore_mem>>) src(%dma_wait3A_288 : memref<128x128xf32, #tpu.memory_space<vmem>>) dst(%dma_wait3A_284 : memref<128x128xf32, #tpu.memory_space<hbm>>)
      tpu.yield
    }) : () -> ()
    %dma_wait3A_46 = arith.constant 1 : i32
    %dma_wait3A_47 = arith.constant 0 : i32
    %dma_wait3A_48 = arith.constant 1 : i32
    %dma_wait3A_49 = arith.constant 0 : i32
    %dma_wait3A_50 = arith.constant 0 : i32
    %dma_wait3A_51 = tpu.memref_slice %arg6[%dma_wait3A_48, %dma_wait3A_49, %dma_wait3A_50] : memref<2x128x128xf32, #tpu.memory_space<vmem>> -> memref<1x128x128xf32, #tpu.memory_space<vmem>>
    %dma_wait3A_52 = tpu.memref_squeeze %dma_wait3A_51 : memref<1x128x128xf32, #tpu.memory_space<vmem>> -> memref<128x128xf32, #tpu.memory_space<vmem>>
    %dma_wait3A_53 = arith.constant 0 : i32
    %dma_wait3A_54 = tpu.memref_slice %arg5[%dma_wait3A_46, %dma_wait3A_47, %dma_wait3A_53] : memref<8x1x128xi32, #tpu.memory_space<vmem>> -> memref<1x1x128xi32, #tpu.memory_space<vmem>>
    %dma_wait3A_55 = tpu.memref_squeeze %dma_wait3A_54 : memref<1x1x128xi32, #tpu.memory_space<vmem>> -> memref<128xi32, #tpu.memory_space<vmem>>
    %dma_wait3A_56 = arith.constant 0 : i32
    %dma_wait3A_57 = arith.constant 0 : i32
    %dma_wait3A_58 = tpu.memref_slice %arg2[%dma_wait3A_56, %dma_wait3A_57] : memref<6200x128xf32, #tpu.memory_space<hbm>> -> memref<6200x128xf32, #tpu.memory_space<hbm>>
    tpu.wait_indirect_dma semaphore(%arg8 : memref<!tpu.dma_semaphore, #tpu.memory_space<semaphore_mem>>) src(%dma_wait3A_58 : memref<6200x128xf32, #tpu.memory_space<hbm>>) dst(%dma_wait3A_52 : memref<128x128xf32, #tpu.memory_space<vmem>>)
    %dma_start3A_59 = arith.constant 2 : i32
    %dma_start3A_60 = arith.constant 0 : i32
    %dma_start3A_61 = arith.constant 0 : i32
    %dma_start3A_62 = arith.constant 0 : i32
    %dma_start3A_63 = arith.constant 0 : i32
    %dma_start3A_64 = tpu.memref_slice %arg6[%dma_start3A_61, %dma_start3A_62, %dma_start3A_63] : memref<2x128x128xf32, #tpu.memory_space<vmem>> -> memref<1x128x128xf32, #tpu.memory_space<vmem>>
    %dma_start3A_65 = tpu.memref_squeeze %dma_start3A_64 : memref<1x128x128xf32, #tpu.memory_space<vmem>> -> memref<128x128xf32, #tpu.memory_space<vmem>>
    %dma_start3A_66 = arith.constant 0 : i32
    %dma_start3A_67 = tpu.memref_slice %arg5[%dma_start3A_59, %dma_start3A_60, %dma_start3A_66] : memref<8x1x128xi32, #tpu.memory_space<vmem>> -> memref<1x1x128xi32, #tpu.memory_space<vmem>>
    %dma_start3A_68 = tpu.memref_squeeze %dma_start3A_67 : memref<1x1x128xi32, #tpu.memory_space<vmem>> -> memref<128xi32, #tpu.memory_space<vmem>>
    %dma_start3A_69 = arith.constant 0 : i32
    %dma_start3A_70 = arith.constant 0 : i32
    %dma_start3A_71 = tpu.memref_slice %arg2[%dma_start3A_69, %dma_start3A_70] : memref<6200x128xf32, #tpu.memory_space<hbm>> -> memref<6200x128xf32, #tpu.memory_space<hbm>>
    tpu.enqueue_indirect_dma source(%dma_start3A_71 : memref<6200x128xf32, #tpu.memory_space<hbm>>) target(%dma_start3A_65 : memref<128x128xf32, #tpu.memory_space<vmem>>) offsets(%dma_start3A_68 : memref<128xi32, #tpu.memory_space<vmem>>) semaphore(%arg7 : memref<!tpu.dma_semaphore, #tpu.memory_space<semaphore_mem>>)
    %mul3A_72 = arith.constant 8 : i32
    %mul3A_73 = arith.muli %add3A, %mul3A_72 : i32
    %mul3A_74 = arith.constant 128 : i32
    %mul3A_75 = arith.muli %mul3A_73, %mul3A_74 : i32
    %add3A_76 = arith.constant 128 : i32
    %add3A_77 = arith.addi %mul3A_75, %add3A_76 : i32
    %run_scoped3A_78 = arith.constant 1 : i32
    "tpu.region"() ({
      %run_scoped3A_264 = tpu.sem_alloc : memref<!tpu.dma_semaphore, #tpu.memory_space<semaphore_mem>>
      %dma_start3A_265 = arith.constant 0 : i32
      %dma_start3A_266 = arith.constant 0 : i32
      %dma_start3A_267 = tpu.memref_slice %arg6[%run_scoped3A_78, %dma_start3A_265, %dma_start3A_266] : memref<2x128x128xf32, #tpu.memory_space<vmem>> -> memref<1x128x128xf32, #tpu.memory_space<vmem>>
      %dma_start3A_268 = tpu.memref_squeeze %dma_start3A_267 : memref<1x128x128xf32, #tpu.memory_space<vmem>> -> memref<128x128xf32, #tpu.memory_space<vmem>>
      %dma_start3A_269 = arith.constant 0 : i32
      %dma_start3A_270 = tpu.memref_slice %arg4[%add3A_77, %dma_start3A_269] : memref<32768x128xf32, #tpu.memory_space<hbm>> -> memref<128x128xf32, #tpu.memory_space<hbm>>
      %dma_start3A_271 = arith.constant 0 : i32
      %dma_start3A_272 = tpu.memref_slice %arg4[%add3A_77, %dma_start3A_271] : memref<32768x128xf32, #tpu.memory_space<hbm>> -> memref<128x128xf32, #tpu.memory_space<hbm>>
      %dma_start3A_273 = arith.constant 0 : i32
      %dma_start3A_274 = arith.constant 0 : i32
      %dma_start3A_275 = tpu.memref_slice %arg6[%run_scoped3A_78, %dma_start3A_273, %dma_start3A_274] : memref<2x128x128xf32, #tpu.memory_space<vmem>> -> memref<1x128x128xf32, #tpu.memory_space<vmem>>
      %dma_start3A_276 = tpu.memref_squeeze %dma_start3A_275 : memref<1x128x128xf32, #tpu.memory_space<vmem>> -> memref<128x128xf32, #tpu.memory_space<vmem>>
      tpu.enqueue_dma source(%dma_start3A_276 : memref<128x128xf32, #tpu.memory_space<vmem>>) target(%dma_start3A_272 : memref<128x128xf32, #tpu.memory_space<hbm>>) target_semaphore(%run_scoped3A_264 : memref<!tpu.dma_semaphore, #tpu.memory_space<semaphore_mem>>)
      %dma_wait3A_277 = arith.constant 0 : i32
      %dma_wait3A_278 = arith.constant 0 : i32
      %dma_wait3A_279 = tpu.memref_slice %arg6[%run_scoped3A_78, %dma_wait3A_277, %dma_wait3A_278] : memref<2x128x128xf32, #tpu.memory_space<vmem>> -> memref<1x128x128xf32, #tpu.memory_space<vmem>>
      %dma_wait3A_280 = tpu.memref_squeeze %dma_wait3A_279 : memref<1x128x128xf32, #tpu.memory_space<vmem>> -> memref<128x128xf32, #tpu.memory_space<vmem>>
      %dma_wait3A_281 = arith.constant 0 : i32
      %dma_wait3A_282 = tpu.memref_slice %arg4[%add3A_77, %dma_wait3A_281] : memref<32768x128xf32, #tpu.memory_space<hbm>> -> memref<128x128xf32, #tpu.memory_space<hbm>>
      %dma_wait3A_283 = arith.constant 0 : i32
      %dma_wait3A_284 = tpu.memref_slice %arg4[%add3A_77, %dma_wait3A_283] : memref<32768x128xf32, #tpu.memory_space<hbm>> -> memref<128x128xf32, #tpu.memory_space<hbm>>
      %dma_wait3A_285 = arith.constant 0 : i32
      %dma_wait3A_286 = arith.constant 0 : i32
      %dma_wait3A_287 = tpu.memref_slice %arg6[%run_scoped3A_78, %dma_wait3A_285, %dma_wait3A_286] : memref<2x128x128xf32, #tpu.memory_space<vmem>> -> memref<1x128x128xf32, #tpu.memory_space<vmem>>
      %dma_wait3A_288 = tpu.memref_squeeze %dma_wait3A_287 : memref<1x128x128xf32, #tpu.memory_space<vmem>> -> memref<128x128xf32, #tpu.memory_space<vmem>>
      tpu.wait_dma2 semaphore(%run_scoped3A_264 : memref<!tpu.dma_semaphore, #tpu.memory_space<semaphore_mem>>) src(%dma_wait3A_288 : memref<128x128xf32, #tpu.memory_space<vmem>>) dst(%dma_wait3A_284 : memref<128x128xf32, #tpu.memory_space<hbm>>)
      tpu.yield
    }) : () -> ()
    %dma_wait3A_79 = arith.constant 2 : i32
    %dma_wait3A_80 = arith.constant 0 : i32
    %dma_wait3A_81 = arith.constant 0 : i32
    %dma_wait3A_82 = arith.constant 0 : i32
    %dma_wait3A_83 = arith.constant 0 : i32
    %dma_wait3A_84 = tpu.memref_slice %arg6[%dma_wait3A_81, %dma_wait3A_82, %dma_wait3A_83] : memref<2x128x128xf32, #tpu.memory_space<vmem>> -> memref<1x128x128xf32, #tpu.memory_space<vmem>>
    %dma_wait3A_85 = tpu.memref_squeeze %dma_wait3A_84 : memref<1x128x128xf32, #tpu.memory_space<vmem>> -> memref<128x128xf32, #tpu.memory_space<vmem>>
    %dma_wait3A_86 = arith.constant 0 : i32
    %dma_wait3A_87 = tpu.memref_slice %arg5[%dma_wait3A_79, %dma_wait3A_80, %dma_wait3A_86] : memref<8x1x128xi32, #tpu.memory_space<vmem>> -> memref<1x1x128xi32, #tpu.memory_space<vmem>>
    %dma_wait3A_88 = tpu.memref_squeeze %dma_wait3A_87 : memref<1x1x128xi32, #tpu.memory_space<vmem>> -> memref<128xi32, #tpu.memory_space<vmem>>
    %dma_wait3A_89 = arith.constant 0 : i32
    %dma_wait3A_90 = arith.constant 0 : i32
    %dma_wait3A_91 = tpu.memref_slice %arg2[%dma_wait3A_89, %dma_wait3A_90] : memref<6200x128xf32, #tpu.memory_space<hbm>> -> memref<6200x128xf32, #tpu.memory_space<hbm>>
    tpu.wait_indirect_dma semaphore(%arg7 : memref<!tpu.dma_semaphore, #tpu.memory_space<semaphore_mem>>) src(%dma_wait3A_91 : memref<6200x128xf32, #tpu.memory_space<hbm>>) dst(%dma_wait3A_85 : memref<128x128xf32, #tpu.memory_space<vmem>>)
    %dma_start3A_92 = arith.constant 3 : i32
    %dma_start3A_93 = arith.constant 0 : i32
    %dma_start3A_94 = arith.constant 1 : i32
    %dma_start3A_95 = arith.constant 0 : i32
    %dma_start3A_96 = arith.constant 0 : i32
    %dma_start3A_97 = tpu.memref_slice %arg6[%dma_start3A_94, %dma_start3A_95, %dma_start3A_96] : memref<2x128x128xf32, #tpu.memory_space<vmem>> -> memref<1x128x128xf32, #tpu.memory_space<vmem>>
    %dma_start3A_98 = tpu.memref_squeeze %dma_start3A_97 : memref<1x128x128xf32, #tpu.memory_space<vmem>> -> memref<128x128xf32, #tpu.memory_space<vmem>>
    %dma_start3A_99 = arith.constant 0 : i32
    %dma_start3A_100 = tpu.memref_slice %arg5[%dma_start3A_92, %dma_start3A_93, %dma_start3A_99] : memref<8x1x128xi32, #tpu.memory_space<vmem>> -> memref<1x1x128xi32, #tpu.memory_space<vmem>>
    %dma_start3A_101 = tpu.memref_squeeze %dma_start3A_100 : memref<1x1x128xi32, #tpu.memory_space<vmem>> -> memref<128xi32, #tpu.memory_space<vmem>>
    %dma_start3A_102 = arith.constant 0 : i32
    %dma_start3A_103 = arith.constant 0 : i32
    %dma_start3A_104 = tpu.memref_slice %arg2[%dma_start3A_102, %dma_start3A_103] : memref<6200x128xf32, #tpu.memory_space<hbm>> -> memref<6200x128xf32, #tpu.memory_space<hbm>>
    tpu.enqueue_indirect_dma source(%dma_start3A_104 : memref<6200x128xf32, #tpu.memory_space<hbm>>) target(%dma_start3A_98 : memref<128x128xf32, #tpu.memory_space<vmem>>) offsets(%dma_start3A_101 : memref<128xi32, #tpu.memory_space<vmem>>) semaphore(%arg8 : memref<!tpu.dma_semaphore, #tpu.memory_space<semaphore_mem>>)
    %mul3A_105 = arith.constant 8 : i32
    %mul3A_106 = arith.muli %add3A, %mul3A_105 : i32
    %mul3A_107 = arith.constant 128 : i32
    %mul3A_108 = arith.muli %mul3A_106, %mul3A_107 : i32
    %add3A_109 = arith.constant 256 : i32
    %add3A_110 = arith.addi %mul3A_108, %add3A_109 : i32
    %run_scoped3A_111 = arith.constant 0 : i32
    "tpu.region"() ({
      %run_scoped3A_264 = tpu.sem_alloc : memref<!tpu.dma_semaphore, #tpu.memory_space<semaphore_mem>>
      %dma_start3A_265 = arith.constant 0 : i32
      %dma_start3A_266 = arith.constant 0 : i32
      %dma_start3A_267 = tpu.memref_slice %arg6[%run_scoped3A_111, %dma_start3A_265, %dma_start3A_266] : memref<2x128x128xf32, #tpu.memory_space<vmem>> -> memref<1x128x128xf32, #tpu.memory_space<vmem>>
      %dma_start3A_268 = tpu.memref_squeeze %dma_start3A_267 : memref<1x128x128xf32, #tpu.memory_space<vmem>> -> memref<128x128xf32, #tpu.memory_space<vmem>>
      %dma_start3A_269 = arith.constant 0 : i32
      %dma_start3A_270 = tpu.memref_slice %arg4[%add3A_110, %dma_start3A_269] : memref<32768x128xf32, #tpu.memory_space<hbm>> -> memref<128x128xf32, #tpu.memory_space<hbm>>
      %dma_start3A_271 = arith.constant 0 : i32
      %dma_start3A_272 = tpu.memref_slice %arg4[%add3A_110, %dma_start3A_271] : memref<32768x128xf32, #tpu.memory_space<hbm>> -> memref<128x128xf32, #tpu.memory_space<hbm>>
      %dma_start3A_273 = arith.constant 0 : i32
      %dma_start3A_274 = arith.constant 0 : i32
      %dma_start3A_275 = tpu.memref_slice %arg6[%run_scoped3A_111, %dma_start3A_273, %dma_start3A_274] : memref<2x128x128xf32, #tpu.memory_space<vmem>> -> memref<1x128x128xf32, #tpu.memory_space<vmem>>
      %dma_start3A_276 = tpu.memref_squeeze %dma_start3A_275 : memref<1x128x128xf32, #tpu.memory_space<vmem>> -> memref<128x128xf32, #tpu.memory_space<vmem>>
      tpu.enqueue_dma source(%dma_start3A_276 : memref<128x128xf32, #tpu.memory_space<vmem>>) target(%dma_start3A_272 : memref<128x128xf32, #tpu.memory_space<hbm>>) target_semaphore(%run_scoped3A_264 : memref<!tpu.dma_semaphore, #tpu.memory_space<semaphore_mem>>)
      %dma_wait3A_277 = arith.constant 0 : i32
      %dma_wait3A_278 = arith.constant 0 : i32
      %dma_wait3A_279 = tpu.memref_slice %arg6[%run_scoped3A_111, %dma_wait3A_277, %dma_wait3A_278] : memref<2x128x128xf32, #tpu.memory_space<vmem>> -> memref<1x128x128xf32, #tpu.memory_space<vmem>>
      %dma_wait3A_280 = tpu.memref_squeeze %dma_wait3A_279 : memref<1x128x128xf32, #tpu.memory_space<vmem>> -> memref<128x128xf32, #tpu.memory_space<vmem>>
      %dma_wait3A_281 = arith.constant 0 : i32
      %dma_wait3A_282 = tpu.memref_slice %arg4[%add3A_110, %dma_wait3A_281] : memref<32768x128xf32, #tpu.memory_space<hbm>> -> memref<128x128xf32, #tpu.memory_space<hbm>>
      %dma_wait3A_283 = arith.constant 0 : i32
      %dma_wait3A_284 = tpu.memref_slice %arg4[%add3A_110, %dma_wait3A_283] : memref<32768x128xf32, #tpu.memory_space<hbm>> -> memref<128x128xf32, #tpu.memory_space<hbm>>
      %dma_wait3A_285 = arith.constant 0 : i32
      %dma_wait3A_286 = arith.constant 0 : i32
      %dma_wait3A_287 = tpu.memref_slice %arg6[%run_scoped3A_111, %dma_wait3A_285, %dma_wait3A_286] : memref<2x128x128xf32, #tpu.memory_space<vmem>> -> memref<1x128x128xf32, #tpu.memory_space<vmem>>
      %dma_wait3A_288 = tpu.memref_squeeze %dma_wait3A_287 : memref<1x128x128xf32, #tpu.memory_space<vmem>> -> memref<128x128xf32, #tpu.memory_space<vmem>>
      tpu.wait_dma2 semaphore(%run_scoped3A_264 : memref<!tpu.dma_semaphore, #tpu.memory_space<semaphore_mem>>) src(%dma_wait3A_288 : memref<128x128xf32, #tpu.memory_space<vmem>>) dst(%dma_wait3A_284 : memref<128x128xf32, #tpu.memory_space<hbm>>)
      tpu.yield
    }) : () -> ()
    %dma_wait3A_112 = arith.constant 3 : i32
    %dma_wait3A_113 = arith.constant 0 : i32
    %dma_wait3A_114 = arith.constant 1 : i32
    %dma_wait3A_115 = arith.constant 0 : i32
    %dma_wait3A_116 = arith.constant 0 : i32
    %dma_wait3A_117 = tpu.memref_slice %arg6[%dma_wait3A_114, %dma_wait3A_115, %dma_wait3A_116] : memref<2x128x128xf32, #tpu.memory_space<vmem>> -> memref<1x128x128xf32, #tpu.memory_space<vmem>>
    %dma_wait3A_118 = tpu.memref_squeeze %dma_wait3A_117 : memref<1x128x128xf32, #tpu.memory_space<vmem>> -> memref<128x128xf32, #tpu.memory_space<vmem>>
    %dma_wait3A_119 = arith.constant 0 : i32
    %dma_wait3A_120 = tpu.memref_slice %arg5[%dma_wait3A_112, %dma_wait3A_113, %dma_wait3A_119] : memref<8x1x128xi32, #tpu.memory_space<vmem>> -> memref<1x1x128xi32, #tpu.memory_space<vmem>>
    %dma_wait3A_121 = tpu.memref_squeeze %dma_wait3A_120 : memref<1x1x128xi32, #tpu.memory_space<vmem>> -> memref<128xi32, #tpu.memory_space<vmem>>
    %dma_wait3A_122 = arith.constant 0 : i32
    %dma_wait3A_123 = arith.constant 0 : i32
    %dma_wait3A_124 = tpu.memref_slice %arg2[%dma_wait3A_122, %dma_wait3A_123] : memref<6200x128xf32, #tpu.memory_space<hbm>> -> memref<6200x128xf32, #tpu.memory_space<hbm>>
    tpu.wait_indirect_dma semaphore(%arg8 : memref<!tpu.dma_semaphore, #tpu.memory_space<semaphore_mem>>) src(%dma_wait3A_124 : memref<6200x128xf32, #tpu.memory_space<hbm>>) dst(%dma_wait3A_118 : memref<128x128xf32, #tpu.memory_space<vmem>>)
    %dma_start3A_125 = arith.constant 4 : i32
    %dma_start3A_126 = arith.constant 0 : i32
    %dma_start3A_127 = arith.constant 0 : i32
    %dma_start3A_128 = arith.constant 0 : i32
    %dma_start3A_129 = arith.constant 0 : i32
    %dma_start3A_130 = tpu.memref_slice %arg6[%dma_start3A_127, %dma_start3A_128, %dma_start3A_129] : memref<2x128x128xf32, #tpu.memory_space<vmem>> -> memref<1x128x128xf32, #tpu.memory_space<vmem>>
    %dma_start3A_131 = tpu.memref_squeeze %dma_start3A_130 : memref<1x128x128xf32, #tpu.memory_space<vmem>> -> memref<128x128xf32, #tpu.memory_space<vmem>>
    %dma_start3A_132 = arith.constant 0 : i32
    %dma_start3A_133 = tpu.memref_slice %arg5[%dma_start3A_125, %dma_start3A_126, %dma_start3A_132] : memref<8x1x128xi32, #tpu.memory_space<vmem>> -> memref<1x1x128xi32, #tpu.memory_space<vmem>>
    %dma_start3A_134 = tpu.memref_squeeze %dma_start3A_133 : memref<1x1x128xi32, #tpu.memory_space<vmem>> -> memref<128xi32, #tpu.memory_space<vmem>>
    %dma_start3A_135 = arith.constant 0 : i32
    %dma_start3A_136 = arith.constant 0 : i32
    %dma_start3A_137 = tpu.memref_slice %arg2[%dma_start3A_135, %dma_start3A_136] : memref<6200x128xf32, #tpu.memory_space<hbm>> -> memref<6200x128xf32, #tpu.memory_space<hbm>>
    tpu.enqueue_indirect_dma source(%dma_start3A_137 : memref<6200x128xf32, #tpu.memory_space<hbm>>) target(%dma_start3A_131 : memref<128x128xf32, #tpu.memory_space<vmem>>) offsets(%dma_start3A_134 : memref<128xi32, #tpu.memory_space<vmem>>) semaphore(%arg7 : memref<!tpu.dma_semaphore, #tpu.memory_space<semaphore_mem>>)
    %mul3A_138 = arith.constant 8 : i32
    %mul3A_139 = arith.muli %add3A, %mul3A_138 : i32
    %mul3A_140 = arith.constant 128 : i32
    %mul3A_141 = arith.muli %mul3A_139, %mul3A_140 : i32
    %add3A_142 = arith.constant 384 : i32
    %add3A_143 = arith.addi %mul3A_141, %add3A_142 : i32
    %run_scoped3A_144 = arith.constant 1 : i32
    "tpu.region"() ({
      %run_scoped3A_264 = tpu.sem_alloc : memref<!tpu.dma_semaphore, #tpu.memory_space<semaphore_mem>>
      %dma_start3A_265 = arith.constant 0 : i32
      %dma_start3A_266 = arith.constant 0 : i32
      %dma_start3A_267 = tpu.memref_slice %arg6[%run_scoped3A_144, %dma_start3A_265, %dma_start3A_266] : memref<2x128x128xf32, #tpu.memory_space<vmem>> -> memref<1x128x128xf32, #tpu.memory_space<vmem>>
      %dma_start3A_268 = tpu.memref_squeeze %dma_start3A_267 : memref<1x128x128xf32, #tpu.memory_space<vmem>> -> memref<128x128xf32, #tpu.memory_space<vmem>>
      %dma_start3A_269 = arith.constant 0 : i32
      %dma_start3A_270 = tpu.memref_slice %arg4[%add3A_143, %dma_start3A_269] : memref<32768x128xf32, #tpu.memory_space<hbm>> -> memref<128x128xf32, #tpu.memory_space<hbm>>
      %dma_start3A_271 = arith.constant 0 : i32
      %dma_start3A_272 = tpu.memref_slice %arg4[%add3A_143, %dma_start3A_271] : memref<32768x128xf32, #tpu.memory_space<hbm>> -> memref<128x128xf32, #tpu.memory_space<hbm>>
      %dma_start3A_273 = arith.constant 0 : i32
      %dma_start3A_274 = arith.constant 0 : i32
      %dma_start3A_275 = tpu.memref_slice %arg6[%run_scoped3A_144, %dma_start3A_273, %dma_start3A_274] : memref<2x128x128xf32, #tpu.memory_space<vmem>> -> memref<1x128x128xf32, #tpu.memory_space<vmem>>
      %dma_start3A_276 = tpu.memref_squeeze %dma_start3A_275 : memref<1x128x128xf32, #tpu.memory_space<vmem>> -> memref<128x128xf32, #tpu.memory_space<vmem>>
      tpu.enqueue_dma source(%dma_start3A_276 : memref<128x128xf32, #tpu.memory_space<vmem>>) target(%dma_start3A_272 : memref<128x128xf32, #tpu.memory_space<hbm>>) target_semaphore(%run_scoped3A_264 : memref<!tpu.dma_semaphore, #tpu.memory_space<semaphore_mem>>)
      %dma_wait3A_277 = arith.constant 0 : i32
      %dma_wait3A_278 = arith.constant 0 : i32
      %dma_wait3A_279 = tpu.memref_slice %arg6[%run_scoped3A_144, %dma_wait3A_277, %dma_wait3A_278] : memref<2x128x128xf32, #tpu.memory_space<vmem>> -> memref<1x128x128xf32, #tpu.memory_space<vmem>>
      %dma_wait3A_280 = tpu.memref_squeeze %dma_wait3A_279 : memref<1x128x128xf32, #tpu.memory_space<vmem>> -> memref<128x128xf32, #tpu.memory_space<vmem>>
      %dma_wait3A_281 = arith.constant 0 : i32
      %dma_wait3A_282 = tpu.memref_slice %arg4[%add3A_143, %dma_wait3A_281] : memref<32768x128xf32, #tpu.memory_space<hbm>> -> memref<128x128xf32, #tpu.memory_space<hbm>>
      %dma_wait3A_283 = arith.constant 0 : i32
      %dma_wait3A_284 = tpu.memref_slice %arg4[%add3A_143, %dma_wait3A_283] : memref<32768x128xf32, #tpu.memory_space<hbm>> -> memref<128x128xf32, #tpu.memory_space<hbm>>
      %dma_wait3A_285 = arith.constant 0 : i32
      %dma_wait3A_286 = arith.constant 0 : i32
      %dma_wait3A_287 = tpu.memref_slice %arg6[%run_scoped3A_144, %dma_wait3A_285, %dma_wait3A_286] : memref<2x128x128xf32, #tpu.memory_space<vmem>> -> memref<1x128x128xf32, #tpu.memory_space<vmem>>
      %dma_wait3A_288 = tpu.memref_squeeze %dma_wait3A_287 : memref<1x128x128xf32, #tpu.memory_space<vmem>> -> memref<128x128xf32, #tpu.memory_space<vmem>>
      tpu.wait_dma2 semaphore(%run_scoped3A_264 : memref<!tpu.dma_semaphore, #tpu.memory_space<semaphore_mem>>) src(%dma_wait3A_288 : memref<128x128xf32, #tpu.memory_space<vmem>>) dst(%dma_wait3A_284 : memref<128x128xf32, #tpu.memory_space<hbm>>)
      tpu.yield
    }) : () -> ()
    %dma_wait3A_145 = arith.constant 4 : i32
    %dma_wait3A_146 = arith.constant 0 : i32
    %dma_wait3A_147 = arith.constant 0 : i32
    %dma_wait3A_148 = arith.constant 0 : i32
    %dma_wait3A_149 = arith.constant 0 : i32
    %dma_wait3A_150 = tpu.memref_slice %arg6[%dma_wait3A_147, %dma_wait3A_148, %dma_wait3A_149] : memref<2x128x128xf32, #tpu.memory_space<vmem>> -> memref<1x128x128xf32, #tpu.memory_space<vmem>>
    %dma_wait3A_151 = tpu.memref_squeeze %dma_wait3A_150 : memref<1x128x128xf32, #tpu.memory_space<vmem>> -> memref<128x128xf32, #tpu.memory_space<vmem>>
    %dma_wait3A_152 = arith.constant 0 : i32
    %dma_wait3A_153 = tpu.memref_slice %arg5[%dma_wait3A_145, %dma_wait3A_146, %dma_wait3A_152] : memref<8x1x128xi32, #tpu.memory_space<vmem>> -> memref<1x1x128xi32, #tpu.memory_space<vmem>>
    %dma_wait3A_154 = tpu.memref_squeeze %dma_wait3A_153 : memref<1x1x128xi32, #tpu.memory_space<vmem>> -> memref<128xi32, #tpu.memory_space<vmem>>
    %dma_wait3A_155 = arith.constant 0 : i32
    %dma_wait3A_156 = arith.constant 0 : i32
    %dma_wait3A_157 = tpu.memref_slice %arg2[%dma_wait3A_155, %dma_wait3A_156] : memref<6200x128xf32, #tpu.memory_space<hbm>> -> memref<6200x128xf32, #tpu.memory_space<hbm>>
    tpu.wait_indirect_dma semaphore(%arg7 : memref<!tpu.dma_semaphore, #tpu.memory_space<semaphore_mem>>) src(%dma_wait3A_157 : memref<6200x128xf32, #tpu.memory_space<hbm>>) dst(%dma_wait3A_151 : memref<128x128xf32, #tpu.memory_space<vmem>>)
    %dma_start3A_158 = arith.constant 5 : i32
    %dma_start3A_159 = arith.constant 0 : i32
    %dma_start3A_160 = arith.constant 1 : i32
    %dma_start3A_161 = arith.constant 0 : i32
    %dma_start3A_162 = arith.constant 0 : i32
    %dma_start3A_163 = tpu.memref_slice %arg6[%dma_start3A_160, %dma_start3A_161, %dma_start3A_162] : memref<2x128x128xf32, #tpu.memory_space<vmem>> -> memref<1x128x128xf32, #tpu.memory_space<vmem>>
    %dma_start3A_164 = tpu.memref_squeeze %dma_start3A_163 : memref<1x128x128xf32, #tpu.memory_space<vmem>> -> memref<128x128xf32, #tpu.memory_space<vmem>>
    %dma_start3A_165 = arith.constant 0 : i32
    %dma_start3A_166 = tpu.memref_slice %arg5[%dma_start3A_158, %dma_start3A_159, %dma_start3A_165] : memref<8x1x128xi32, #tpu.memory_space<vmem>> -> memref<1x1x128xi32, #tpu.memory_space<vmem>>
    %dma_start3A_167 = tpu.memref_squeeze %dma_start3A_166 : memref<1x1x128xi32, #tpu.memory_space<vmem>> -> memref<128xi32, #tpu.memory_space<vmem>>
    %dma_start3A_168 = arith.constant 0 : i32
    %dma_start3A_169 = arith.constant 0 : i32
    %dma_start3A_170 = tpu.memref_slice %arg2[%dma_start3A_168, %dma_start3A_169] : memref<6200x128xf32, #tpu.memory_space<hbm>> -> memref<6200x128xf32, #tpu.memory_space<hbm>>
    tpu.enqueue_indirect_dma source(%dma_start3A_170 : memref<6200x128xf32, #tpu.memory_space<hbm>>) target(%dma_start3A_164 : memref<128x128xf32, #tpu.memory_space<vmem>>) offsets(%dma_start3A_167 : memref<128xi32, #tpu.memory_space<vmem>>) semaphore(%arg8 : memref<!tpu.dma_semaphore, #tpu.memory_space<semaphore_mem>>)
    %mul3A_171 = arith.constant 8 : i32
    %mul3A_172 = arith.muli %add3A, %mul3A_171 : i32
    %mul3A_173 = arith.constant 128 : i32
    %mul3A_174 = arith.muli %mul3A_172, %mul3A_173 : i32
    %add3A_175 = arith.constant 512 : i32
    %add3A_176 = arith.addi %mul3A_174, %add3A_175 : i32
    %run_scoped3A_177 = arith.constant 0 : i32
    "tpu.region"() ({
      %run_scoped3A_264 = tpu.sem_alloc : memref<!tpu.dma_semaphore, #tpu.memory_space<semaphore_mem>>
      %dma_start3A_265 = arith.constant 0 : i32
      %dma_start3A_266 = arith.constant 0 : i32
      %dma_start3A_267 = tpu.memref_slice %arg6[%run_scoped3A_177, %dma_start3A_265, %dma_start3A_266] : memref<2x128x128xf32, #tpu.memory_space<vmem>> -> memref<1x128x128xf32, #tpu.memory_space<vmem>>
      %dma_start3A_268 = tpu.memref_squeeze %dma_start3A_267 : memref<1x128x128xf32, #tpu.memory_space<vmem>> -> memref<128x128xf32, #tpu.memory_space<vmem>>
      %dma_start3A_269 = arith.constant 0 : i32
      %dma_start3A_270 = tpu.memref_slice %arg4[%add3A_176, %dma_start3A_269] : memref<32768x128xf32, #tpu.memory_space<hbm>> -> memref<128x128xf32, #tpu.memory_space<hbm>>
      %dma_start3A_271 = arith.constant 0 : i32
      %dma_start3A_272 = tpu.memref_slice %arg4[%add3A_176, %dma_start3A_271] : memref<32768x128xf32, #tpu.memory_space<hbm>> -> memref<128x128xf32, #tpu.memory_space<hbm>>
      %dma_start3A_273 = arith.constant 0 : i32
      %dma_start3A_274 = arith.constant 0 : i32
      %dma_start3A_275 = tpu.memref_slice %arg6[%run_scoped3A_177, %dma_start3A_273, %dma_start3A_274] : memref<2x128x128xf32, #tpu.memory_space<vmem>> -> memref<1x128x128xf32, #tpu.memory_space<vmem>>
      %dma_start3A_276 = tpu.memref_squeeze %dma_start3A_275 : memref<1x128x128xf32, #tpu.memory_space<vmem>> -> memref<128x128xf32, #tpu.memory_space<vmem>>
      tpu.enqueue_dma source(%dma_start3A_276 : memref<128x128xf32, #tpu.memory_space<vmem>>) target(%dma_start3A_272 : memref<128x128xf32, #tpu.memory_space<hbm>>) target_semaphore(%run_scoped3A_264 : memref<!tpu.dma_semaphore, #tpu.memory_space<semaphore_mem>>)
      %dma_wait3A_277 = arith.constant 0 : i32
      %dma_wait3A_278 = arith.constant 0 : i32
      %dma_wait3A_279 = tpu.memref_slice %arg6[%run_scoped3A_177, %dma_wait3A_277, %dma_wait3A_278] : memref<2x128x128xf32, #tpu.memory_space<vmem>> -> memref<1x128x128xf32, #tpu.memory_space<vmem>>
      %dma_wait3A_280 = tpu.memref_squeeze %dma_wait3A_279 : memref<1x128x128xf32, #tpu.memory_space<vmem>> -> memref<128x128xf32, #tpu.memory_space<vmem>>
      %dma_wait3A_281 = arith.constant 0 : i32
      %dma_wait3A_282 = tpu.memref_slice %arg4[%add3A_176, %dma_wait3A_281] : memref<32768x128xf32, #tpu.memory_space<hbm>> -> memref<128x128xf32, #tpu.memory_space<hbm>>
      %dma_wait3A_283 = arith.constant 0 : i32
      %dma_wait3A_284 = tpu.memref_slice %arg4[%add3A_176, %dma_wait3A_283] : memref<32768x128xf32, #tpu.memory_space<hbm>> -> memref<128x128xf32, #tpu.memory_space<hbm>>
      %dma_wait3A_285 = arith.constant 0 : i32
      %dma_wait3A_286 = arith.constant 0 : i32
      %dma_wait3A_287 = tpu.memref_slice %arg6[%run_scoped3A_177, %dma_wait3A_285, %dma_wait3A_286] : memref<2x128x128xf32, #tpu.memory_space<vmem>> -> memref<1x128x128xf32, #tpu.memory_space<vmem>>
      %dma_wait3A_288 = tpu.memref_squeeze %dma_wait3A_287 : memref<1x128x128xf32, #tpu.memory_space<vmem>> -> memref<128x128xf32, #tpu.memory_space<vmem>>
      tpu.wait_dma2 semaphore(%run_scoped3A_264 : memref<!tpu.dma_semaphore, #tpu.memory_space<semaphore_mem>>) src(%dma_wait3A_288 : memref<128x128xf32, #tpu.memory_space<vmem>>) dst(%dma_wait3A_284 : memref<128x128xf32, #tpu.memory_space<hbm>>)
      tpu.yield
    }) : () -> ()
    %dma_wait3A_178 = arith.constant 5 : i32
    %dma_wait3A_179 = arith.constant 0 : i32
    %dma_wait3A_180 = arith.constant 1 : i32
    %dma_wait3A_181 = arith.constant 0 : i32
    %dma_wait3A_182 = arith.constant 0 : i32
    %dma_wait3A_183 = tpu.memref_slice %arg6[%dma_wait3A_180, %dma_wait3A_181, %dma_wait3A_182] : memref<2x128x128xf32, #tpu.memory_space<vmem>> -> memref<1x128x128xf32, #tpu.memory_space<vmem>>
    %dma_wait3A_184 = tpu.memref_squeeze %dma_wait3A_183 : memref<1x128x128xf32, #tpu.memory_space<vmem>> -> memref<128x128xf32, #tpu.memory_space<vmem>>
    %dma_wait3A_185 = arith.constant 0 : i32
    %dma_wait3A_186 = tpu.memref_slice %arg5[%dma_wait3A_178, %dma_wait3A_179, %dma_wait3A_185] : memref<8x1x128xi32, #tpu.memory_space<vmem>> -> memref<1x1x128xi32, #tpu.memory_space<vmem>>
    %dma_wait3A_187 = tpu.memref_squeeze %dma_wait3A_186 : memref<1x1x128xi32, #tpu.memory_space<vmem>> -> memref<128xi32, #tpu.memory_space<vmem>>
    %dma_wait3A_188 = arith.constant 0 : i32
    %dma_wait3A_189 = arith.constant 0 : i32
    %dma_wait3A_190 = tpu.memref_slice %arg2[%dma_wait3A_188, %dma_wait3A_189] : memref<6200x128xf32, #tpu.memory_space<hbm>> -> memref<6200x128xf32, #tpu.memory_space<hbm>>
    tpu.wait_indirect_dma semaphore(%arg8 : memref<!tpu.dma_semaphore, #tpu.memory_space<semaphore_mem>>) src(%dma_wait3A_190 : memref<6200x128xf32, #tpu.memory_space<hbm>>) dst(%dma_wait3A_184 : memref<128x128xf32, #tpu.memory_space<vmem>>)
    %dma_start3A_191 = arith.constant 6 : i32
    %dma_start3A_192 = arith.constant 0 : i32
    %dma_start3A_193 = arith.constant 0 : i32
    %dma_start3A_194 = arith.constant 0 : i32
    %dma_start3A_195 = arith.constant 0 : i32
    %dma_start3A_196 = tpu.memref_slice %arg6[%dma_start3A_193, %dma_start3A_194, %dma_start3A_195] : memref<2x128x128xf32, #tpu.memory_space<vmem>> -> memref<1x128x128xf32, #tpu.memory_space<vmem>>
    %dma_start3A_197 = tpu.memref_squeeze %dma_start3A_196 : memref<1x128x128xf32, #tpu.memory_space<vmem>> -> memref<128x128xf32, #tpu.memory_space<vmem>>
    %dma_start3A_198 = arith.constant 0 : i32
    %dma_start3A_199 = tpu.memref_slice %arg5[%dma_start3A_191, %dma_start3A_192, %dma_start3A_198] : memref<8x1x128xi32, #tpu.memory_space<vmem>> -> memref<1x1x128xi32, #tpu.memory_space<vmem>>
    %dma_start3A_200 = tpu.memref_squeeze %dma_start3A_199 : memref<1x1x128xi32, #tpu.memory_space<vmem>> -> memref<128xi32, #tpu.memory_space<vmem>>
    %dma_start3A_201 = arith.constant 0 : i32
    %dma_start3A_202 = arith.constant 0 : i32
    %dma_start3A_203 = tpu.memref_slice %arg2[%dma_start3A_201, %dma_start3A_202] : memref<6200x128xf32, #tpu.memory_space<hbm>> -> memref<6200x128xf32, #tpu.memory_space<hbm>>
    tpu.enqueue_indirect_dma source(%dma_start3A_203 : memref<6200x128xf32, #tpu.memory_space<hbm>>) target(%dma_start3A_197 : memref<128x128xf32, #tpu.memory_space<vmem>>) offsets(%dma_start3A_200 : memref<128xi32, #tpu.memory_space<vmem>>) semaphore(%arg7 : memref<!tpu.dma_semaphore, #tpu.memory_space<semaphore_mem>>)
    %mul3A_204 = arith.constant 8 : i32
    %mul3A_205 = arith.muli %add3A, %mul3A_204 : i32
    %mul3A_206 = arith.constant 128 : i32
    %mul3A_207 = arith.muli %mul3A_205, %mul3A_206 : i32
    %add3A_208 = arith.constant 640 : i32
    %add3A_209 = arith.addi %mul3A_207, %add3A_208 : i32
    %run_scoped3A_210 = arith.constant 1 : i32
    "tpu.region"() ({
      %run_scoped3A_264 = tpu.sem_alloc : memref<!tpu.dma_semaphore, #tpu.memory_space<semaphore_mem>>
      %dma_start3A_265 = arith.constant 0 : i32
      %dma_start3A_266 = arith.constant 0 : i32
      %dma_start3A_267 = tpu.memref_slice %arg6[%run_scoped3A_210, %dma_start3A_265, %dma_start3A_266] : memref<2x128x128xf32, #tpu.memory_space<vmem>> -> memref<1x128x128xf32, #tpu.memory_space<vmem>>
      %dma_start3A_268 = tpu.memref_squeeze %dma_start3A_267 : memref<1x128x128xf32, #tpu.memory_space<vmem>> -> memref<128x128xf32, #tpu.memory_space<vmem>>
      %dma_start3A_269 = arith.constant 0 : i32
      %dma_start3A_270 = tpu.memref_slice %arg4[%add3A_209, %dma_start3A_269] : memref<32768x128xf32, #tpu.memory_space<hbm>> -> memref<128x128xf32, #tpu.memory_space<hbm>>
      %dma_start3A_271 = arith.constant 0 : i32
      %dma_start3A_272 = tpu.memref_slice %arg4[%add3A_209, %dma_start3A_271] : memref<32768x128xf32, #tpu.memory_space<hbm>> -> memref<128x128xf32, #tpu.memory_space<hbm>>
      %dma_start3A_273 = arith.constant 0 : i32
      %dma_start3A_274 = arith.constant 0 : i32
      %dma_start3A_275 = tpu.memref_slice %arg6[%run_scoped3A_210, %dma_start3A_273, %dma_start3A_274] : memref<2x128x128xf32, #tpu.memory_space<vmem>> -> memref<1x128x128xf32, #tpu.memory_space<vmem>>
      %dma_start3A_276 = tpu.memref_squeeze %dma_start3A_275 : memref<1x128x128xf32, #tpu.memory_space<vmem>> -> memref<128x128xf32, #tpu.memory_space<vmem>>
      tpu.enqueue_dma source(%dma_start3A_276 : memref<128x128xf32, #tpu.memory_space<vmem>>) target(%dma_start3A_272 : memref<128x128xf32, #tpu.memory_space<hbm>>) target_semaphore(%run_scoped3A_264 : memref<!tpu.dma_semaphore, #tpu.memory_space<semaphore_mem>>)
      %dma_wait3A_277 = arith.constant 0 : i32
      %dma_wait3A_278 = arith.constant 0 : i32
      %dma_wait3A_279 = tpu.memref_slice %arg6[%run_scoped3A_210, %dma_wait3A_277, %dma_wait3A_278] : memref<2x128x128xf32, #tpu.memory_space<vmem>> -> memref<1x128x128xf32, #tpu.memory_space<vmem>>
      %dma_wait3A_280 = tpu.memref_squeeze %dma_wait3A_279 : memref<1x128x128xf32, #tpu.memory_space<vmem>> -> memref<128x128xf32, #tpu.memory_space<vmem>>
      %dma_wait3A_281 = arith.constant 0 : i32
      %dma_wait3A_282 = tpu.memref_slice %arg4[%add3A_209, %dma_wait3A_281] : memref<32768x128xf32, #tpu.memory_space<hbm>> -> memref<128x128xf32, #tpu.memory_space<hbm>>
      %dma_wait3A_283 = arith.constant 0 : i32
      %dma_wait3A_284 = tpu.memref_slice %arg4[%add3A_209, %dma_wait3A_283] : memref<32768x128xf32, #tpu.memory_space<hbm>> -> memref<128x128xf32, #tpu.memory_space<hbm>>
      %dma_wait3A_285 = arith.constant 0 : i32
      %dma_wait3A_286 = arith.constant 0 : i32
      %dma_wait3A_287 = tpu.memref_slice %arg6[%run_scoped3A_210, %dma_wait3A_285, %dma_wait3A_286] : memref<2x128x128xf32, #tpu.memory_space<vmem>> -> memref<1x128x128xf32, #tpu.memory_space<vmem>>
      %dma_wait3A_288 = tpu.memref_squeeze %dma_wait3A_287 : memref<1x128x128xf32, #tpu.memory_space<vmem>> -> memref<128x128xf32, #tpu.memory_space<vmem>>
      tpu.wait_dma2 semaphore(%run_scoped3A_264 : memref<!tpu.dma_semaphore, #tpu.memory_space<semaphore_mem>>) src(%dma_wait3A_288 : memref<128x128xf32, #tpu.memory_space<vmem>>) dst(%dma_wait3A_284 : memref<128x128xf32, #tpu.memory_space<hbm>>)
      tpu.yield
    }) : () -> ()
    %dma_wait3A_211 = arith.constant 6 : i32
    %dma_wait3A_212 = arith.constant 0 : i32
    %dma_wait3A_213 = arith.constant 0 : i32
    %dma_wait3A_214 = arith.constant 0 : i32
    %dma_wait3A_215 = arith.constant 0 : i32
    %dma_wait3A_216 = tpu.memref_slice %arg6[%dma_wait3A_213, %dma_wait3A_214, %dma_wait3A_215] : memref<2x128x128xf32, #tpu.memory_space<vmem>> -> memref<1x128x128xf32, #tpu.memory_space<vmem>>
    %dma_wait3A_217 = tpu.memref_squeeze %dma_wait3A_216 : memref<1x128x128xf32, #tpu.memory_space<vmem>> -> memref<128x128xf32, #tpu.memory_space<vmem>>
    %dma_wait3A_218 = arith.constant 0 : i32
    %dma_wait3A_219 = tpu.memref_slice %arg5[%dma_wait3A_211, %dma_wait3A_212, %dma_wait3A_218] : memref<8x1x128xi32, #tpu.memory_space<vmem>> -> memref<1x1x128xi32, #tpu.memory_space<vmem>>
    %dma_wait3A_220 = tpu.memref_squeeze %dma_wait3A_219 : memref<1x1x128xi32, #tpu.memory_space<vmem>> -> memref<128xi32, #tpu.memory_space<vmem>>
    %dma_wait3A_221 = arith.constant 0 : i32
    %dma_wait3A_222 = arith.constant 0 : i32
    %dma_wait3A_223 = tpu.memref_slice %arg2[%dma_wait3A_221, %dma_wait3A_222] : memref<6200x128xf32, #tpu.memory_space<hbm>> -> memref<6200x128xf32, #tpu.memory_space<hbm>>
    tpu.wait_indirect_dma semaphore(%arg7 : memref<!tpu.dma_semaphore, #tpu.memory_space<semaphore_mem>>) src(%dma_wait3A_223 : memref<6200x128xf32, #tpu.memory_space<hbm>>) dst(%dma_wait3A_217 : memref<128x128xf32, #tpu.memory_space<vmem>>)
    %dma_start3A_224 = arith.constant 7 : i32
    %dma_start3A_225 = arith.constant 0 : i32
    %dma_start3A_226 = arith.constant 1 : i32
    %dma_start3A_227 = arith.constant 0 : i32
    %dma_start3A_228 = arith.constant 0 : i32
    %dma_start3A_229 = tpu.memref_slice %arg6[%dma_start3A_226, %dma_start3A_227, %dma_start3A_228] : memref<2x128x128xf32, #tpu.memory_space<vmem>> -> memref<1x128x128xf32, #tpu.memory_space<vmem>>
    %dma_start3A_230 = tpu.memref_squeeze %dma_start3A_229 : memref<1x128x128xf32, #tpu.memory_space<vmem>> -> memref<128x128xf32, #tpu.memory_space<vmem>>
    %dma_start3A_231 = arith.constant 0 : i32
    %dma_start3A_232 = tpu.memref_slice %arg5[%dma_start3A_224, %dma_start3A_225, %dma_start3A_231] : memref<8x1x128xi32, #tpu.memory_space<vmem>> -> memref<1x1x128xi32, #tpu.memory_space<vmem>>
    %dma_start3A_233 = tpu.memref_squeeze %dma_start3A_232 : memref<1x1x128xi32, #tpu.memory_space<vmem>> -> memref<128xi32, #tpu.memory_space<vmem>>
    %dma_start3A_234 = arith.constant 0 : i32
    %dma_start3A_235 = arith.constant 0 : i32
    %dma_start3A_236 = tpu.memref_slice %arg2[%dma_start3A_234, %dma_start3A_235] : memref<6200x128xf32, #tpu.memory_space<hbm>> -> memref<6200x128xf32, #tpu.memory_space<hbm>>
    tpu.enqueue_indirect_dma source(%dma_start3A_236 : memref<6200x128xf32, #tpu.memory_space<hbm>>) target(%dma_start3A_230 : memref<128x128xf32, #tpu.memory_space<vmem>>) offsets(%dma_start3A_233 : memref<128xi32, #tpu.memory_space<vmem>>) semaphore(%arg8 : memref<!tpu.dma_semaphore, #tpu.memory_space<semaphore_mem>>)
    %mul3A_237 = arith.constant 8 : i32
    %mul3A_238 = arith.muli %add3A, %mul3A_237 : i32
    %mul3A_239 = arith.constant 128 : i32
    %mul3A_240 = arith.muli %mul3A_238, %mul3A_239 : i32
    %add3A_241 = arith.constant 768 : i32
    %add3A_242 = arith.addi %mul3A_240, %add3A_241 : i32
    %run_scoped3A_243 = arith.constant 0 : i32
    "tpu.region"() ({
      %run_scoped3A_264 = tpu.sem_alloc : memref<!tpu.dma_semaphore, #tpu.memory_space<semaphore_mem>>
      %dma_start3A_265 = arith.constant 0 : i32
      %dma_start3A_266 = arith.constant 0 : i32
      %dma_start3A_267 = tpu.memref_slice %arg6[%run_scoped3A_243, %dma_start3A_265, %dma_start3A_266] : memref<2x128x128xf32, #tpu.memory_space<vmem>> -> memref<1x128x128xf32, #tpu.memory_space<vmem>>
      %dma_start3A_268 = tpu.memref_squeeze %dma_start3A_267 : memref<1x128x128xf32, #tpu.memory_space<vmem>> -> memref<128x128xf32, #tpu.memory_space<vmem>>
      %dma_start3A_269 = arith.constant 0 : i32
      %dma_start3A_270 = tpu.memref_slice %arg4[%add3A_242, %dma_start3A_269] : memref<32768x128xf32, #tpu.memory_space<hbm>> -> memref<128x128xf32, #tpu.memory_space<hbm>>
      %dma_start3A_271 = arith.constant 0 : i32
      %dma_start3A_272 = tpu.memref_slice %arg4[%add3A_242, %dma_start3A_271] : memref<32768x128xf32, #tpu.memory_space<hbm>> -> memref<128x128xf32, #tpu.memory_space<hbm>>
      %dma_start3A_273 = arith.constant 0 : i32
      %dma_start3A_274 = arith.constant 0 : i32
      %dma_start3A_275 = tpu.memref_slice %arg6[%run_scoped3A_243, %dma_start3A_273, %dma_start3A_274] : memref<2x128x128xf32, #tpu.memory_space<vmem>> -> memref<1x128x128xf32, #tpu.memory_space<vmem>>
      %dma_start3A_276 = tpu.memref_squeeze %dma_start3A_275 : memref<1x128x128xf32, #tpu.memory_space<vmem>> -> memref<128x128xf32, #tpu.memory_space<vmem>>
      tpu.enqueue_dma source(%dma_start3A_276 : memref<128x128xf32, #tpu.memory_space<vmem>>) target(%dma_start3A_272 : memref<128x128xf32, #tpu.memory_space<hbm>>) target_semaphore(%run_scoped3A_264 : memref<!tpu.dma_semaphore, #tpu.memory_space<semaphore_mem>>)
      %dma_wait3A_277 = arith.constant 0 : i32
      %dma_wait3A_278 = arith.constant 0 : i32
      %dma_wait3A_279 = tpu.memref_slice %arg6[%run_scoped3A_243, %dma_wait3A_277, %dma_wait3A_278] : memref<2x128x128xf32, #tpu.memory_space<vmem>> -> memref<1x128x128xf32, #tpu.memory_space<vmem>>
      %dma_wait3A_280 = tpu.memref_squeeze %dma_wait3A_279 : memref<1x128x128xf32, #tpu.memory_space<vmem>> -> memref<128x128xf32, #tpu.memory_space<vmem>>
      %dma_wait3A_281 = arith.constant 0 : i32
      %dma_wait3A_282 = tpu.memref_slice %arg4[%add3A_242, %dma_wait3A_281] : memref<32768x128xf32, #tpu.memory_space<hbm>> -> memref<128x128xf32, #tpu.memory_space<hbm>>
      %dma_wait3A_283 = arith.constant 0 : i32
      %dma_wait3A_284 = tpu.memref_slice %arg4[%add3A_242, %dma_wait3A_283] : memref<32768x128xf32, #tpu.memory_space<hbm>> -> memref<128x128xf32, #tpu.memory_space<hbm>>
      %dma_wait3A_285 = arith.constant 0 : i32
      %dma_wait3A_286 = arith.constant 0 : i32
      %dma_wait3A_287 = tpu.memref_slice %arg6[%run_scoped3A_243, %dma_wait3A_285, %dma_wait3A_286] : memref<2x128x128xf32, #tpu.memory_space<vmem>> -> memref<1x128x128xf32, #tpu.memory_space<vmem>>
      %dma_wait3A_288 = tpu.memref_squeeze %dma_wait3A_287 : memref<1x128x128xf32, #tpu.memory_space<vmem>> -> memref<128x128xf32, #tpu.memory_space<vmem>>
      tpu.wait_dma2 semaphore(%run_scoped3A_264 : memref<!tpu.dma_semaphore, #tpu.memory_space<semaphore_mem>>) src(%dma_wait3A_288 : memref<128x128xf32, #tpu.memory_space<vmem>>) dst(%dma_wait3A_284 : memref<128x128xf32, #tpu.memory_space<hbm>>)
      tpu.yield
    }) : () -> ()
    %dma_wait3A_244 = arith.constant 7 : i32
    %dma_wait3A_245 = arith.constant 0 : i32
    %dma_wait3A_246 = arith.constant 1 : i32
    %dma_wait3A_247 = arith.constant 0 : i32
    %dma_wait3A_248 = arith.constant 0 : i32
    %dma_wait3A_249 = tpu.memref_slice %arg6[%dma_wait3A_246, %dma_wait3A_247, %dma_wait3A_248] : memref<2x128x128xf32, #tpu.memory_space<vmem>> -> memref<1x128x128xf32, #tpu.memory_space<vmem>>
    %dma_wait3A_250 = tpu.memref_squeeze %dma_wait3A_249 : memref<1x128x128xf32, #tpu.memory_space<vmem>> -> memref<128x128xf32, #tpu.memory_space<vmem>>
    %dma_wait3A_251 = arith.constant 0 : i32
    %dma_wait3A_252 = tpu.memref_slice %arg5[%dma_wait3A_244, %dma_wait3A_245, %dma_wait3A_251] : memref<8x1x128xi32, #tpu.memory_space<vmem>> -> memref<1x1x128xi32, #tpu.memory_space<vmem>>
    %dma_wait3A_253 = tpu.memref_squeeze %dma_wait3A_252 : memref<1x1x128xi32, #tpu.memory_space<vmem>> -> memref<128xi32, #tpu.memory_space<vmem>>
    %dma_wait3A_254 = arith.constant 0 : i32
    %dma_wait3A_255 = arith.constant 0 : i32
    %dma_wait3A_256 = tpu.memref_slice %arg2[%dma_wait3A_254, %dma_wait3A_255] : memref<6200x128xf32, #tpu.memory_space<hbm>> -> memref<6200x128xf32, #tpu.memory_space<hbm>>
    tpu.wait_indirect_dma semaphore(%arg8 : memref<!tpu.dma_semaphore, #tpu.memory_space<semaphore_mem>>) src(%dma_wait3A_256 : memref<6200x128xf32, #tpu.memory_space<hbm>>) dst(%dma_wait3A_250 : memref<128x128xf32, #tpu.memory_space<vmem>>)
    %mul3A_257 = arith.constant 8 : i32
    %mul3A_258 = arith.muli %add3A, %mul3A_257 : i32
    %mul3A_259 = arith.constant 128 : i32
    %mul3A_260 = arith.muli %mul3A_258, %mul3A_259 : i32
    %add3A_261 = arith.constant 896 : i32
    %add3A_262 = arith.addi %mul3A_260, %add3A_261 : i32
    %run_scoped3A_263 = arith.constant 1 : i32
    "tpu.region"() ({
      %run_scoped3A_264 = tpu.sem_alloc : memref<!tpu.dma_semaphore, #tpu.memory_space<semaphore_mem>>
      %dma_start3A_265 = arith.constant 0 : i32
      %dma_start3A_266 = arith.constant 0 : i32
      %dma_start3A_267 = tpu.memref_slice %arg6[%run_scoped3A_263, %dma_start3A_265, %dma_start3A_266] : memref<2x128x128xf32, #tpu.memory_space<vmem>> -> memref<1x128x128xf32, #tpu.memory_space<vmem>>
      %dma_start3A_268 = tpu.memref_squeeze %dma_start3A_267 : memref<1x128x128xf32, #tpu.memory_space<vmem>> -> memref<128x128xf32, #tpu.memory_space<vmem>>
      %dma_start3A_269 = arith.constant 0 : i32
      %dma_start3A_270 = tpu.memref_slice %arg4[%add3A_262, %dma_start3A_269] : memref<32768x128xf32, #tpu.memory_space<hbm>> -> memref<128x128xf32, #tpu.memory_space<hbm>>
      %dma_start3A_271 = arith.constant 0 : i32
      %dma_start3A_272 = tpu.memref_slice %arg4[%add3A_262, %dma_start3A_271] : memref<32768x128xf32, #tpu.memory_space<hbm>> -> memref<128x128xf32, #tpu.memory_space<hbm>>
      %dma_start3A_273 = arith.constant 0 : i32
      %dma_start3A_274 = arith.constant 0 : i32
      %dma_start3A_275 = tpu.memref_slice %arg6[%run_scoped3A_263, %dma_start3A_273, %dma_start3A_274] : memref<2x128x128xf32, #tpu.memory_space<vmem>> -> memref<1x128x128xf32, #tpu.memory_space<vmem>>
      %dma_start3A_276 = tpu.memref_squeeze %dma_start3A_275 : memref<1x128x128xf32, #tpu.memory_space<vmem>> -> memref<128x128xf32, #tpu.memory_space<vmem>>
      tpu.enqueue_dma source(%dma_start3A_276 : memref<128x128xf32, #tpu.memory_space<vmem>>) target(%dma_start3A_272 : memref<128x128xf32, #tpu.memory_space<hbm>>) target_semaphore(%run_scoped3A_264 : memref<!tpu.dma_semaphore, #tpu.memory_space<semaphore_mem>>)
      %dma_wait3A_277 = arith.constant 0 : i32
      %dma_wait3A_278 = arith.constant 0 : i32
      %dma_wait3A_279 = tpu.memref_slice %arg6[%run_scoped3A_263, %dma_wait3A_277, %dma_wait3A_278] : memref<2x128x128xf32, #tpu.memory_space<vmem>> -> memref<1x128x128xf32, #tpu.memory_space<vmem>>
      %dma_wait3A_280 = tpu.memref_squeeze %dma_wait3A_279 : memref<1x128x128xf32, #tpu.memory_space<vmem>> -> memref<128x128xf32, #tpu.memory_space<vmem>>
      %dma_wait3A_281 = arith.constant 0 : i32
      %dma_wait3A_282 = tpu.memref_slice %arg4[%add3A_262, %dma_wait3A_281] : memref<32768x128xf32, #tpu.memory_space<hbm>> -> memref<128x128xf32, #tpu.memory_space<hbm>>
      %dma_wait3A_283 = arith.constant 0 : i32
      %dma_wait3A_284 = tpu.memref_slice %arg4[%add3A_262, %dma_wait3A_283] : memref<32768x128xf32, #tpu.memory_space<hbm>> -> memref<128x128xf32, #tpu.memory_space<hbm>>
      %dma_wait3A_285 = arith.constant 0 : i32
      %dma_wait3A_286 = arith.constant 0 : i32
      %dma_wait3A_287 = tpu.memref_slice %arg6[%run_scoped3A_263, %dma_wait3A_285, %dma_wait3A_286] : memref<2x128x128xf32, #tpu.memory_space<vmem>> -> memref<1x128x128xf32, #tpu.memory_space<vmem>>
      %dma_wait3A_288 = tpu.memref_squeeze %dma_wait3A_287 : memref<1x128x128xf32, #tpu.memory_space<vmem>> -> memref<128x128xf32, #tpu.memory_space<vmem>>
      tpu.wait_dma2 semaphore(%run_scoped3A_264 : memref<!tpu.dma_semaphore, #tpu.memory_space<semaphore_mem>>) src(%dma_wait3A_288 : memref<128x128xf32, #tpu.memory_space<vmem>>) dst(%dma_wait3A_284 : memref<128x128xf32, #tpu.memory_space<hbm>>)
      tpu.yield
    }) : () -> ()
    return
  }
}

#map = affine_map<(d0, d1) -> (0, 0)>
#map1 = affine_map<(d0, d1) -> (0)>
module attributes {stable_mosaic.version = 14 : i64} {
  func.func @_agg_body(%arg0: i32, %arg1: i32, %arg2: memref<10240x128xf32, #tpu.memory_space<hbm>>, %arg3: memref<327680xi32, #tpu.memory_space<hbm>>, %arg4: memref<327680xi32, #tpu.memory_space<hbm>>, %arg5: memref<20480x128xf32, #tpu.memory_space<hbm>>, %arg6: memref<16x128xf32, #tpu.memory_space<vmem>>, %arg7: memref<128xi32, #tpu.memory_space<vmem>>, %arg8: memref<128xi32, #tpu.memory_space<vmem>>, %arg9: memref<128x128xf32, #tpu.memory_space<vmem>>, %arg10: memref<10240x128xf32, #tpu.memory_space<vmem_shared>>, %arg11: memref<!tpu.dma_semaphore, #tpu.memory_space<semaphore_mem>>, %arg12: memref<!tpu.dma_semaphore, #tpu.memory_space<semaphore_mem>>, %arg13: memref<!tpu.dma_semaphore, #tpu.memory_space<semaphore_mem>>, %arg14: memref<!tpu.dma_semaphore, #tpu.memory_space<semaphore_mem>>) attributes {dimension_semantics = [#tpu.dimension_semantics<core_parallel>, #tpu.dimension_semantics<subcore_parallel>], iteration_bounds = array<i64: 2, 16>, scalar_prefetch = 0 : i64, scratch_operands = 9 : i64, tpu.core_type = #tpu.core_type<sc_vector_subcore>, window_params = [{transform_indices = #map}, {transform_indices = #map1}, {transform_indices = #map1}, {transform_indices = #map}]} {
    %scan3A = arith.constant 0 : i32
    %scan3A_0 = arith.constant 16 : i32
    %scan3A_1 = arith.addi %scan3A, %scan3A_0 : i32
    %scan3A_2 = arith.constant 1 : i32
    scf.for %scan3A_25 = %scan3A to %scan3A_1 step %scan3A_2  : i32 {
      %mul3A_26 = arith.constant 1 : i32
      %mul3A_27 = arith.muli %scan3A_25, %mul3A_26 : i32
      %add3A_28 = arith.constant 0 : i32
      %add3A_29 = arith.addi %add3A_28, %mul3A_27 : i32
      %scan3A_30 = arith.constant 0 : i32
      %scan3A_31 = arith.constant 8 : i32
      %scan3A_32 = arith.addi %scan3A_30, %scan3A_31 : i32
      %scan3A_33 = arith.constant 1 : i32
      scf.for %scan3A_35 = %scan3A_30 to %scan3A_32 step %scan3A_33  : i32 {
        %mul3A_36 = arith.constant 1 : i32
        %mul3A_37 = arith.muli %scan3A_35, %mul3A_36 : i32
        %add3A_38 = arith.constant 0 : i32
        %add3A_39 = arith.addi %add3A_38, %mul3A_37 : i32
        %broadcast_in_dim3A = arith.constant 0.000000e+00 : f32
        %broadcast_in_dim3A_40 = vector.broadcast %broadcast_in_dim3A : f32 to vector<16xf32>
        %mul3A_41 = arith.constant 16 : i32
        %mul3A_42 = arith.muli %add3A_39, %mul3A_41 : i32
        %swap3A = arith.index_cast %add3A_29 : i32 to index
        %swap3A_43 = arith.index_cast %mul3A_42 : i32 to index
        %swap3A_44 = tpu.vector_load %arg6[%swap3A, %swap3A_43] {strides = array<i32>} : memref<16x128xf32, #tpu.memory_space<vmem>>, vector<1x16xf32>,
        %swap3A_45 = vector.shape_cast %swap3A_44 : vector<1x16xf32> to vector<16xf32>
        %swap3A_46 = vector.shape_cast %broadcast_in_dim3A_40 : vector<16xf32> to vector<1x16xf32>
        tpu.vector_store %arg6[%swap3A, %swap3A_43], %swap3A_46 {strides = array<i32>} : memref<16x128xf32, #tpu.memory_space<vmem>>, vector<1x16xf32>,
      }
      %scan3A_34 = arith.constant 8 : i32
    }
    %scan3A_3 = arith.constant 16 : i32
    %scan3A_4 = arith.constant 0 : i32
    %scan3A_5 = arith.constant 40 : i32
    %scan3A_6 = arith.addi %scan3A_4, %scan3A_5 : i32
    %scan3A_7 = arith.constant 1 : i32
    scf.for %scan3A_25 = %scan3A_4 to %scan3A_6 step %scan3A_7  : i32 {
      %mul3A_26 = arith.constant 1 : i32
      %mul3A_27 = arith.muli %scan3A_25, %mul3A_26 : i32
      %add3A_28 = arith.constant 0 : i32
      %add3A_29 = arith.addi %add3A_28, %mul3A_27 : i32
      %mul3A_30 = arith.constant 640 : i32
      %mul3A_31 = arith.muli %arg1, %mul3A_30 : i32
      %mul3A_32 = arith.constant 16 : i32
      %mul3A_33 = arith.muli %add3A_29, %mul3A_32 : i32
      %add3A_34 = arith.addi %mul3A_31, %mul3A_33 : i32
      "tpu.region"() ({
        %run_scoped3A = tpu.sem_alloc : memref<!tpu.dma_semaphore, #tpu.memory_space<semaphore_mem>>
        %dma_start3A = arith.constant 0 : i32
        %dma_start3A_35 = tpu.memref_slice %arg10[%add3A_34, %dma_start3A] : memref<10240x128xf32, #tpu.memory_space<vmem_shared>> -> memref<16x128xf32, #tpu.memory_space<vmem_shared>>
        %dma_start3A_36 = arith.constant 0 : i32
        %dma_start3A_37 = tpu.memref_slice %arg10[%add3A_34, %dma_start3A_36] : memref<10240x128xf32, #tpu.memory_space<vmem_shared>> -> memref<16x128xf32, #tpu.memory_space<vmem_shared>>
        tpu.enqueue_dma source(%arg6 : memref<16x128xf32, #tpu.memory_space<vmem>>) target(%dma_start3A_37 : memref<16x128xf32, #tpu.memory_space<vmem_shared>>) target_semaphore(%run_scoped3A : memref<!tpu.dma_semaphore, #tpu.memory_space<semaphore_mem>>)
        %dma_wait3A = arith.constant 0 : i32
        %dma_wait3A_38 = tpu.memref_slice %arg10[%add3A_34, %dma_wait3A] : memref<10240x128xf32, #tpu.memory_space<vmem_shared>> -> memref<16x128xf32, #tpu.memory_space<vmem_shared>>
        %dma_wait3A_39 = arith.constant 0 : i32
        %dma_wait3A_40 = tpu.memref_slice %arg10[%add3A_34, %dma_wait3A_39] : memref<10240x128xf32, #tpu.memory_space<vmem_shared>> -> memref<16x128xf32, #tpu.memory_space<vmem_shared>>
        tpu.wait_dma2 semaphore(%run_scoped3A : memref<!tpu.dma_semaphore, #tpu.memory_space<semaphore_mem>>) src(%arg6 : memref<16x128xf32, #tpu.memory_space<vmem>>) dst(%dma_wait3A_40 : memref<16x128xf32, #tpu.memory_space<vmem_shared>>)
        tpu.yield
      }) : () -> ()
    }
    %scan3A_8 = arith.constant 40 : i32
    %barrier3A = arith.constant 0 : index
    tpu.barrier barrier_id(%barrier3A)
    %mul3A = arith.constant 1280 : i32
    %mul3A_9 = arith.muli %arg0, %mul3A : i32
    %mul3A_10 = arith.constant 80 : i32
    %mul3A_11 = arith.muli %arg1, %mul3A_10 : i32
    %add3A = arith.addi %mul3A_9, %mul3A_11 : i32
    %mul3A_12 = arith.constant 128 : i32
    %mul3A_13 = arith.muli %add3A, %mul3A_12 : i32
    %scan3A_14 = arith.constant 0 : i32
    %scan3A_15 = arith.constant 80 : i32
    %scan3A_16 = arith.addi %scan3A_14, %scan3A_15 : i32
    %scan3A_17 = arith.constant 1 : i32
    scf.for %scan3A_25 = %scan3A_14 to %scan3A_16 step %scan3A_17  : i32 {
      %mul3A_26 = arith.constant 1 : i32
      %mul3A_27 = arith.muli %scan3A_25, %mul3A_26 : i32
      %add3A_28 = arith.constant 0 : i32
      %add3A_29 = arith.addi %add3A_28, %mul3A_27 : i32
      %mul3A_30 = arith.constant 128 : i32
      %mul3A_31 = arith.muli %add3A_29, %mul3A_30 : i32
      %add3A_32 = arith.addi %mul3A_13, %mul3A_31 : i32
      "tpu.region"() ({
        %run_scoped3A = tpu.sem_alloc : memref<!tpu.dma_semaphore, #tpu.memory_space<semaphore_mem>>
        %dma_start3A = tpu.memref_slice %arg3[%add3A_32] : memref<327680xi32, #tpu.memory_space<hbm>> -> memref<128xi32, #tpu.memory_space<hbm>>
        %dma_start3A_36 = tpu.memref_slice %arg3[%add3A_32] : memref<327680xi32, #tpu.memory_space<hbm>> -> memref<128xi32, #tpu.memory_space<hbm>>
        tpu.enqueue_dma source(%dma_start3A_36 : memref<128xi32, #tpu.memory_space<hbm>>) target(%arg7 : memref<128xi32, #tpu.memory_space<vmem>>) target_semaphore(%run_scoped3A : memref<!tpu.dma_semaphore, #tpu.memory_space<semaphore_mem>>)
        %dma_wait3A = tpu.memref_slice %arg3[%add3A_32] : memref<327680xi32, #tpu.memory_space<hbm>> -> memref<128xi32, #tpu.memory_space<hbm>>
        %dma_wait3A_37 = tpu.memref_slice %arg3[%add3A_32] : memref<327680xi32, #tpu.memory_space<hbm>> -> memref<128xi32, #tpu.memory_space<hbm>>
        tpu.wait_dma2 semaphore(%run_scoped3A : memref<!tpu.dma_semaphore, #tpu.memory_space<semaphore_mem>>) src(%dma_wait3A_37 : memref<128xi32, #tpu.memory_space<hbm>>) dst(%arg7 : memref<128xi32, #tpu.memory_space<vmem>>)
        tpu.yield
      }) : () -> ()
      %mul3A_33 = arith.constant 128 : i32
      %mul3A_34 = arith.muli %add3A_29, %mul3A_33 : i32
      %add3A_35 = arith.addi %mul3A_13, %mul3A_34 : i32
      "tpu.region"() ({
        %run_scoped3A = tpu.sem_alloc : memref<!tpu.dma_semaphore, #tpu.memory_space<semaphore_mem>>
        %dma_start3A = tpu.memref_slice %arg4[%add3A_35] : memref<327680xi32, #tpu.memory_space<hbm>> -> memref<128xi32, #tpu.memory_space<hbm>>
        %dma_start3A_36 = tpu.memref_slice %arg4[%add3A_35] : memref<327680xi32, #tpu.memory_space<hbm>> -> memref<128xi32, #tpu.memory_space<hbm>>
        tpu.enqueue_dma source(%dma_start3A_36 : memref<128xi32, #tpu.memory_space<hbm>>) target(%arg8 : memref<128xi32, #tpu.memory_space<vmem>>) target_semaphore(%run_scoped3A : memref<!tpu.dma_semaphore, #tpu.memory_space<semaphore_mem>>)
        %dma_wait3A = tpu.memref_slice %arg4[%add3A_35] : memref<327680xi32, #tpu.memory_space<hbm>> -> memref<128xi32, #tpu.memory_space<hbm>>
        %dma_wait3A_37 = tpu.memref_slice %arg4[%add3A_35] : memref<327680xi32, #tpu.memory_space<hbm>> -> memref<128xi32, #tpu.memory_space<hbm>>
        tpu.wait_dma2 semaphore(%run_scoped3A : memref<!tpu.dma_semaphore, #tpu.memory_space<semaphore_mem>>) src(%dma_wait3A_37 : memref<128xi32, #tpu.memory_space<hbm>>) dst(%arg8 : memref<128xi32, #tpu.memory_space<vmem>>)
        tpu.yield
      }) : () -> ()
      "tpu.region"() ({
        %run_scoped3A = tpu.sem_alloc : memref<!tpu.dma_semaphore, #tpu.memory_space<semaphore_mem>>
        %dma_start3A = arith.constant 0 : i32
        %dma_start3A_36 = arith.constant 0 : i32
        %dma_start3A_37 = tpu.memref_slice %arg2[%dma_start3A, %dma_start3A_36] : memref<10240x128xf32, #tpu.memory_space<hbm>> -> memref<10240x128xf32, #tpu.memory_space<hbm>>
        tpu.enqueue_indirect_dma source(%dma_start3A_37 : memref<10240x128xf32, #tpu.memory_space<hbm>>) target(%arg9 : memref<128x128xf32, #tpu.memory_space<vmem>>) offsets(%arg7 : memref<128xi32, #tpu.memory_space<vmem>>) semaphore(%run_scoped3A : memref<!tpu.dma_semaphore, #tpu.memory_space<semaphore_mem>>)
        %dma_wait3A = arith.constant 0 : i32
        %dma_wait3A_38 = arith.constant 0 : i32
        %dma_wait3A_39 = tpu.memref_slice %arg2[%dma_wait3A, %dma_wait3A_38] : memref<10240x128xf32, #tpu.memory_space<hbm>> -> memref<10240x128xf32, #tpu.memory_space<hbm>>
        tpu.wait_indirect_dma semaphore(%run_scoped3A : memref<!tpu.dma_semaphore, #tpu.memory_space<semaphore_mem>>) src(%dma_wait3A_39 : memref<10240x128xf32, #tpu.memory_space<hbm>>) dst(%arg9 : memref<128x128xf32, #tpu.memory_space<vmem>>)
        tpu.yield
      }) : () -> ()
      "tpu.region"() ({
        %run_scoped3A = tpu.sem_alloc : memref<!tpu.dma_semaphore, #tpu.memory_space<semaphore_mem>>
        %dma_start3A = arith.constant 0 : i32
        %dma_start3A_36 = arith.constant 0 : i32
        %dma_start3A_37 = tpu.memref_slice %arg10[%dma_start3A, %dma_start3A_36] : memref<10240x128xf32, #tpu.memory_space<vmem_shared>> -> memref<10240x128xf32, #tpu.memory_space<vmem_shared>>
        tpu.enqueue_indirect_dma source(%arg9 : memref<128x128xf32, #tpu.memory_space<vmem>>) target(%dma_start3A_37 : memref<10240x128xf32, #tpu.memory_space<vmem_shared>>) offsets(%arg8 : memref<128xi32, #tpu.memory_space<vmem>>) semaphore(%run_scoped3A : memref<!tpu.dma_semaphore, #tpu.memory_space<semaphore_mem>>) {add = true}
        %dma_wait3A = arith.constant 0 : i32
        %dma_wait3A_38 = arith.constant 0 : i32
        %dma_wait3A_39 = tpu.memref_slice %arg10[%dma_wait3A, %dma_wait3A_38] : memref<10240x128xf32, #tpu.memory_space<vmem_shared>> -> memref<10240x128xf32, #tpu.memory_space<vmem_shared>>
        tpu.wait_indirect_dma semaphore(%run_scoped3A : memref<!tpu.dma_semaphore, #tpu.memory_space<semaphore_mem>>) src(%arg9 : memref<128x128xf32, #tpu.memory_space<vmem>>) dst(%dma_wait3A_39 : memref<10240x128xf32, #tpu.memory_space<vmem_shared>>)
        tpu.yield
      }) : () -> ()
    }
    %scan3A_18 = arith.constant 80 : i32
    %barrier3A_19 = arith.constant 0 : index
    tpu.barrier barrier_id(%barrier3A_19)
    %scan3A_20 = arith.constant 0 : i32
    %scan3A_21 = arith.constant 5 : i32
    %scan3A_22 = arith.addi %scan3A_20, %scan3A_21 : i32
    %scan3A_23 = arith.constant 1 : i32
    scf.for %scan3A_25 = %scan3A_20 to %scan3A_22 step %scan3A_23  : i32 {
      %mul3A_26 = arith.constant 1 : i32
      %mul3A_27 = arith.muli %scan3A_25, %mul3A_26 : i32
      %add3A_28 = arith.constant 0 : i32
      %add3A_29 = arith.addi %add3A_28, %mul3A_27 : i32
      %mul3A_30 = arith.constant 640 : i32
      %mul3A_31 = arith.muli %arg1, %mul3A_30 : i32
      %mul3A_32 = arith.constant 128 : i32
      %mul3A_33 = arith.muli %add3A_29, %mul3A_32 : i32
      %add3A_34 = arith.addi %mul3A_31, %mul3A_33 : i32
      %mul3A_35 = arith.constant 10240 : i32
      %mul3A_36 = arith.muli %arg0, %mul3A_35 : i32
      %mul3A_37 = arith.constant 640 : i32
      %mul3A_38 = arith.muli %arg1, %mul3A_37 : i32
      %add3A_39 = arith.addi %mul3A_36, %mul3A_38 : i32
      %mul3A_40 = arith.constant 128 : i32
      %mul3A_41 = arith.muli %add3A_29, %mul3A_40 : i32
      %add3A_42 = arith.addi %add3A_39, %mul3A_41 : i32
      "tpu.region"() ({
        %run_scoped3A = tpu.sem_alloc : memref<!tpu.dma_semaphore, #tpu.memory_space<semaphore_mem>>
        %dma_start3A = arith.constant 0 : i32
        %dma_start3A_43 = tpu.memref_slice %arg5[%add3A_42, %dma_start3A] : memref<20480x128xf32, #tpu.memory_space<hbm>> -> memref<128x128xf32, #tpu.memory_space<hbm>>
        %dma_start3A_44 = arith.constant 0 : i32
        %dma_start3A_45 = tpu.memref_slice %arg10[%add3A_34, %dma_start3A_44] : memref<10240x128xf32, #tpu.memory_space<vmem_shared>> -> memref<128x128xf32, #tpu.memory_space<vmem_shared>>
        tpu.enqueue_dma source(%dma_start3A_45 : memref<128x128xf32, #tpu.memory_space<vmem_shared>>) target(%dma_start3A_43 : memref<128x128xf32, #tpu.memory_space<hbm>>) target_semaphore(%run_scoped3A : memref<!tpu.dma_semaphore, #tpu.memory_space<semaphore_mem>>)
        %dma_wait3A = arith.constant 0 : i32
        %dma_wait3A_46 = tpu.memref_slice %arg5[%add3A_42, %dma_wait3A] : memref<20480x128xf32, #tpu.memory_space<hbm>> -> memref<128x128xf32, #tpu.memory_space<hbm>>
        %dma_wait3A_47 = arith.constant 0 : i32
        %dma_wait3A_48 = tpu.memref_slice %arg10[%add3A_34, %dma_wait3A_47] : memref<10240x128xf32, #tpu.memory_space<vmem_shared>> -> memref<128x128xf32, #tpu.memory_space<vmem_shared>>
        tpu.wait_dma2 semaphore(%run_scoped3A : memref<!tpu.dma_semaphore, #tpu.memory_space<semaphore_mem>>) src(%dma_wait3A_48 : memref<128x128xf32, #tpu.memory_space<vmem_shared>>) dst(%dma_wait3A_46 : memref<128x128xf32, #tpu.memory_space<hbm>>)
        tpu.yield
      }) : () -> ()
    }
    %scan3A_24 = arith.constant 5 : i32
    return
  }
}

module attributes {stable_mosaic.version = 14 : i64} {
  func.func @_x0_body(%arg0: i32, %arg1: memref<1024x128xf32, #tpu.memory_space<vmem>>, %arg2: memref<1024x128xf32, #tpu.memory_space<vmem>>, %arg3: memref<1024x128xf32, #tpu.memory_space<vmem>>, %arg4: memref<1x1024x128xf32, #tpu.memory_space<vmem>>, %arg5: memref<1x1024x128xf32, #tpu.memory_space<vmem>>, %arg6: memref<128x128xf32, #tpu.memory_space<vmem>>, %arg7: memref<1024x128xf32, #tpu.memory_space<vmem>>, %arg8: memref<1024x128xf32, #tpu.memory_space<vmem>>, %arg9: memref<1024x1xf32, #tpu.memory_space<vmem>>) attributes {dimension_semantics = [#tpu.dimension_semantics<arbitrary>], iteration_bounds = array<i64: 10>, scalar_prefetch = 0 : i64, scratch_operands = 0 : i64, tpu.core_type = #tpu.core_type<tc>, window_params = [{transform_indices = @transform_0, window_bounds = array<i64: 1024, 128>}, {transform_indices = @transform_1, window_bounds = array<i64: 1024, 128>}, {transform_indices = @transform_2, window_bounds = array<i64: 1024, 128>}, {transform_indices = @transform_3, window_bounds = array<i64: 1, 1024, 128>}, {transform_indices = @transform_4, window_bounds = array<i64: 1, 1024, 128>}, {pipeline_mode = #tpu.pipeline_mode<synchronous>, transform_indices = @transform_5, window_bounds = array<i64: 128, 128>}, {transform_indices = @transform_6, window_bounds = array<i64: 1024, 128>}, {transform_indices = @transform_7, window_bounds = array<i64: 1024, 128>}, {transform_indices = @transform_8, window_bounds = array<i64: 1024, 1>}]} {
    %get3A = arith.constant 0 : index
    %get3A_0 = arith.constant 0 : index
    %get3A_1 = arith.constant 0 : index
    %get3A_2 = vector.load %arg4[%get3A, %get3A_0, %get3A_1] : memref<1x1024x128xf32, #tpu.memory_space<vmem>>, vector<1x1024x1xf32>
    %get3A_3 = vector.shape_cast %get3A_2 : vector<1x1024x1xf32> to vector<1024x1xf32>
    %get3A_4 = arith.constant 0 : index
    %get3A_5 = arith.constant 0 : index
    %get3A_6 = arith.constant 0 : index
    %get3A_7 = vector.load %arg5[%get3A_4, %get3A_5, %get3A_6] : memref<1x1024x128xf32, #tpu.memory_space<vmem>>, vector<1x1024x1xf32>
    %get3A_8 = vector.shape_cast %get3A_7 : vector<1x1024x1xf32> to vector<1024x1xf32>
    %add3A = arith.addf %get3A_3, %get3A_8 : vector<1024x1xf32>
    %add3A_9 = arith.constant 1.000000e+00 : f32
    %add3A_10 = vector.broadcast %add3A_9 : f32 to vector<1024x1xf32>
    %add3A_11 = arith.addf %add3A, %add3A_10 : vector<1024x1xf32>
    %sqrt3A = math.sqrt %add3A_11 : vector<1024x1xf32>
    %div3A = arith.constant 1.000000e+00 : f32
    %div3A_12 = vector.broadcast %div3A : f32 to vector<1024x1xf32>
    %div3A_13 = arith.divf %div3A_12, %sqrt3A : vector<1024x1xf32>
    %get3A_14 = arith.constant 0 : index
    %get3A_15 = arith.constant 0 : index
    %get3A_16 = vector.load %arg1[%get3A_14, %get3A_15] : memref<1024x128xf32, #tpu.memory_space<vmem>>, vector<1024x128xf32>
    %get3A_17 = arith.constant 0 : index
    %get3A_18 = arith.constant 0 : index
    %get3A_19 = vector.load %arg2[%get3A_17, %get3A_18] : memref<1024x128xf32, #tpu.memory_space<vmem>>, vector<1024x128xf32>
    %add3A_20 = arith.addf %get3A_16, %get3A_19 : vector<1024x128xf32>
    %get3A_21 = arith.constant 0 : index
    %get3A_22 = arith.constant 0 : index
    %get3A_23 = vector.load %arg3[%get3A_21, %get3A_22] : memref<1024x128xf32, #tpu.memory_space<vmem>>, vector<1024x128xf32>
    %add3A_24 = arith.addf %add3A_20, %get3A_23 : vector<1024x128xf32>
    %max3A = arith.constant 0.000000e+00 : f32
    %max3A_25 = vector.broadcast %max3A : f32 to vector<1024x128xf32>
    %max3A_26 = arith.maximumf %add3A_24, %max3A_25 : vector<1024x128xf32>
    %swap3A = arith.constant 0 : index
    %swap3A_27 = arith.constant 0 : index
    %swap3A_28 = vector.load %arg7[%swap3A, %swap3A_27] : memref<1024x128xf32, #tpu.memory_space<vmem>>, vector<1024x128xf32>
    tpu.vector_store %arg7[%swap3A, %swap3A_27], %max3A_26 {strides = array<i32>} : memref<1024x128xf32, #tpu.memory_space<vmem>>, vector<1024x128xf32>,
    %swap3A_29 = arith.constant 0 : index
    %swap3A_30 = arith.constant 0 : index
    %swap3A_31 = vector.load %arg9[%swap3A_29, %swap3A_30] : memref<1024x1xf32, #tpu.memory_space<vmem>>, vector<1024x1xf32>
    tpu.vector_store %arg9[%swap3A_29, %swap3A_30], %div3A_13 {strides = array<i32>} : memref<1024x1xf32, #tpu.memory_space<vmem>>, vector<1024x1xf32>,
    %get3A_32 = arith.constant 0 : index
    %get3A_33 = arith.constant 0 : index
    %get3A_34 = vector.load %arg6[%get3A_32, %get3A_33] : memref<128x128xf32, #tpu.memory_space<vmem>>, vector<128x128xf32>
    %dot_general3A = arith.constant dense<0.000000e+00> : vector<1024x128xf32>
    %dot_general3A_35 = tpu.matmul %max3A_26, %get3A_34, %dot_general3A {dimension_numbers = #tpu.dot_dimension_numbers<[1], [0], [0], [1], [0, 0, 1, 1], [], []>, transpose_lhs_hint = false} : vector<1024x128xf32>, vector<128x128xf32>, vector<1024x128xf32> -> vector<1024x128xf32>
    %mul3A = vector.broadcast %div3A_13 : vector<1024x1xf32> to vector<1024x128xf32>
    %mul3A_36 = arith.mulf %dot_general3A_35, %mul3A : vector<1024x128xf32>
    %swap3A_37 = arith.constant 0 : index
    %swap3A_38 = arith.constant 0 : index
    %swap3A_39 = vector.load %arg8[%swap3A_37, %swap3A_38] : memref<1024x128xf32, #tpu.memory_space<vmem>>, vector<1024x128xf32>
    tpu.vector_store %arg8[%swap3A_37, %swap3A_38], %mul3A_36 {strides = array<i32>} : memref<1024x128xf32, #tpu.memory_space<vmem>>, vector<1024x128xf32>,
    return
  }
  func.func @transform_0(%arg0: i32) -> (i32, i32) {
    %c0_i32 = arith.constant 0 : i32
    %c0_i32_0 = arith.constant 0 : i32
    return %arg0, %c0_i32 : i32, i32
  }
  func.func @transform_1(%arg0: i32) -> (i32, i32) {
    %add3A = arith.constant 10 : i32
    %add3A_0 = arith.addi %arg0, %add3A : i32
    %c0_i32 = arith.constant 0 : i32
    %c0_i32_1 = arith.constant 0 : i32
    return %add3A_0, %c0_i32 : i32, i32
  }
  func.func @transform_2(%arg0: i32) -> (i32, i32) {
    %add3A = arith.constant 20 : i32
    %add3A_0 = arith.addi %arg0, %add3A : i32
    %c0_i32 = arith.constant 0 : i32
    %c0_i32_1 = arith.constant 0 : i32
    return %add3A_0, %c0_i32 : i32, i32
  }
  func.func @transform_3(%arg0: i32) -> (i32, i32, i32) {
    %c0_i32 = arith.constant 0 : i32
    %c0_i32_0 = arith.constant 0 : i32
    %c0_i32_1 = arith.constant 0 : i32
    return %c0_i32, %arg0, %c0_i32_0 : i32, i32, i32
  }
  func.func @transform_4(%arg0: i32) -> (i32, i32, i32) {
    %c1_i32 = arith.constant 1 : i32
    %c0_i32 = arith.constant 0 : i32
    %c0_i32_0 = arith.constant 0 : i32
    return %c1_i32, %arg0, %c0_i32 : i32, i32, i32
  }
  func.func @transform_5(%arg0: i32) -> (i32, i32) {
    %c0_i32 = arith.constant 0 : i32
    %c0_i32_0 = arith.constant 0 : i32
    %c0_i32_1 = arith.constant 0 : i32
    return %c0_i32, %c0_i32_0 : i32, i32
  }
  func.func @transform_6(%arg0: i32) -> (i32, i32) {
    %c0_i32 = arith.constant 0 : i32
    %c0_i32_0 = arith.constant 0 : i32
    return %arg0, %c0_i32 : i32, i32
  }
  func.func @transform_7(%arg0: i32) -> (i32, i32) {
    %c0_i32 = arith.constant 0 : i32
    %c0_i32_0 = arith.constant 0 : i32
    return %arg0, %c0_i32 : i32, i32
  }
  func.func @transform_8(%arg0: i32) -> (i32, i32) {
    %c0_i32 = arith.constant 0 : i32
    %c0_i32_0 = arith.constant 0 : i32
    return %arg0, %c0_i32 : i32, i32
  }
}

module attributes {stable_mosaic.version = 14 : i64} {
  func.func @_tables_body(%arg0: memref<200x32xf32, #tpu.memory_space<vmem>>, %arg1: memref<5000x32xf32, #tpu.memory_space<vmem>>, %arg2: memref<1000x32xf32, #tpu.memory_space<vmem>>, %arg3: memref<296x128xf32, #tpu.memory_space<vmem>>, %arg4: memref<1x128xf32, #tpu.memory_space<vmem>>, %arg5: memref<6200x128xf32, #tpu.memory_space<vmem>>) attributes {dimension_semantics = [], scalar_prefetch = 0 : i64, scratch_operands = 0 : i64, tpu.core_type = #tpu.core_type<tc>} {
    %get3A = arith.constant 0 : index
    %get3A_0 = arith.constant 0 : index
    %get3A_1 = vector.load %arg3[%get3A, %get3A_0] : memref<296x128xf32, #tpu.memory_space<vmem>>, vector<32x128xf32>
    %get3A_2 = arith.constant 32 : index
    %get3A_3 = arith.constant 0 : index
    %get3A_4 = vector.load %arg3[%get3A_2, %get3A_3] : memref<296x128xf32, #tpu.memory_space<vmem>>, vector<32x128xf32>
    %get3A_5 = arith.constant 64 : index
    %get3A_6 = arith.constant 0 : index
    %get3A_7 = vector.load %arg3[%get3A_5, %get3A_6] : memref<296x128xf32, #tpu.memory_space<vmem>>, vector<32x128xf32>
    %get3A_8 = arith.constant 96 : index
    %get3A_9 = arith.constant 0 : index
    %get3A_10 = vector.load %arg3[%get3A_8, %get3A_9] : memref<296x128xf32, #tpu.memory_space<vmem>>, vector<200x128xf32>
    %get3A_11 = arith.constant 0 : index
    %get3A_12 = arith.constant 0 : index
    %get3A_13 = vector.load %arg0[%get3A_11, %get3A_12] : memref<200x32xf32, #tpu.memory_space<vmem>>, vector<200x32xf32>
    %dot_general3A = arith.constant dense<0.000000e+00> : vector<200x128xf32>
    %dot_general3A_14 = tpu.matmul %get3A_13, %get3A_1, %dot_general3A {dimension_numbers = #tpu.dot_dimension_numbers<[1], [0], [0], [1], [0, 0, 1, 1], [], []>, transpose_lhs_hint = false} : vector<200x32xf32>, vector<32x128xf32>, vector<200x128xf32> -> vector<200x128xf32>
    %add3A = arith.addf %dot_general3A_14, %get3A_10 : vector<200x128xf32>
    %get3A_15 = arith.constant 0 : index
    %get3A_16 = arith.constant 0 : index
    %get3A_17 = vector.load %arg4[%get3A_15, %get3A_16] : memref<1x128xf32, #tpu.memory_space<vmem>>, vector<1x128xf32>
    %add3A_18 = vector.broadcast %get3A_17 : vector<1x128xf32> to vector<200x128xf32>
    %add3A_19 = arith.addf %add3A, %add3A_18 : vector<200x128xf32>
    %swap3A = arith.constant 0 : index
    %swap3A_20 = arith.constant 0 : index
    %swap3A_21 = vector.load %arg5[%swap3A, %swap3A_20] : memref<6200x128xf32, #tpu.memory_space<vmem>>, vector<200x128xf32>
    tpu.vector_store %arg5[%swap3A, %swap3A_20], %add3A_19 {strides = array<i32>} : memref<6200x128xf32, #tpu.memory_space<vmem>>, vector<200x128xf32>,
    %get3A_22 = arith.constant 0 : index
    %get3A_23 = arith.constant 0 : index
    %get3A_24 = vector.load %arg1[%get3A_22, %get3A_23] : memref<5000x32xf32, #tpu.memory_space<vmem>>, vector<5000x32xf32>
    %dot_general3A_25 = arith.constant dense<0.000000e+00> : vector<5000x128xf32>
    %dot_general3A_26 = tpu.matmul %get3A_24, %get3A_4, %dot_general3A_25 {dimension_numbers = #tpu.dot_dimension_numbers<[1], [0], [0], [1], [0, 0, 1, 1], [], []>, transpose_lhs_hint = false} : vector<5000x32xf32>, vector<32x128xf32>, vector<5000x128xf32> -> vector<5000x128xf32>
    %swap3A_27 = arith.constant 200 : index
    %swap3A_28 = arith.constant 0 : index
    %swap3A_29 = vector.load %arg5[%swap3A_27, %swap3A_28] : memref<6200x128xf32, #tpu.memory_space<vmem>>, vector<5000x128xf32>
    tpu.vector_store %arg5[%swap3A_27, %swap3A_28], %dot_general3A_26 {strides = array<i32>} : memref<6200x128xf32, #tpu.memory_space<vmem>>, vector<5000x128xf32>,
    %get3A_30 = arith.constant 0 : index
    %get3A_31 = arith.constant 0 : index
    %get3A_32 = vector.load %arg2[%get3A_30, %get3A_31] : memref<1000x32xf32, #tpu.memory_space<vmem>>, vector<1000x32xf32>
    %dot_general3A_33 = arith.constant dense<0.000000e+00> : vector<1000x128xf32>
    %dot_general3A_34 = tpu.matmul %get3A_32, %get3A_7, %dot_general3A_33 {dimension_numbers = #tpu.dot_dimension_numbers<[1], [0], [0], [1], [0, 0, 1, 1], [], []>, transpose_lhs_hint = false} : vector<1000x32xf32>, vector<32x128xf32>, vector<1000x128xf32> -> vector<1000x128xf32>
    %swap3A_35 = arith.constant 5200 : index
    %swap3A_36 = arith.constant 0 : index
    %swap3A_37 = vector.load %arg5[%swap3A_35, %swap3A_36] : memref<6200x128xf32, #tpu.memory_space<vmem>>, vector<1000x128xf32>
    tpu.vector_store %arg5[%swap3A_35, %swap3A_36], %dot_general3A_34 {strides = array<i32>} : memref<6200x128xf32, #tpu.memory_space<vmem>>, vector<1000x128xf32>,
    return
  }
}

module attributes {stable_mosaic.version = 14 : i64} {
  func.func @_post_body(%arg0: i32, %arg1: memref<1x1024x128xf32, #tpu.memory_space<vmem>>, %arg2: memref<1x1024x128xf32, #tpu.memory_space<vmem>>, %arg3: memref<1024x128xf32, #tpu.memory_space<vmem>>, %arg4: memref<1024x128xf32, #tpu.memory_space<vmem>>, %arg5: memref<1024x1xf32, #tpu.memory_space<vmem>>, %arg6: memref<1x128xf32, #tpu.memory_space<vmem>>, %arg7: memref<1x128xf32, #tpu.memory_space<vmem>>, %arg8: memref<1x128xf32, #tpu.memory_space<vmem>>, %arg9: memref<128x128xf32, #tpu.memory_space<vmem>>, %arg10: memref<1024x128xf32, #tpu.memory_space<vmem>>, %arg11: memref<1024x128xf32, #tpu.memory_space<vmem>>) attributes {dimension_semantics = [#tpu.dimension_semantics<arbitrary>], iteration_bounds = array<i64: 10>, scalar_prefetch = 0 : i64, scratch_operands = 0 : i64, tpu.core_type = #tpu.core_type<tc>, window_params = [{transform_indices = @transform_0, window_bounds = array<i64: 1, 1024, 128>}, {transform_indices = @transform_1, window_bounds = array<i64: 1, 1024, 128>}, {transform_indices = @transform_2, window_bounds = array<i64: 1024, 128>}, {transform_indices = @transform_3, window_bounds = array<i64: 1024, 128>}, {transform_indices = @transform_4, window_bounds = array<i64: 1024, 1>}, {pipeline_mode = #tpu.pipeline_mode<synchronous>, transform_indices = @transform_5, window_bounds = array<i64: 1, 128>}, {pipeline_mode = #tpu.pipeline_mode<synchronous>, transform_indices = @transform_6, window_bounds = array<i64: 1, 128>}, {pipeline_mode = #tpu.pipeline_mode<synchronous>, transform_indices = @transform_7, window_bounds = array<i64: 1, 128>}, {pipeline_mode = #tpu.pipeline_mode<synchronous>, transform_indices = @transform_8, window_bounds = array<i64: 128, 128>}, {transform_indices = @transform_9, window_bounds = array<i64: 1024, 128>}, {transform_indices = @transform_10, window_bounds = array<i64: 1024, 128>}]} {
    %get3A = arith.constant 0 : index
    %get3A_0 = arith.constant 0 : index
    %get3A_1 = vector.load %arg5[%get3A, %get3A_0] : memref<1024x1xf32, #tpu.memory_space<vmem>>, vector<1024x1xf32>
    %get3A_2 = arith.constant 0 : index
    %get3A_3 = arith.constant 0 : index
    %get3A_4 = arith.constant 0 : index
    %get3A_5 = vector.load %arg1[%get3A_2, %get3A_3, %get3A_4] : memref<1x1024x128xf32, #tpu.memory_space<vmem>>, vector<1x1024x128xf32>
    %get3A_6 = vector.shape_cast %get3A_5 : vector<1x1024x128xf32> to vector<1024x128xf32>
    %get3A_7 = arith.constant 0 : index
    %get3A_8 = arith.constant 0 : index
    %get3A_9 = arith.constant 0 : index
    %get3A_10 = vector.load %arg2[%get3A_7, %get3A_8, %get3A_9] : memref<1x1024x128xf32, #tpu.memory_space<vmem>>, vector<1x1024x128xf32>
    %get3A_11 = vector.shape_cast %get3A_10 : vector<1x1024x128xf32> to vector<1024x128xf32>
    %add3A = arith.addf %get3A_6, %get3A_11 : vector<1024x128xf32>
    %get3A_12 = arith.constant 0 : index
    %get3A_13 = arith.constant 0 : index
    %get3A_14 = vector.load %arg3[%get3A_12, %get3A_13] : memref<1024x128xf32, #tpu.memory_space<vmem>>, vector<1024x128xf32>
    %add3A_15 = arith.addf %add3A, %get3A_14 : vector<1024x128xf32>
    %mul3A = vector.broadcast %get3A_1 : vector<1024x1xf32> to vector<1024x128xf32>
    %mul3A_16 = arith.mulf %add3A_15, %mul3A : vector<1024x128xf32>
    %get3A_17 = arith.constant 0 : index
    %get3A_18 = arith.constant 0 : index
    %get3A_19 = vector.load %arg6[%get3A_17, %get3A_18] : memref<1x128xf32, #tpu.memory_space<vmem>>, vector<1x128xf32>
    %add3A_20 = vector.broadcast %get3A_19 : vector<1x128xf32> to vector<1024x128xf32>
    %add3A_21 = arith.addf %mul3A_16, %add3A_20 : vector<1024x128xf32>
    %reduce_sum3A = arith.constant dense<0.000000e+00> : vector<1024xf32>
    %reduce_sum3A_22 = vector.multi_reduction <add>, %add3A_21, %reduce_sum3A [1] : vector<1024x128xf32> to vector<1024xf32>
    %broadcast_in_dim3A = vector.shape_cast %reduce_sum3A_22 : vector<1024xf32> to vector<1024x1xf32>
    %div3A = arith.constant 1.280000e+02 : f32
    %div3A_23 = vector.broadcast %div3A : f32 to vector<1024x1xf32>
    %div3A_24 = arith.divf %broadcast_in_dim3A, %div3A_23 : vector<1024x1xf32>
    %sub3A = vector.broadcast %div3A_24 : vector<1024x1xf32> to vector<1024x128xf32>
    %sub3A_25 = arith.subf %add3A_21, %sub3A : vector<1024x128xf32>
    %mul3A_26 = arith.mulf %sub3A_25, %sub3A_25 : vector<1024x128xf32>
    %reduce_sum3A_27 = arith.constant dense<0.000000e+00> : vector<1024xf32>
    %reduce_sum3A_28 = vector.multi_reduction <add>, %mul3A_26, %reduce_sum3A_27 [1] : vector<1024x128xf32> to vector<1024xf32>
    %broadcast_in_dim3A_29 = vector.shape_cast %reduce_sum3A_28 : vector<1024xf32> to vector<1024x1xf32>
    %div3A_30 = arith.constant 1.280000e+02 : f32
    %div3A_31 = vector.broadcast %div3A_30 : f32 to vector<1024x1xf32>
    %div3A_32 = arith.divf %broadcast_in_dim3A_29, %div3A_31 : vector<1024x1xf32>
    %add3A_33 = arith.constant 9.99999974E-6 : f32
    %add3A_34 = vector.broadcast %add3A_33 : f32 to vector<1024x1xf32>
    %add3A_35 = arith.addf %div3A_32, %add3A_34 : vector<1024x1xf32>
    %sqrt3A = math.sqrt %add3A_35 : vector<1024x1xf32>
    %div3A_36 = vector.broadcast %sqrt3A : vector<1024x1xf32> to vector<1024x128xf32>
    %div3A_37 = arith.divf %sub3A_25, %div3A_36 : vector<1024x128xf32>
    %get3A_38 = arith.constant 0 : index
    %get3A_39 = arith.constant 0 : index
    %get3A_40 = vector.load %arg7[%get3A_38, %get3A_39] : memref<1x128xf32, #tpu.memory_space<vmem>>, vector<1x128xf32>
    %mul3A_41 = vector.broadcast %get3A_40 : vector<1x128xf32> to vector<1024x128xf32>
    %mul3A_42 = arith.mulf %div3A_37, %mul3A_41 : vector<1024x128xf32>
    %get3A_43 = arith.constant 0 : index
    %get3A_44 = arith.constant 0 : index
    %get3A_45 = vector.load %arg8[%get3A_43, %get3A_44] : memref<1x128xf32, #tpu.memory_space<vmem>>, vector<1x128xf32>
    %add3A_46 = vector.broadcast %get3A_45 : vector<1x128xf32> to vector<1024x128xf32>
    %add3A_47 = arith.addf %mul3A_42, %add3A_46 : vector<1024x128xf32>
    %get3A_48 = arith.constant 0 : index
    %get3A_49 = arith.constant 0 : index
    %get3A_50 = vector.load %arg4[%get3A_48, %get3A_49] : memref<1024x128xf32, #tpu.memory_space<vmem>>, vector<1024x128xf32>
    %max3A = arith.constant 0.000000e+00 : f32
    %max3A_51 = vector.broadcast %max3A : f32 to vector<1024x128xf32>
    %max3A_52 = arith.maximumf %add3A_47, %max3A_51 : vector<1024x128xf32>
    %add3A_53 = arith.addf %get3A_50, %max3A_52 : vector<1024x128xf32>
    %swap3A = arith.constant 0 : index
    %swap3A_54 = arith.constant 0 : index
    %swap3A_55 = vector.load %arg10[%swap3A, %swap3A_54] : memref<1024x128xf32, #tpu.memory_space<vmem>>, vector<1024x128xf32>
    tpu.vector_store %arg10[%swap3A, %swap3A_54], %add3A_53 {strides = array<i32>} : memref<1024x128xf32, #tpu.memory_space<vmem>>, vector<1024x128xf32>,
    %get3A_56 = arith.constant 0 : index
    %get3A_57 = arith.constant 0 : index
    %get3A_58 = vector.load %arg9[%get3A_56, %get3A_57] : memref<128x128xf32, #tpu.memory_space<vmem>>, vector<128x128xf32>
    %dot_general3A = arith.constant dense<0.000000e+00> : vector<1024x128xf32>
    %dot_general3A_59 = tpu.matmul %add3A_53, %get3A_58, %dot_general3A {dimension_numbers = #tpu.dot_dimension_numbers<[1], [0], [0], [1], [0, 0, 1, 1], [], []>, transpose_lhs_hint = false} : vector<1024x128xf32>, vector<128x128xf32>, vector<1024x128xf32> -> vector<1024x128xf32>
    %mul3A_60 = vector.broadcast %get3A_1 : vector<1024x1xf32> to vector<1024x128xf32>
    %mul3A_61 = arith.mulf %dot_general3A_59, %mul3A_60 : vector<1024x128xf32>
    %swap3A_62 = arith.constant 0 : index
    %swap3A_63 = arith.constant 0 : index
    %swap3A_64 = vector.load %arg11[%swap3A_62, %swap3A_63] : memref<1024x128xf32, #tpu.memory_space<vmem>>, vector<1024x128xf32>
    tpu.vector_store %arg11[%swap3A_62, %swap3A_63], %mul3A_61 {strides = array<i32>} : memref<1024x128xf32, #tpu.memory_space<vmem>>, vector<1024x128xf32>,
    return
  }
  func.func @transform_0(%arg0: i32) -> (i32, i32, i32) {
    %c0_i32 = arith.constant 0 : i32
    %c0_i32_0 = arith.constant 0 : i32
    %c0_i32_1 = arith.constant 0 : i32
    return %c0_i32, %arg0, %c0_i32_0 : i32, i32, i32
  }
  func.func @transform_1(%arg0: i32) -> (i32, i32, i32) {
    %c1_i32 = arith.constant 1 : i32
    %c0_i32 = arith.constant 0 : i32
    %c0_i32_0 = arith.constant 0 : i32
    return %c1_i32, %arg0, %c0_i32 : i32, i32, i32
  }
  func.func @transform_2(%arg0: i32) -> (i32, i32) {
    %c0_i32 = arith.constant 0 : i32
    %c0_i32_0 = arith.constant 0 : i32
    return %arg0, %c0_i32 : i32, i32
  }
  func.func @transform_3(%arg0: i32) -> (i32, i32) {
    %c0_i32 = arith.constant 0 : i32
    %c0_i32_0 = arith.constant 0 : i32
    return %arg0, %c0_i32 : i32, i32
  }
  func.func @transform_4(%arg0: i32) -> (i32, i32) {
    %c0_i32 = arith.constant 0 : i32
    %c0_i32_0 = arith.constant 0 : i32
    return %arg0, %c0_i32 : i32, i32
  }
  func.func @transform_5(%arg0: i32) -> (i32, i32) {
    %c0_i32 = arith.constant 0 : i32
    %c0_i32_0 = arith.constant 0 : i32
    %c0_i32_1 = arith.constant 0 : i32
    return %c0_i32, %c0_i32_0 : i32, i32
  }
  func.func @transform_6(%arg0: i32) -> (i32, i32) {
    %c0_i32 = arith.constant 0 : i32
    %c0_i32_0 = arith.constant 0 : i32
    %c0_i32_1 = arith.constant 0 : i32
    return %c0_i32, %c0_i32_0 : i32, i32
  }
  func.func @transform_7(%arg0: i32) -> (i32, i32) {
    %c0_i32 = arith.constant 0 : i32
    %c0_i32_0 = arith.constant 0 : i32
    %c0_i32_1 = arith.constant 0 : i32
    return %c0_i32, %c0_i32_0 : i32, i32
  }
  func.func @transform_8(%arg0: i32) -> (i32, i32) {
    %c0_i32 = arith.constant 0 : i32
    %c0_i32_0 = arith.constant 0 : i32
    %c0_i32_1 = arith.constant 0 : i32
    return %c0_i32, %c0_i32_0 : i32, i32
  }
  func.func @transform_9(%arg0: i32) -> (i32, i32) {
    %c0_i32 = arith.constant 0 : i32
    %c0_i32_0 = arith.constant 0 : i32
    return %arg0, %c0_i32 : i32, i32
  }
  func.func @transform_10(%arg0: i32) -> (i32, i32) {
    %c0_i32 = arith.constant 0 : i32
    %c0_i32_0 = arith.constant 0 : i32
    return %arg0, %c0_i32 : i32, i32
  }
}

module attributes {stable_mosaic.version = 14 : i64} {
  func.func @_post_body_last(%arg0: i32, %arg1: memref<1x1024x128xf32, #tpu.memory_space<vmem>>, %arg2: memref<1x1024x128xf32, #tpu.memory_space<vmem>>, %arg3: memref<1024x128xf32, #tpu.memory_space<vmem>>, %arg4: memref<1024x128xf32, #tpu.memory_space<vmem>>, %arg5: memref<1024x1xf32, #tpu.memory_space<vmem>>, %arg6: memref<1x128xf32, #tpu.memory_space<vmem>>, %arg7: memref<1x128xf32, #tpu.memory_space<vmem>>, %arg8: memref<1x128xf32, #tpu.memory_space<vmem>>, %arg9: memref<1024x128xf32, #tpu.memory_space<vmem>>) attributes {dimension_semantics = [#tpu.dimension_semantics<arbitrary>], iteration_bounds = array<i64: 10>, scalar_prefetch = 0 : i64, scratch_operands = 0 : i64, tpu.core_type = #tpu.core_type<tc>, window_params = [{transform_indices = @transform_0, window_bounds = array<i64: 1, 1024, 128>}, {transform_indices = @transform_1, window_bounds = array<i64: 1, 1024, 128>}, {transform_indices = @transform_2, window_bounds = array<i64: 1024, 128>}, {transform_indices = @transform_3, window_bounds = array<i64: 1024, 128>}, {transform_indices = @transform_4, window_bounds = array<i64: 1024, 1>}, {pipeline_mode = #tpu.pipeline_mode<synchronous>, transform_indices = @transform_5, window_bounds = array<i64: 1, 128>}, {pipeline_mode = #tpu.pipeline_mode<synchronous>, transform_indices = @transform_6, window_bounds = array<i64: 1, 128>}, {pipeline_mode = #tpu.pipeline_mode<synchronous>, transform_indices = @transform_7, window_bounds = array<i64: 1, 128>}, {transform_indices = @transform_8, window_bounds = array<i64: 1024, 128>}]} {
    %get3A = arith.constant 0 : index
    %get3A_0 = arith.constant 0 : index
    %get3A_1 = vector.load %arg5[%get3A, %get3A_0] : memref<1024x1xf32, #tpu.memory_space<vmem>>, vector<1024x1xf32>
    %get3A_2 = arith.constant 0 : index
    %get3A_3 = arith.constant 0 : index
    %get3A_4 = arith.constant 0 : index
    %get3A_5 = vector.load %arg1[%get3A_2, %get3A_3, %get3A_4] : memref<1x1024x128xf32, #tpu.memory_space<vmem>>, vector<1x1024x128xf32>
    %get3A_6 = vector.shape_cast %get3A_5 : vector<1x1024x128xf32> to vector<1024x128xf32>
    %get3A_7 = arith.constant 0 : index
    %get3A_8 = arith.constant 0 : index
    %get3A_9 = arith.constant 0 : index
    %get3A_10 = vector.load %arg2[%get3A_7, %get3A_8, %get3A_9] : memref<1x1024x128xf32, #tpu.memory_space<vmem>>, vector<1x1024x128xf32>
    %get3A_11 = vector.shape_cast %get3A_10 : vector<1x1024x128xf32> to vector<1024x128xf32>
    %add3A = arith.addf %get3A_6, %get3A_11 : vector<1024x128xf32>
    %get3A_12 = arith.constant 0 : index
    %get3A_13 = arith.constant 0 : index
    %get3A_14 = vector.load %arg3[%get3A_12, %get3A_13] : memref<1024x128xf32, #tpu.memory_space<vmem>>, vector<1024x128xf32>
    %add3A_15 = arith.addf %add3A, %get3A_14 : vector<1024x128xf32>
    %mul3A = vector.broadcast %get3A_1 : vector<1024x1xf32> to vector<1024x128xf32>
    %mul3A_16 = arith.mulf %add3A_15, %mul3A : vector<1024x128xf32>
    %get3A_17 = arith.constant 0 : index
    %get3A_18 = arith.constant 0 : index
    %get3A_19 = vector.load %arg6[%get3A_17, %get3A_18] : memref<1x128xf32, #tpu.memory_space<vmem>>, vector<1x128xf32>
    %add3A_20 = vector.broadcast %get3A_19 : vector<1x128xf32> to vector<1024x128xf32>
    %add3A_21 = arith.addf %mul3A_16, %add3A_20 : vector<1024x128xf32>
    %reduce_sum3A = arith.constant dense<0.000000e+00> : vector<1024xf32>
    %reduce_sum3A_22 = vector.multi_reduction <add>, %add3A_21, %reduce_sum3A [1] : vector<1024x128xf32> to vector<1024xf32>
    %broadcast_in_dim3A = vector.shape_cast %reduce_sum3A_22 : vector<1024xf32> to vector<1024x1xf32>
    %div3A = arith.constant 1.280000e+02 : f32
    %div3A_23 = vector.broadcast %div3A : f32 to vector<1024x1xf32>
    %div3A_24 = arith.divf %broadcast_in_dim3A, %div3A_23 : vector<1024x1xf32>
    %sub3A = vector.broadcast %div3A_24 : vector<1024x1xf32> to vector<1024x128xf32>
    %sub3A_25 = arith.subf %add3A_21, %sub3A : vector<1024x128xf32>
    %mul3A_26 = arith.mulf %sub3A_25, %sub3A_25 : vector<1024x128xf32>
    %reduce_sum3A_27 = arith.constant dense<0.000000e+00> : vector<1024xf32>
    %reduce_sum3A_28 = vector.multi_reduction <add>, %mul3A_26, %reduce_sum3A_27 [1] : vector<1024x128xf32> to vector<1024xf32>
    %broadcast_in_dim3A_29 = vector.shape_cast %reduce_sum3A_28 : vector<1024xf32> to vector<1024x1xf32>
    %div3A_30 = arith.constant 1.280000e+02 : f32
    %div3A_31 = vector.broadcast %div3A_30 : f32 to vector<1024x1xf32>
    %div3A_32 = arith.divf %broadcast_in_dim3A_29, %div3A_31 : vector<1024x1xf32>
    %add3A_33 = arith.constant 9.99999974E-6 : f32
    %add3A_34 = vector.broadcast %add3A_33 : f32 to vector<1024x1xf32>
    %add3A_35 = arith.addf %div3A_32, %add3A_34 : vector<1024x1xf32>
    %sqrt3A = math.sqrt %add3A_35 : vector<1024x1xf32>
    %div3A_36 = vector.broadcast %sqrt3A : vector<1024x1xf32> to vector<1024x128xf32>
    %div3A_37 = arith.divf %sub3A_25, %div3A_36 : vector<1024x128xf32>
    %get3A_38 = arith.constant 0 : index
    %get3A_39 = arith.constant 0 : index
    %get3A_40 = vector.load %arg7[%get3A_38, %get3A_39] : memref<1x128xf32, #tpu.memory_space<vmem>>, vector<1x128xf32>
    %mul3A_41 = vector.broadcast %get3A_40 : vector<1x128xf32> to vector<1024x128xf32>
    %mul3A_42 = arith.mulf %div3A_37, %mul3A_41 : vector<1024x128xf32>
    %get3A_43 = arith.constant 0 : index
    %get3A_44 = arith.constant 0 : index
    %get3A_45 = vector.load %arg8[%get3A_43, %get3A_44] : memref<1x128xf32, #tpu.memory_space<vmem>>, vector<1x128xf32>
    %add3A_46 = vector.broadcast %get3A_45 : vector<1x128xf32> to vector<1024x128xf32>
    %add3A_47 = arith.addf %mul3A_42, %add3A_46 : vector<1024x128xf32>
    %get3A_48 = arith.constant 0 : index
    %get3A_49 = arith.constant 0 : index
    %get3A_50 = vector.load %arg4[%get3A_48, %get3A_49] : memref<1024x128xf32, #tpu.memory_space<vmem>>, vector<1024x128xf32>
    %max3A = arith.constant 0.000000e+00 : f32
    %max3A_51 = vector.broadcast %max3A : f32 to vector<1024x128xf32>
    %max3A_52 = arith.maximumf %add3A_47, %max3A_51 : vector<1024x128xf32>
    %add3A_53 = arith.addf %get3A_50, %max3A_52 : vector<1024x128xf32>
    %swap3A = arith.constant 0 : index
    %swap3A_54 = arith.constant 0 : index
    %swap3A_55 = vector.load %arg9[%swap3A, %swap3A_54] : memref<1024x128xf32, #tpu.memory_space<vmem>>, vector<1024x128xf32>
    tpu.vector_store %arg9[%swap3A, %swap3A_54], %add3A_53 {strides = array<i32>} : memref<1024x128xf32, #tpu.memory_space<vmem>>, vector<1024x128xf32>,
    return
  }
  func.func @transform_0(%arg0: i32) -> (i32, i32, i32) {
    %c0_i32 = arith.constant 0 : i32
    %c0_i32_0 = arith.constant 0 : i32
    %c0_i32_1 = arith.constant 0 : i32
    return %c0_i32, %arg0, %c0_i32_0 : i32, i32, i32
  }
  func.func @transform_1(%arg0: i32) -> (i32, i32, i32) {
    %c1_i32 = arith.constant 1 : i32
    %c0_i32 = arith.constant 0 : i32
    %c0_i32_0 = arith.constant 0 : i32
    return %c1_i32, %arg0, %c0_i32 : i32, i32, i32
  }
  func.func @transform_2(%arg0: i32) -> (i32, i32) {
    %c0_i32 = arith.constant 0 : i32
    %c0_i32_0 = arith.constant 0 : i32
    return %arg0, %c0_i32 : i32, i32
  }
  func.func @transform_3(%arg0: i32) -> (i32, i32) {
    %c0_i32 = arith.constant 0 : i32
    %c0_i32_0 = arith.constant 0 : i32
    return %arg0, %c0_i32 : i32, i32
  }
  func.func @transform_4(%arg0: i32) -> (i32, i32) {
    %c0_i32 = arith.constant 0 : i32
    %c0_i32_0 = arith.constant 0 : i32
    return %arg0, %c0_i32 : i32, i32
  }
  func.func @transform_5(%arg0: i32) -> (i32, i32) {
    %c0_i32 = arith.constant 0 : i32
    %c0_i32_0 = arith.constant 0 : i32
    %c0_i32_1 = arith.constant 0 : i32
    return %c0_i32, %c0_i32_0 : i32, i32
  }
  func.func @transform_6(%arg0: i32) -> (i32, i32) {
    %c0_i32 = arith.constant 0 : i32
    %c0_i32_0 = arith.constant 0 : i32
    %c0_i32_1 = arith.constant 0 : i32
    return %c0_i32, %c0_i32_0 : i32, i32
  }
  func.func @transform_7(%arg0: i32) -> (i32, i32) {
    %c0_i32 = arith.constant 0 : i32
    %c0_i32_0 = arith.constant 0 : i32
    %c0_i32_1 = arith.constant 0 : i32
    return %c0_i32, %c0_i32_0 : i32, i32
  }
  func.func @transform_8(%arg0: i32) -> (i32, i32) {
    %c0_i32 = arith.constant 0 : i32
    %c0_i32_0 = arith.constant 0 : i32
    return %arg0, %c0_i32 : i32, i32
  }
}

module attributes {stable_mosaic.version = 14 : i64} {
  func.func @_pool_body(%arg0: i32, %arg1: memref<1000x128xf32, #tpu.memory_space<vmem>>, %arg2: memref<1000x1xi32, #tpu.memory_space<vmem>>, %arg3: memref<1000x1xi32, #tpu.memory_space<vmem>>, %arg4: memref<456x128xf32, #tpu.memory_space<vmem>>, %arg5: memref<1x128xf32, #tpu.memory_space<vmem>>, %arg6: memref<128x64xf32, #tpu.memory_space<vmem>>, %arg7: memref<1x64xf32, #tpu.memory_space<vmem>>, %arg8: memref<64x50xf32, #tpu.memory_space<vmem>>, %arg9: memref<1x50xf32, #tpu.memory_space<vmem>>, %arg10: memref<64x50xf32, #tpu.memory_space<vmem>>, %arg11: memref<64x456xf32, #tpu.memory_space<vmem>>, %arg12: memref<64x128xf32, #tpu.memory_space<vmem>>, %arg13: memref<64x128xf32, #tpu.memory_space<vmem>>, %arg14: memref<64x200xf32, #tpu.memory_space<vmem>>, %arg15: memref<64x1xf32, #tpu.memory_space<vmem>>) attributes {dimension_semantics = [#tpu.dimension_semantics<arbitrary>], iteration_bounds = array<i64: 10>, scalar_prefetch = 0 : i64, scratch_operands = 4 : i64, tpu.core_type = #tpu.core_type<tc>, window_params = [{transform_indices = @transform_0, window_bounds = array<i64: 1000, 128>}, {transform_indices = @transform_1, window_bounds = array<i64: 1000, 1>}, {transform_indices = @transform_2, window_bounds = array<i64: 1000, 1>}, {pipeline_mode = #tpu.pipeline_mode<synchronous>, transform_indices = @transform_3, window_bounds = array<i64: 456, 128>}, {pipeline_mode = #tpu.pipeline_mode<synchronous>, transform_indices = @transform_4, window_bounds = array<i64: 1, 128>}, {pipeline_mode = #tpu.pipeline_mode<synchronous>, transform_indices = @transform_5, window_bounds = array<i64: 128, 64>}, {pipeline_mode = #tpu.pipeline_mode<synchronous>, transform_indices = @transform_6, window_bounds = array<i64: 1, 64>}, {pipeline_mode = #tpu.pipeline_mode<synchronous>, transform_indices = @transform_7, window_bounds = array<i64: 64, 50>}, {pipeline_mode = #tpu.pipeline_mode<synchronous>, transform_indices = @transform_8, window_bounds = array<i64: 1, 50>}, {pipeline_mode = #tpu.pipeline_mode<synchronous>, transform_indices = @transform_9, window_bounds = array<i64: 64, 50>}, {pipeline_mode = #tpu.pipeline_mode<synchronous>, transform_indices = @transform_10, window_bounds = array<i64: 64, 456>}]} {
    %eq3A = arith.constant 0 : i32
    %eq3A_0 = arith.cmpi eq, %arg0, %eq3A : i32
    %convert_element_type3A = arith.extui %eq3A_0 : i1 to i32
    %cond3A = arith.constant 0 : i32
    %cond3A_1 = arith.cmpi ne, %convert_element_type3A, %cond3A : i32
    scf.if %cond3A_1 {
      %broadcast_in_dim3A_69 = arith.constant 0.000000e+00 : f32
      %broadcast_in_dim3A_70 = vector.broadcast %broadcast_in_dim3A_69 : f32 to vector<64x128xf32>
      %swap3A_71 = arith.constant 0 : index
      %swap3A_72 = arith.constant 0 : index
      %swap3A_73 = vector.load %arg12[%swap3A_71, %swap3A_72] : memref<64x128xf32, #tpu.memory_space<vmem>>, vector<64x128xf32>
      tpu.vector_store %arg12[%swap3A_71, %swap3A_72], %broadcast_in_dim3A_70 {strides = array<i32>} : memref<64x128xf32, #tpu.memory_space<vmem>>, vector<64x128xf32>,
      %broadcast_in_dim3A_74 = arith.constant 0xFF800000 : f32
      %broadcast_in_dim3A_75 = vector.broadcast %broadcast_in_dim3A_74 : f32 to vector<64x128xf32>
      %swap3A_76 = arith.constant 0 : index
      %swap3A_77 = arith.constant 0 : index
      %swap3A_78 = vector.load %arg13[%swap3A_76, %swap3A_77] : memref<64x128xf32, #tpu.memory_space<vmem>>, vector<64x128xf32>
      tpu.vector_store %arg13[%swap3A_76, %swap3A_77], %broadcast_in_dim3A_75 {strides = array<i32>} : memref<64x128xf32, #tpu.memory_space<vmem>>, vector<64x128xf32>,
      %broadcast_in_dim3A_79 = arith.constant 0.000000e+00 : f32
      %broadcast_in_dim3A_80 = vector.broadcast %broadcast_in_dim3A_79 : f32 to vector<64x200xf32>
      %swap3A_81 = arith.constant 0 : index
      %swap3A_82 = arith.constant 0 : index
      %swap3A_83 = vector.load %arg14[%swap3A_81, %swap3A_82] : memref<64x200xf32, #tpu.memory_space<vmem>>, vector<64x200xf32>
      tpu.vector_store %arg14[%swap3A_81, %swap3A_82], %broadcast_in_dim3A_80 {strides = array<i32>} : memref<64x200xf32, #tpu.memory_space<vmem>>, vector<64x200xf32>,
      %broadcast_in_dim3A_84 = arith.constant 0.000000e+00 : f32
      %broadcast_in_dim3A_85 = vector.broadcast %broadcast_in_dim3A_84 : f32 to vector<64x1xf32>
      %swap3A_86 = arith.constant 0 : index
      %swap3A_87 = arith.constant 0 : index
      %swap3A_88 = vector.load %arg15[%swap3A_86, %swap3A_87] : memref<64x1xf32, #tpu.memory_space<vmem>>, vector<64x1xf32>
      tpu.vector_store %arg15[%swap3A_86, %swap3A_87], %broadcast_in_dim3A_85 {strides = array<i32>} : memref<64x1xf32, #tpu.memory_space<vmem>>, vector<64x1xf32>,
    } else {
    }
    %get3A = arith.constant 0 : index
    %get3A_2 = arith.constant 0 : index
    %get3A_3 = vector.load %arg1[%get3A, %get3A_2] : memref<1000x128xf32, #tpu.memory_space<vmem>>, vector<1000x128xf32>
    %get3A_4 = arith.constant 0 : index
    %get3A_5 = arith.constant 0 : index
    %get3A_6 = vector.load %arg2[%get3A_4, %get3A_5] : memref<1000x1xi32, #tpu.memory_space<vmem>>, vector<1000x1xi32>
    %iota3A = tpu.iota {dimensions = array<i32: 1>} : vector<1000x64xi32>
    %eq3A_7 = vector.broadcast %get3A_6 : vector<1000x1xi32> to vector<1000x64xi32>
    %eq3A_8 = arith.cmpi eq, %eq3A_7, %iota3A : vector<1000x64xi32>
    %convert_element_type3A_9 = arith.extui %eq3A_8 : vector<1000x64xi1> to vector<1000x64xi32>
    %convert_element_type3A_10 = arith.sitofp %convert_element_type3A_9 : vector<1000x64xi32> to vector<1000x64xf32>
    %get3A_11 = arith.constant 0 : index
    %get3A_12 = arith.constant 0 : index
    %get3A_13 = vector.load %arg3[%get3A_11, %get3A_12] : memref<1000x1xi32, #tpu.memory_space<vmem>>, vector<1000x1xi32>
    %iota3A_14 = tpu.iota {dimensions = array<i32: 1>} : vector<1000x200xi32>
    %eq3A_15 = vector.broadcast %get3A_13 : vector<1000x1xi32> to vector<1000x200xi32>
    %eq3A_16 = arith.cmpi eq, %eq3A_15, %iota3A_14 : vector<1000x200xi32>
    %convert_element_type3A_17 = arith.extui %eq3A_16 : vector<1000x200xi1> to vector<1000x200xi32>
    %convert_element_type3A_18 = arith.sitofp %convert_element_type3A_17 : vector<1000x200xi32> to vector<1000x200xf32>
    %get3A_19 = arith.constant 0 : index
    %get3A_20 = arith.constant 0 : index
    %get3A_21 = vector.load %arg12[%get3A_19, %get3A_20] : memref<64x128xf32, #tpu.memory_space<vmem>>, vector<64x128xf32>
    %dot_general3A = arith.constant dense<0.000000e+00> : vector<64x128xf32>
    %dot_general3A_22 = tpu.matmul %convert_element_type3A_10, %get3A_3, %dot_general3A {dimension_numbers = #tpu.dot_dimension_numbers<[0], [0], [1], [1], [0, 1, 1, 1], [], []>, transpose_lhs_hint = false} : vector<1000x64xf32>, vector<1000x128xf32>, vector<64x128xf32> -> vector<64x128xf32>
    %add3A = arith.addf %get3A_21, %dot_general3A_22 : vector<64x128xf32>
    %swap3A = arith.constant 0 : index
    %swap3A_23 = arith.constant 0 : index
    %swap3A_24 = vector.load %arg12[%swap3A, %swap3A_23] : memref<64x128xf32, #tpu.memory_space<vmem>>, vector<64x128xf32>
    tpu.vector_store %arg12[%swap3A, %swap3A_23], %add3A {strides = array<i32>} : memref<64x128xf32, #tpu.memory_space<vmem>>, vector<64x128xf32>,
    %get3A_25 = arith.constant 0 : index
    %get3A_26 = arith.constant 0 : index
    %get3A_27 = vector.load %arg14[%get3A_25, %get3A_26] : memref<64x200xf32, #tpu.memory_space<vmem>>, vector<64x200xf32>
    %dot_general3A_28 = arith.constant dense<0.000000e+00> : vector<64x200xf32>
    %dot_general3A_29 = tpu.matmul %convert_element_type3A_10, %convert_element_type3A_18, %dot_general3A_28 {dimension_numbers = #tpu.dot_dimension_numbers<[0], [0], [1], [1], [0, 1, 1, 1], [], []>, transpose_lhs_hint = false} : vector<1000x64xf32>, vector<1000x200xf32>, vector<64x200xf32> -> vector<64x200xf32>
    %add3A_30 = arith.addf %get3A_27, %dot_general3A_29 : vector<64x200xf32>
    %swap3A_31 = arith.constant 0 : index
    %swap3A_32 = arith.constant 0 : index
    %swap3A_33 = vector.load %arg14[%swap3A_31, %swap3A_32] : memref<64x200xf32, #tpu.memory_space<vmem>>, vector<64x200xf32>
    tpu.vector_store %arg14[%swap3A_31, %swap3A_32], %add3A_30 {strides = array<i32>} : memref<64x200xf32, #tpu.memory_space<vmem>>, vector<64x200xf32>,
    %get3A_34 = arith.constant 0 : index
    %get3A_35 = arith.constant 0 : index
    %get3A_36 = vector.load %arg15[%get3A_34, %get3A_35] : memref<64x1xf32, #tpu.memory_space<vmem>>, vector<64x1xf32>
    %broadcast_in_dim3A = arith.constant 1.000000e+00 : f32
    %broadcast_in_dim3A_37 = vector.broadcast %broadcast_in_dim3A : f32 to vector<1000x1xf32>
    %dot_general3A_38 = arith.constant dense<0.000000e+00> : vector<64x1xf32>
    %dot_general3A_39 = tpu.matmul %convert_element_type3A_10, %broadcast_in_dim3A_37, %dot_general3A_38 {dimension_numbers = #tpu.dot_dimension_numbers<[0], [0], [1], [1], [0, 1, 1, 1], [], []>, transpose_lhs_hint = false} : vector<1000x64xf32>, vector<1000x1xf32>, vector<64x1xf32> -> vector<64x1xf32>
    %add3A_40 = arith.addf %get3A_36, %dot_general3A_39 : vector<64x1xf32>
    %swap3A_41 = arith.constant 0 : index
    %swap3A_42 = arith.constant 0 : index
    %swap3A_43 = vector.load %arg15[%swap3A_41, %swap3A_42] : memref<64x1xf32, #tpu.memory_space<vmem>>, vector<64x1xf32>
    tpu.vector_store %arg15[%swap3A_41, %swap3A_42], %add3A_40 {strides = array<i32>} : memref<64x1xf32, #tpu.memory_space<vmem>>, vector<64x1xf32>,
    %get3A_44 = arith.constant 0 : index
    %get3A_45 = arith.constant 0 : index
    %get3A_46 = vector.load %arg2[%get3A_44, %get3A_45] : memref<1000x1xi32, #tpu.memory_space<vmem>>, vector<1x1xi32>
    %get3A_47 = vector.extract %get3A_46[0, 0] : i32 from vector<1x1xi32>
    %get3A_48 = arith.constant 999 : index
    %get3A_49 = arith.constant 0 : index
    %get3A_50 = vector.load %arg2[%get3A_48, %get3A_49] : memref<1000x1xi32, #tpu.memory_space<vmem>>, vector<1x1xi32>
    %get3A_51 = vector.extract %get3A_50[0, 0] : i32 from vector<1x1xi32>
    %add3A_52 = arith.constant 1 : i32
    %add3A_53 = arith.addi %get3A_51, %add3A_52 : i32
    %while3A = arith.constant 0 : i32
    %while3A_54 = arith.subi %add3A_53, %get3A_47 : i32
    %while3A_55 = arith.addi %get3A_47, %while3A_54 : i32
    %while3A_56 = arith.constant 1 : i32
    %while3A_57 = arith.divsi %while3A_54, %while3A_56 : i32
    %while3A_58 = arith.muli %while3A_57, %while3A_56 : i32
    %while3A_59 = arith.addi %get3A_47, %while3A_58 : i32
    %while3A_60 = arith.constant 1 : i32
    %while3A_61 = scf.for %while3A_69 = %get3A_47 to %while3A_59 step %while3A_60 iter_args(%while3A_70 = %while3A) -> (i32)  : i32 {
      %eq3A_71 = vector.broadcast %while3A_69 : i32 to vector<1000x1xi32>
      %eq3A_72 = arith.cmpi eq, %get3A_6, %eq3A_71 : vector<1000x1xi32>
      %jit3A = arith.constant 0xFF800000 : f32
      %broadcast_in_dim3A_73 = vector.shape_cast %eq3A_72 : vector<1000x1xi1> to vector<1000x1xi1>
      %broadcast_in_dim3A_74 = vector.broadcast %broadcast_in_dim3A_73 : vector<1000x1xi1> to vector<1000x128xi1>
      %broadcast_in_dim3A_75 = vector.broadcast %jit3A : f32 to vector<1000x128xf32>
      %select_n3A = arith.select %broadcast_in_dim3A_74, %get3A_3, %broadcast_in_dim3A_75 : vector<1000x128xi1>, vector<1000x128xf32>
      %reduce_max3A = arith.constant dense<0xFF800000> : vector<128xf32>
      %reduce_max3A_76 = vector.multi_reduction <maximumf>, %select_n3A, %reduce_max3A [0] : vector<1000x128xf32> to vector<128xf32>
      %broadcast_in_dim3A_77 = vector.shape_cast %reduce_max3A_76 : vector<128xf32> to vector<1x128xf32>
      %get3A_78 = arith.index_cast %while3A_69 : i32 to index
      %get3A_79 = arith.constant 0 : index
      %get3A_80 = vector.load %arg13[%get3A_78, %get3A_79] : memref<64x128xf32, #tpu.memory_space<vmem>>, vector<1x128xf32>
      %max3A = arith.maximumf %get3A_80, %broadcast_in_dim3A_77 : vector<1x128xf32>
      %swap3A_81 = arith.index_cast %while3A_69 : i32 to index
      %swap3A_82 = arith.constant 0 : index
      %swap3A_83 = vector.load %arg13[%swap3A_81, %swap3A_82] : memref<64x128xf32, #tpu.memory_space<vmem>>, vector<1x128xf32>
      tpu.vector_store %arg13[%swap3A_81, %swap3A_82], %max3A {strides = array<i32>} : memref<64x128xf32, #tpu.memory_space<vmem>>, vector<1x128xf32>,
      %while3A_84 = arith.constant 0 : i32
      scf.yield %while3A_84 : i32
    }
    %while3A_62 = arith.constant 1 : i32
    %while3A_63 = scf.for %while3A_69 = %while3A_59 to %while3A_55 step %while3A_62 iter_args(%while3A_70 = %while3A_61) -> (i32)  : i32 {
      %eq3A_71 = vector.broadcast %while3A_69 : i32 to vector<1000x1xi32>
      %eq3A_72 = arith.cmpi eq, %get3A_6, %eq3A_71 : vector<1000x1xi32>
      %jit3A = arith.constant 0xFF800000 : f32
      %broadcast_in_dim3A_73 = vector.shape_cast %eq3A_72 : vector<1000x1xi1> to vector<1000x1xi1>
      %broadcast_in_dim3A_74 = vector.broadcast %broadcast_in_dim3A_73 : vector<1000x1xi1> to vector<1000x128xi1>
      %broadcast_in_dim3A_75 = vector.broadcast %jit3A : f32 to vector<1000x128xf32>
      %select_n3A = arith.select %broadcast_in_dim3A_74, %get3A_3, %broadcast_in_dim3A_75 : vector<1000x128xi1>, vector<1000x128xf32>
      %reduce_max3A = arith.constant dense<0xFF800000> : vector<128xf32>
      %reduce_max3A_76 = vector.multi_reduction <maximumf>, %select_n3A, %reduce_max3A [0] : vector<1000x128xf32> to vector<128xf32>
      %broadcast_in_dim3A_77 = vector.shape_cast %reduce_max3A_76 : vector<128xf32> to vector<1x128xf32>
      %get3A_78 = arith.index_cast %while3A_69 : i32 to index
      %get3A_79 = arith.constant 0 : index
      %get3A_80 = vector.load %arg13[%get3A_78, %get3A_79] : memref<64x128xf32, #tpu.memory_space<vmem>>, vector<1x128xf32>
      %max3A = arith.maximumf %get3A_80, %broadcast_in_dim3A_77 : vector<1x128xf32>
      %swap3A_81 = arith.index_cast %while3A_69 : i32 to index
      %swap3A_82 = arith.constant 0 : index
      %swap3A_83 = vector.load %arg13[%swap3A_81, %swap3A_82] : memref<64x128xf32, #tpu.memory_space<vmem>>, vector<1x128xf32>
      tpu.vector_store %arg13[%swap3A_81, %swap3A_82], %max3A {strides = array<i32>} : memref<64x128xf32, #tpu.memory_space<vmem>>, vector<1x128xf32>,
      %while3A_84 = arith.constant 0 : i32
      scf.yield %while3A_84 : i32
    }
    %eq3A_64 = arith.constant 9 : i32
    %eq3A_65 = arith.cmpi eq, %arg0, %eq3A_64 : i32
    %convert_element_type3A_66 = arith.extui %eq3A_65 : i1 to i32
    %cond3A_67 = arith.constant 0 : i32
    %cond3A_68 = arith.cmpi ne, %convert_element_type3A_66, %cond3A_67 : i32
    scf.if %cond3A_68 {
      %get3A_69 = arith.constant 0 : index
      %get3A_70 = arith.constant 0 : index
      %get3A_71 = vector.load %arg15[%get3A_69, %get3A_70] : memref<64x1xf32, #tpu.memory_space<vmem>>, vector<64x1xf32>
      %gt3A = arith.constant 0.000000e+00 : f32
      %gt3A_72 = vector.broadcast %gt3A : f32 to vector<64x1xf32>
      %gt3A_73 = arith.cmpf ogt, %get3A_71, %gt3A_72 : vector<64x1xf32>
      %get3A_74 = arith.constant 0 : index
      %get3A_75 = arith.constant 0 : index
      %get3A_76 = vector.load %arg12[%get3A_74, %get3A_75] : memref<64x128xf32, #tpu.memory_space<vmem>>, vector<64x128xf32>
      %max3A = arith.constant 1.000000e+00 : f32
      %max3A_77 = vector.broadcast %max3A : f32 to vector<64x1xf32>
      %max3A_78 = arith.maximumf %get3A_71, %max3A_77 : vector<64x1xf32>
      %div3A = vector.broadcast %max3A_78 : vector<64x1xf32> to vector<64x128xf32>
      %div3A_79 = arith.divf %get3A_76, %div3A : vector<64x128xf32>
      %get3A_80 = arith.constant 0 : index
      %get3A_81 = arith.constant 0 : index
      %get3A_82 = vector.load %arg13[%get3A_80, %get3A_81] : memref<64x128xf32, #tpu.memory_space<vmem>>, vector<64x128xf32>
      %get3A_83 = arith.constant 0 : index
      %get3A_84 = arith.constant 0 : index
      %get3A_85 = vector.load %arg14[%get3A_83, %get3A_84] : memref<64x200xf32, #tpu.memory_space<vmem>>, vector<64x200xf32>
      %gt3A_86 = arith.constant 0.000000e+00 : f32
      %gt3A_87 = vector.broadcast %gt3A_86 : f32 to vector<64x200xf32>
      %gt3A_88 = arith.cmpf ogt, %get3A_85, %gt3A_87 : vector<64x200xf32>
      %convert_element_type3A_89 = arith.extui %gt3A_88 : vector<64x200xi1> to vector<64x200xi32>
      %convert_element_type3A_90 = arith.sitofp %convert_element_type3A_89 : vector<64x200xi32> to vector<64x200xf32>
      %jit3A = arith.constant 0xFF800000 : f32
      %broadcast_in_dim3A_91 = vector.shape_cast %gt3A_73 : vector<64x1xi1> to vector<64x1xi1>
      %broadcast_in_dim3A_92 = vector.broadcast %broadcast_in_dim3A_91 : vector<64x1xi1> to vector<64x200xi1>
      %broadcast_in_dim3A_93 = vector.broadcast %jit3A : f32 to vector<64x200xf32>
      %select_n3A = arith.select %broadcast_in_dim3A_92, %convert_element_type3A_90, %broadcast_in_dim3A_93 : vector<64x200xi1>, vector<64x200xf32>
      %swap3A_94 = arith.constant 0 : index
      %swap3A_95 = arith.constant 0 : index
      %swap3A_96 = vector.load %arg11[%swap3A_94, %swap3A_95] : memref<64x456xf32, #tpu.memory_space<vmem>>, vector<64x128xf32>
      tpu.vector_store %arg11[%swap3A_94, %swap3A_95], %div3A_79 {strides = array<i32>} : memref<64x456xf32, #tpu.memory_space<vmem>>, vector<64x128xf32>,
      %swap3A_97 = arith.constant 0 : index
      %swap3A_98 = arith.constant 128 : index
      %swap3A_99 = vector.load %arg11[%swap3A_97, %swap3A_98] : memref<64x456xf32, #tpu.memory_space<vmem>>, vector<64x128xf32>
      tpu.vector_store %arg11[%swap3A_97, %swap3A_98], %get3A_82 {strides = array<i32>} : memref<64x456xf32, #tpu.memory_space<vmem>>, vector<64x128xf32>,
      %swap3A_100 = arith.constant 0 : index
      %swap3A_101 = arith.constant 256 : index
      %swap3A_102 = vector.load %arg11[%swap3A_100, %swap3A_101] : memref<64x456xf32, #tpu.memory_space<vmem>>, vector<64x200xf32>
      tpu.vector_store %arg11[%swap3A_100, %swap3A_101], %select_n3A {strides = array<i32>} : memref<64x456xf32, #tpu.memory_space<vmem>>, vector<64x200xf32>,
      %get3A_103 = arith.constant 0 : index
      %get3A_104 = arith.constant 0 : index
      %get3A_105 = vector.load %arg4[%get3A_103, %get3A_104] : memref<456x128xf32, #tpu.memory_space<vmem>>, vector<128x128xf32>
      %dot_general3A_106 = arith.constant dense<0.000000e+00> : vector<64x128xf32>
      %dot_general3A_107 = tpu.matmul %div3A_79, %get3A_105, %dot_general3A_106 {dimension_numbers = #tpu.dot_dimension_numbers<[1], [0], [0], [1], [0, 0, 1, 1], [], []>, transpose_lhs_hint = false} : vector<64x128xf32>, vector<128x128xf32>, vector<64x128xf32> -> vector<64x128xf32>
      %get3A_108 = arith.constant 128 : index
      %get3A_109 = arith.constant 0 : index
      %get3A_110 = vector.load %arg4[%get3A_108, %get3A_109] : memref<456x128xf32, #tpu.memory_space<vmem>>, vector<128x128xf32>
      %dot_general3A_111 = arith.constant dense<0.000000e+00> : vector<64x128xf32>
      %dot_general3A_112 = tpu.matmul %get3A_82, %get3A_110, %dot_general3A_111 {dimension_numbers = #tpu.dot_dimension_numbers<[1], [0], [0], [1], [0, 0, 1, 1], [], []>, transpose_lhs_hint = false} : vector<64x128xf32>, vector<128x128xf32>, vector<64x128xf32> -> vector<64x128xf32>
      %add3A_113 = arith.addf %dot_general3A_107, %dot_general3A_112 : vector<64x128xf32>
      %get3A_114 = arith.constant 256 : index
      %get3A_115 = arith.constant 0 : index
      %get3A_116 = vector.load %arg4[%get3A_114, %get3A_115] : memref<456x128xf32, #tpu.memory_space<vmem>>, vector<200x128xf32>
      %dot_general3A_117 = arith.constant dense<0.000000e+00> : vector<64x128xf32>
      %dot_general3A_118 = tpu.matmul %select_n3A, %get3A_116, %dot_general3A_117 {dimension_numbers = #tpu.dot_dimension_numbers<[1], [0], [0], [1], [0, 0, 1, 1], [], []>, transpose_lhs_hint = false} : vector<64x200xf32>, vector<200x128xf32>, vector<64x128xf32> -> vector<64x128xf32>
      %add3A_119 = arith.addf %add3A_113, %dot_general3A_118 : vector<64x128xf32>
      %get3A_120 = arith.constant 0 : index
      %get3A_121 = arith.constant 0 : index
      %get3A_122 = vector.load %arg5[%get3A_120, %get3A_121] : memref<1x128xf32, #tpu.memory_space<vmem>>, vector<1x128xf32>
      %add3A_123 = vector.broadcast %get3A_122 : vector<1x128xf32> to vector<64x128xf32>
      %add3A_124 = arith.addf %add3A_119, %add3A_123 : vector<64x128xf32>
      %max3A_125 = arith.constant 0.000000e+00 : f32
      %max3A_126 = vector.broadcast %max3A_125 : f32 to vector<64x128xf32>
      %max3A_127 = arith.maximumf %add3A_124, %max3A_126 : vector<64x128xf32>
      %get3A_128 = arith.constant 0 : index
      %get3A_129 = arith.constant 0 : index
      %get3A_130 = vector.load %arg6[%get3A_128, %get3A_129] : memref<128x64xf32, #tpu.memory_space<vmem>>, vector<128x64xf32>
      %dot_general3A_131 = arith.constant dense<0.000000e+00> : vector<64x64xf32>
      %dot_general3A_132 = tpu.matmul %max3A_127, %get3A_130, %dot_general3A_131 {dimension_numbers = #tpu.dot_dimension_numbers<[1], [0], [0], [1], [0, 0, 1, 1], [], []>, transpose_lhs_hint = false} : vector<64x128xf32>, vector<128x64xf32>, vector<64x64xf32> -> vector<64x64xf32>
      %get3A_133 = arith.constant 0 : index
      %get3A_134 = arith.constant 0 : index
      %get3A_135 = vector.load %arg7[%get3A_133, %get3A_134] : memref<1x64xf32, #tpu.memory_space<vmem>>, vector<1x64xf32>
      %add3A_136 = vector.broadcast %get3A_135 : vector<1x64xf32> to vector<64x64xf32>
      %add3A_137 = arith.addf %dot_general3A_132, %add3A_136 : vector<64x64xf32>
      %max3A_138 = arith.constant 0.000000e+00 : f32
      %max3A_139 = vector.broadcast %max3A_138 : f32 to vector<64x64xf32>
      %max3A_140 = arith.maximumf %add3A_137, %max3A_139 : vector<64x64xf32>
      %get3A_141 = arith.constant 0 : index
      %get3A_142 = arith.constant 0 : index
      %get3A_143 = vector.load %arg8[%get3A_141, %get3A_142] : memref<64x50xf32, #tpu.memory_space<vmem>>, vector<64x50xf32>
      %dot_general3A_144 = arith.constant dense<0.000000e+00> : vector<64x50xf32>
      %dot_general3A_145 = tpu.matmul %max3A_140, %get3A_143, %dot_general3A_144 {dimension_numbers = #tpu.dot_dimension_numbers<[1], [0], [0], [1], [0, 0, 1, 1], [], []>, transpose_lhs_hint = false} : vector<64x64xf32>, vector<64x50xf32>, vector<64x50xf32> -> vector<64x50xf32>
      %get3A_146 = arith.constant 0 : index
      %get3A_147 = arith.constant 0 : index
      %get3A_148 = vector.load %arg9[%get3A_146, %get3A_147] : memref<1x50xf32, #tpu.memory_space<vmem>>, vector<1x50xf32>
      %add3A_149 = vector.broadcast %get3A_148 : vector<1x50xf32> to vector<64x50xf32>
      %add3A_150 = arith.addf %dot_general3A_145, %add3A_149 : vector<64x50xf32>
      %swap3A_151 = arith.constant 0 : index
      %swap3A_152 = arith.constant 0 : index
      %swap3A_153 = vector.load %arg10[%swap3A_151, %swap3A_152] : memref<64x50xf32, #tpu.memory_space<vmem>>, vector<64x50xf32>
      tpu.vector_store %arg10[%swap3A_151, %swap3A_152], %add3A_150 {strides = array<i32>} : memref<64x50xf32, #tpu.memory_space<vmem>>, vector<64x50xf32>,
    } else {
    }
    return
  }
  func.func @transform_0(%arg0: i32) -> (i32, i32) {
    %c0_i32 = arith.constant 0 : i32
    %c0_i32_0 = arith.constant 0 : i32
    return %arg0, %c0_i32 : i32, i32
  }
  func.func @transform_1(%arg0: i32) -> (i32, i32) {
    %c0_i32 = arith.constant 0 : i32
    %c0_i32_0 = arith.constant 0 : i32
    return %arg0, %c0_i32 : i32, i32
  }
  func.func @transform_2(%arg0: i32) -> (i32, i32) {
    %c0_i32 = arith.constant 0 : i32
    %c0_i32_0 = arith.constant 0 : i32
    return %arg0, %c0_i32 : i32, i32
  }
  func.func @transform_3(%arg0: i32) -> (i32, i32) {
    %c0_i32 = arith.constant 0 : i32
    %c0_i32_0 = arith.constant 0 : i32
    %c0_i32_1 = arith.constant 0 : i32
    return %c0_i32, %c0_i32_0 : i32, i32
  }
  func.func @transform_4(%arg0: i32) -> (i32, i32) {
    %c0_i32 = arith.constant 0 : i32
    %c0_i32_0 = arith.constant 0 : i32
    %c0_i32_1 = arith.constant 0 : i32
    return %c0_i32, %c0_i32_0 : i32, i32
  }
  func.func @transform_5(%arg0: i32) -> (i32, i32) {
    %c0_i32 = arith.constant 0 : i32
    %c0_i32_0 = arith.constant 0 : i32
    %c0_i32_1 = arith.constant 0 : i32
    return %c0_i32, %c0_i32_0 : i32, i32
  }
  func.func @transform_6(%arg0: i32) -> (i32, i32) {
    %c0_i32 = arith.constant 0 : i32
    %c0_i32_0 = arith.constant 0 : i32
    %c0_i32_1 = arith.constant 0 : i32
    return %c0_i32, %c0_i32_0 : i32, i32
  }
  func.func @transform_7(%arg0: i32) -> (i32, i32) {
    %c0_i32 = arith.constant 0 : i32
    %c0_i32_0 = arith.constant 0 : i32
    %c0_i32_1 = arith.constant 0 : i32
    return %c0_i32, %c0_i32_0 : i32, i32
  }
  func.func @transform_8(%arg0: i32) -> (i32, i32) {
    %c0_i32 = arith.constant 0 : i32
    %c0_i32_0 = arith.constant 0 : i32
    %c0_i32_1 = arith.constant 0 : i32
    return %c0_i32, %c0_i32_0 : i32, i32
  }
  func.func @transform_9(%arg0: i32) -> (i32, i32) {
    %c0_i32 = arith.constant 0 : i32
    %c0_i32_0 = arith.constant 0 : i32
    %c0_i32_1 = arith.constant 0 : i32
    return %c0_i32, %c0_i32_0 : i32, i32
  }
  func.func @transform_10(%arg0: i32) -> (i32, i32) {
    %c0_i32 = arith.constant 0 : i32
    %c0_i32_0 = arith.constant 0 : i32
    %c0_i32_1 = arith.constant 0 : i32
    return %c0_i32, %c0_i32_0 : i32, i32
  }
}

</mosaic_0001>

<sc_bundles>
// kernel: kernel.13.cloned.1.call-start
scs
__scs_entry_jumppad:
0x0: {  	(pc) =	sbr.rel $0x88, $3  }
0x1: {  	(tag) =	ssettag $0x0;
	lr =	simm.s32 $0x1  }
0x2: {  	[smem:$0x3F85] =	sst lr;
	_ =	strace $0xD0000000  }
0x3: {  	_ = 	snop  }
0x4: {  	_ = 	snop  }
0x5: {  	_ = 	snop  }
0x6: {  	_ = 	snop  }
0x7: {  	_ = 	snop  }
__scs_overlays_trampoline_lowered:
0x8: {  	[smem:$0x3F94] =	sst s0  }
0x9: {  	[smem:$0x3F95] =	sst s1  }
0xa: {  	[smem:$0x3F96] =	sst s2  }
0xb: {  	[smem:$0x3F97] =	sst s3  }
0xc: {  	[smem:$0x3F98] =	sst s4  }
0xd: {  	[smem:$0x3F99] =	sst s5  }
0xe: {  	[smem:$0x3F9A] =	sst s6  }
0xf: {  	[smem:$0x3F9B] =	sst s7  }
0x10: {  	[smem:$0x3F9C] =	sst s8  }
0x11: {  	[smem:$0x3F9D] =	sst s9;
	s0 =	simm.s32 @!p0 $0x0  }
0x12: {  	s1 =	sld [smem:$0x3F83];
	s0 =	simm.s32 @p0 $0x1  }
0x13: {  	[smem:$0x3F9E] =	sst s0;
	s0 =	simm.s32 @!p1 $0x0  }
0x14: {  	s2 =	sld [smem:$0x3F82];
	s0 =	simm.s32 @p1 $0x1  }
0x15: {  	[smem:$0x3F9F] =	sst s0;
	s0 =	simm.s32 @!p2 $0x0  }
0x16: {  	s3 =	sld [smem:$0x3FDB];
	s0 =	simm.s32 @p2 $0x1  }
0x17: {  	s4 =	simm.s32 $0x1BF5;
	[smem:$0x3FA1] =	sst s0  }
0x18: {  	s0 =	sld [smem:$0x3F84];
	_ =	swait.ge [sflag:s4], $0x0  }
0x19: {  	s7 =	sld [smem:$0x3F85]  }
0x1a: {  	s8 =	sadd.s32 $0xFFFFE003, lr  }
0x1b: {  	s9 =	sadd.s32 $0xFFFFFEF7, lr;
	s5 =	simm.s32 $0xFFFFFFFF;
	p2 =	slt.u32 s8, $0xFFFFF086  }
0x1c: {  	p1 =	slt.u32 s9, $0xF7A;
	s5 =	simm.s32 @!p2 $0x0  }
0x1d: {  	s5 =	simm.s32 @p1 $0x1;
	p0 =	seq.s32 s7, s2  }
0x1e: {  	s7 =	smul.u32 @!p0 $0xF7A, s2;
	p2 =	seq.s32 @!p0 s5, $0x0  }
0x1f: {  	s9 =	smul.u32 $0xF7A, s1;
	s8 =	simm.s32 @!p0 $0x1BF5;
	p2 =	por !p2, p0  }
0x20: {  	[sflag:s8] =	ssyncset.s32 @!p0 $0xFFFFF086;
	s6 =	sadd.s32 @!p0 s3, s7;
	s7 =	simm.s32 @!p0 $0x108  }
0x21: {  	s3 =	sadd.s32 s3, s9;
	s6 =	sadd.s32 @!p0 $0x88, s6;
	s7 =	simm.s32 @p2 $0x1082  }
0x22: {  	[simem:s7], [sflag:s8] =	dma.local @!p0 [hbm:s6], $0xF7A  }
0x23: {  	s9 =	sor.u32 $0xD0000000, s2;
	s6 =	simm.s32 $0x108;
	_ =	swait.ge @!p0 [sflag:s8], $0x0  }
0x24: {  	s3 =	sadd.s32 $0x88, s3;
	s6 =	simm.s32 @!p1 $0x1082;
	[sflag:s4] =	ssyncset.s32 $0xFFFFF086  }
0x25: {  	[simem:s6], [sflag:s4] =	dma.local [hbm:s3], $0xF7A  }
0x26: {  	[smem:$0x3F85] =	sst s1;
	(tag) =	ssettag s2;
	_ =	strace s9  }
0x27: {  	s1 =	sld [smem:$0x3F95]  }
0x28: {  	s2 =	sld [smem:$0x3F96]  }
0x29: {  	s4 =	sld [smem:$0x3F98]  }
0x2a: {  	p0 =	seq.s32 s5, $0x0;
	s5 =	sld [smem:$0x3F99]  }
0x2b: {  	s6 =	sld [smem:$0x3F9A]  }
0x2c: {  	s7 =	sld [smem:$0x3F9B]  }
0x2d: {  	s3 =	simm.s32 $0x108;
	s8 =	sld [smem:$0x3F9C]  }
0x2e: {  	s3 =	simm.s32 @!p0 $0x1082;
	s9 =	sld [smem:$0x3F9D]  }
0x2f: {  	lr =	sadd.s32 s0, s3;
	s0 =	sld [smem:$0x3F94]  }
0x30: {  	s3 =	sld [smem:$0x3F97]  }
0x31: {  	[smem:$0x3FA0] =	sst s10  }
0x32: {  	s10 =	sld [smem:$0x3F9E];
	_ =	sdelay $0x3  }
0x33: {  	p0 =	seq.s32 s10, $0x1;
	s10 =	sld [smem:$0x3FA0];
	_ =	sdelay $0x3  }
0x34: {  	[smem:$0x3FA0] =	sst s10  }
0x35: {  	s10 =	sld [smem:$0x3F9F];
	_ =	sdelay $0x3  }
0x36: {  	p1 =	seq.s32 s10, $0x1;
	s10 =	sld [smem:$0x3FA0];
	_ =	sdelay $0x3  }
0x37: {  	[smem:$0x3FA0] =	sst s10  }
0x38: {  	s10 =	sld [smem:$0x3FA1]  }
0x39: {  	_ = 	snop;
	(pc) =	sbr.ind lr, $3  }
0x3a: {  	_ = 	snop  }
0x3b: {  	_ = 	snop  }
0x3c: {  	p2 =	seq.s32 s10, $0x1;
	s10 =	sld [smem:$0x3FA0]  }
0x3d: {  	_ =	shalt  }
0x3e: {  	_ =	shalt  }
0x3f: {  	_ =	shalt  }
0x40: {  	_ =	shalt  }
0x41: {  	_ =	shalt  }
0x42: {  	_ =	shalt  }
0x43: {  	_ =	shalt  }
0x44: {  	_ =	shalt  }
0x45: {  	_ =	shalt  }
0x46: {  	_ =	shalt  }
0x47: {  	_ =	shalt  }
0x48: {  	_ =	shalt  }
0x49: {  	_ =	shalt  }
0x4a: {  	_ =	shalt  }
0x4b: {  	_ =	shalt  }
0x4c: {  	_ =	shalt  }
0x4d: {  	_ =	shalt  }
0x4e: {  	_ =	shalt  }
0x4f: {  	_ =	shalt  }
0x50: {  	_ =	shalt  }
0x51: {  	_ =	shalt  }
0x52: {  	_ =	shalt  }
0x53: {  	_ =	shalt  }
0x54: {  	_ =	shalt  }
0x55: {  	_ =	shalt  }
0x56: {  	_ =	shalt  }
0x57: {  	_ =	shalt  }
0x58: {  	_ =	shalt  }
0x59: {  	_ =	shalt  }
0x5a: {  	_ =	shalt  }
0x5b: {  	_ =	shalt  }
0x5c: {  	_ =	shalt  }
0x5d: {  	_ =	shalt  }
0x5e: {  	_ =	shalt  }
0x5f: {  	_ =	shalt  }
0x60: {  	_ =	shalt  }
0x61: {  	_ =	shalt  }
0x62: {  	_ =	shalt  }
0x63: {  	_ =	shalt  }
0x64: {  	_ =	shalt  }
0x65: {  	_ =	shalt  }
0x66: {  	_ =	shalt  }
0x67: {  	_ =	shalt  }
0x68: {  	_ =	shalt  }
0x69: {  	_ =	shalt  }
0x6a: {  	_ =	shalt  }
0x6b: {  	_ =	shalt  }
0x6c: {  	_ =	shalt  }
0x6d: {  	_ =	shalt  }
0x6e: {  	_ =	shalt  }
0x6f: {  	_ =	shalt  }
0x70: {  	_ =	shalt  }
0x71: {  	_ =	shalt  }
0x72: {  	_ =	shalt  }
0x73: {  	_ =	shalt  }
0x74: {  	_ =	shalt  }
0x75: {  	_ =	shalt  }
0x76: {  	_ =	shalt  }
0x77: {  	_ =	shalt  }
0x78: {  	_ =	shalt  }
0x79: {  	_ =	shalt  }
0x7a: {  	_ =	shalt  }
0x7b: {  	_ =	shalt  }
0x7c: {  	_ =	shalt  }
0x7d: {  	_ =	shalt  }
0x7e: {  	_ =	shalt  }
0x7f: {  	_ =	shalt  }
0x80: {  	_ =	shalt  }
0x81: {  	_ =	shalt  }
0x82: {  	_ =	shalt  }
0x83: {  	_ =	shalt  }
0x84: {  	_ =	shalt  }
0x85: {  	_ =	shalt  }
0x86: {  	_ =	shalt  }
0x87: {  	_ =	shalt  }
.Lfunc_end0:
.L_simem_size_0:
called_computation_lowered:
.L_overlay_start_0:
0x88: {  	s2 =	sld [smem:$0x3FD9]  }
0x89: {  	s3 =	sld [smem:$0x3FFE];
	_ =	sdelay $0x1  }
0x8a: {  	s1 =	srdreg.scid  }
0x8b: {  	s0 =	sand.u32 $0x1, s1  }
0x8c: {  	s15 =	sshll.u32 s0, $0xA;
	s2 =	sadd.s32 s3, s2  }
0x8d: {  	s2 =	sadd.s32 s2, s15  }
0x8e: {  	[smem:$0x3FAC] =	sst s2  }
0x8f: {  	_ = 	snop  }
0x90: {  	s2 =	sld [smem:$0x3FD0];
	_ =	sdelay $0x2  }
0x91: {  	s16 =	simm.s32 $0xB;
	s4 =	simm.s32 $0x10  }
0x92: {  	[smem:s4], [sflag:s16] =	dma.local [hbm:s2], $0x1  }
0x93: {  	_ =	swait.eq [sflag:s16], $0x1  }
0x94: {  	[sflag:s16] =	ssyncset.done $0x0  }
0x95: {  	[sflag:s16] =	ssyncadd.s32 $0xFFFFFFFF  }
0x96: {  	s17 =	sld [smem:$0x11];
	(tm) =	ssettm $0x1  }
0x97: {  	s18 =	sld [smem:$0x3FFB];
	_ =	sdelay $0x3  }
0x98: {  	_ =	strace s18  }
0x99: {  	s2 =	sld [smem:$0x3FFC];
	_ =	sdelay $0x3  }
0x9a: {  	_ =	strace s2  }
0x9b: {  	s2 =	sld [smem:$0x3FFD];
	_ =	sdelay $0x3  }
0x9c: {  	_ =	strace s2  }
0x9d: {  	_ =	strace $0x8FFFFFFF  }
0x9e: {  	s19 =	sld [smem:$0x3FDB];
	_ =	sdelay $0x1  }
0x9f: {  	s20 =	simm.s32 $_scs_section_size  }
0xa0: {  	s5 =	simm.s32 $_size__tile_overlayer_lowered;
	s6 =	simm.s32 $_tile_overlayer_lowered  }
0xa1: {  	s7 =	simm.s32 $0x1BFF;
	s21 =	sshll.u32 s6, $0x1;
	s4 =	sadd.s32 s20, s19  }
0xa2: {  	s22 =	simm.s32 $0x0;
	s5 =	sshll.u32 s5, $0x1;
	s6 =	sadd.s32 s21, s4  }
0xa3: {  	[timem:s22], [sflag:s7] =	dma.local [hbm:s6], s5  }
0xa4: {  	_ =	swait.ge [sflag:s7], s5  }
0xa5: {  	s5 =	ssub.s32 $0x0, s5;
	[sflag:s7] =	ssyncset.done $0x0  }
0xa6: {  	[sflag:s7] =	ssyncadd.s32 s5;
	_ =	sdelay $0x1  }
0xa7: {  	s23 =	simm.s32 $0x1B8B  }
0xa8: {  	_ =	swait.ge [sflag:s23], $0x1  }
0xa9: {  	[sflag:s23] =	ssyncset.done $0x0  }
0xaa: {  	[sflag:s23] =	ssyncadd.s32 $0xFFFFFFFF  }
0xab: {  	s5 =	sld [smem:$0x0]  }
0xac: {  	s6 =	sand.u32 $0xFFFFFFFE, s1  }
0xad: {  	p0 =	sne.s32 s1, s6  }
0xae: {  	s6 =	sshll.u32 @p0 s6, $0xE  }
0xaf: {  	s6 =	sadd.s32 @p0 $0x11B8D, s6;
	s7 =	sshll.u32 @p0 s5, $0x11  }
0xb0: {  	s6 =	sor.u32 @p0 s7, s6  }
0xb1: {  	[sflag:s6] =	ssyncadd.remote.s32 @p0 $0x1;
	_ =	sdelay $0x1  }
0xb2: {  	s6 =	simm.s32 @p0 $0x1B8D  }
0xb3: {  	_ =	swait.eq @p0 [sflag:s6], $0x1  }
0xb4: {  	[sflag:s6] =	ssyncadd.s32 @p0 $0xFFFFFFFF  }
0xb5: {  	s7 =	sshll.u32 @!p0 s1, $0xE  }
0xb6: {  	s7 =	sor.u32 @!p0 $0x4000, s7;
	s6 =	simm.s32 @!p0 $0x1B8D  }
0xb7: {  	s5 =	sshll.u32 @!p0 s5, $0x11;
	s7 =	sadd.s32 @!p0 $0x11B8D, s7;
	_ =	swait.eq @!p0 [sflag:s6], $0x1  }
0xb8: {  	s5 =	sor.u32 @!p0 s5, s7;
	[sflag:s6] =	ssyncadd.s32 @!p0 $0xFFFFFFFF  }
0xb9: {  	s25 =	simm.s32 $0x1B8E;
	s24 =	sld [smem:$0x3FFE];
	[sflag:s5] =	ssyncadd.remote.s32 @!p0 $0x1  }
0xba: {  	s26 =	simm.s32 $execute0_lowered;
	[smem:$0x3FD2] =	sst s25  }
0xbb: {  	s6 =	sshll.u32 s26, $0x1;
	_ =	strace $0x80000049;
	[dreg:$0x1] =	wrdreg $0xFFFFFFFF  }
0xbc: {  	s28 =	simm.s32 $_size_execute0_lowered;
	s4 =	sadd.s32 s4, s6;
	[dreg:$0x0] =	wrdreg $0x0  }
0xbd: {  	s6 =	sshll.u32 s28, $0x1;
	[dreg:$0x2] =	wrdreg s4  }
0xbe: {  	[dreg:$0x3] =	wrdreg s6  }
0xbf: {  	[dreg:$0x4] =	wrdreg $0xC0  }
0xc0: {  	_ =	task [dreg:s22], $0x5FFFF  }
0xc1: {  	[dreg:$0x1] =	wrdreg $0xFFFFFFFF  }
0xc2: {  	[dreg:$0x0] =	wrdreg $0x60  }
0xc3: {  	[dreg:$0x2] =	wrdreg s24  }
0xc4: {  	[dreg:$0x3] =	wrdreg s17  }
0xc5: {  	[dreg:$0x4] =	wrdreg $0x9  }
0xc6: {  	_ =	task.clear_ibuf [dreg:s22], $0x5FFFF;
	_ =	strace $0x90000049  }
0xc7: {  	s29 =	simm.s32 $0x9;
	_ =	strace $0x8000004B  }
0xc8: {  	_ =	swait.ge [sflag:s29], $0x1  }
0xc9: {  	[sflag:s29] =	ssyncadd.s32 $0xFFFFFFFF  }
0xca: {  	_ =	strace $0x9000004B  }
0xcb: {  	_ =	sfence  }
0xcc: {  	s30 =	sld [smem:$0x0];
	_ =	sdelay $0x2  }
0xcd: {  	s31 =	sshll.u32 s1, $0xD;
	s1 =	sshrl.u32 s1, $0x2  }
0xce: {  	s4 =	sand.u32 $0x4000, s31;
	s1 =	sadd.s32 s1, s30  }
0xcf: {  	s0 =	sor.u32 s4, s0;
	s1 =	sshll.u32 s1, $0x11  }
0xd0: {  	s0 =	sor.u32 s1, s0  }
0xd1: {  	s0 =	sadd.s32 $0x8F2B, s0  }
0xd2: {  	[sflag:s0] =	ssyncadd.remote.s32 $0x1  }
0xd3: {  	_ =	sfence.sel $0xFFFF  }
0xd4: {  	[dreg:$0x0] =	wrdreg $0xFFFFFFFF;
	(pc) =	sbr.abs _section_cstart, $3  }
0xd5: {  	[dreg:$0x1] =	wrdreg $0xFFFFFFFF  }
0xd6: {  	_ =	task.clear_ibuf [dreg:s22], $0x2FFFF;
	_ =	strace $0x9FFFFFFF  }
0xd7: {  	(tm) =	ssettm $0x7FFFFFFF  }
tec
execute0_lowered:
.L_overlay_start_1:
0x0: {  	(tag) =	ssettag $0x1  }
0x1: {  	s0 =	srdreg.scid  }
0x2: {  	s9 =	rddreg [dreg:$0x0];
	s24 =	sand.u32 $0x1, s0  }
0x3: {  	s3 =	rddreg [dreg:$0x1];
	s1 =	stileid.u32;
	s4 =	sshll.u32 s24, $0x4  }
0x4: {  	s2 =	simm.s32 $0x0;
	s0 =	rddreg [dreg:$0x2];
	s10 =	sor.u32 s1, s4  }
0x5: {  	[smem:$0x7FF] =	sst s2;
	s4 =	sshll.u32 s10, $0x7  }
0x6: {  	_ =	strace $0x8000004A;
	s4 =	sadd.s32 s3, s4;
	s3 =	simm.s32 $0x3  }
0x7: {  	[tilespmem:s2], [sflag:$0x3] =	stream.linear.gather [hbm4b:s4+s2], $0x400, $0x38;
	[tilespmem:$0x8400] =	vst v63  }
0x8: {  	_ =	swait.ge [sflag:s3], $0x400  }
0x9: {  	s6 =	simm.s32 $0x80;
	s7 =	simm.s32 $0x400;
	[sflag:s3] =	ssyncset.done $0x0  }
0xa: {  	s8 =	simm.s32 $0x1;
	s5 =	sadd.s32 $0x92800, s9;
	[sflag:s3] =	ssyncadd.s32 $0xFFFFFC00  }
0xb: {  	[tilespmem:s7], [sflag:$0x1] =	stream.indirect.gather [hbm4b:s5+s6], $0x80, s2, s6, $0xb8;
	[tilespmem:$0x8400] =	vst v63  }
0xc: {  	_ =	swait.ge [sflag:s8], $0x4000  }
0xd: {  	s10 =	sshll.u32 s10, $0xE;
	[sflag:s8] =	ssyncset.done $0x0  }
0xe: {  	s25 =	sadd.s32 s10, s9;
	s9 =	simm.s32 $0x4400;
	[sflag:s8] =	ssyncadd.s32 $0xFFFFC000  }
0xf: {  	[tilespmem:s9], [sflag:$0x2] =	stream.indirect.gather [hbm4b:s5+s6], $0x80, s6, s6, $0xb8;
	[tilespmem:$0x8400] =	vst v63  }
0x10: {  	s10 =	sadd.s32 $0xAAC00, s25  }
0x11: {  	[hbm4b:s10+s2] =	stream.linear.scatter [tilespmem:s7], [sflag:$0x3], $0x4000, $0x38;
	[tilespmem:$0x8400] =	vst v63  }
0x12: {  	_ =	swait.ge [sflag:s3], $0x4000  }
0x13: {  	[sflag:s3] =	ssyncset.done $0x0  }
0x14: {  	s11 =	simm.s32 $0x2;
	[sflag:s3] =	ssyncadd.s32 $0xFFFFC000  }
0x15: {  	_ =	swait.ge [sflag:s11], $0x4000  }
0x16: {  	[sflag:s11] =	ssyncset.done $0x0  }
0x17: {  	s12 =	simm.s32 $0x100;
	[sflag:s11] =	ssyncadd.s32 $0xFFFFC000  }
0x18: {  	[tilespmem:s7], [sflag:$0x1] =	stream.indirect.gather [hbm4b:s5+s6], $0x80, s12, s6, $0xb8;
	[tilespmem:$0x8400] =	vst v63  }
0x19: {  	s13 =	sadd.s32 $0xAB400, s25  }
0x1a: {  	[hbm4b:s13+s2] =	stream.linear.scatter [tilespmem:s9], [sflag:$0x3], $0x4000, $0x38;
	[tilespmem:$0x8400] =	vst v63  }
0x1b: {  	_ =	swait.ge [sflag:s3], $0x4000  }
0x1c: {  	[sflag:s3] =	ssyncset.done $0x0  }
0x1d: {  	[sflag:s3] =	ssyncadd.s32 $0xFFFFC000  }
0x1e: {  	_ =	swait.ge [sflag:s8], $0x4000  }
0x1f: {  	[sflag:s8] =	ssyncset.done $0x0  }
0x20: {  	s14 =	simm.s32 $0x180;
	[sflag:s8] =	ssyncadd.s32 $0xFFFFC000  }
0x21: {  	[tilespmem:s9], [sflag:$0x2] =	stream.indirect.gather [hbm4b:s5+s6], $0x80, s14, s6, $0xb8;
	[tilespmem:$0x8400] =	vst v63  }
0x22: {  	s15 =	sadd.s32 $0xABC00, s25  }
0x23: {  	[hbm4b:s15+s2] =	stream.linear.scatter [tilespmem:s7], [sflag:$0x3], $0x4000, $0x38;
	[tilespmem:$0x8400] =	vst v63  }
0x24: {  	_ =	swait.ge [sflag:s3], $0x4000  }
0x25: {  	[sflag:s3] =	ssyncset.done $0x0  }
0x26: {  	[sflag:s3] =	ssyncadd.s32 $0xFFFFC000  }
0x27: {  	_ =	swait.ge [sflag:s11], $0x4000  }
0x28: {  	[sflag:s11] =	ssyncset.done $0x0  }
0x29: {  	s16 =	simm.s32 $0x200;
	[sflag:s11] =	ssyncadd.s32 $0xFFFFC000  }
0x2a: {  	[tilespmem:s7], [sflag:$0x1] =	stream.indirect.gather [hbm4b:s5+s6], $0x80, s16, s6, $0xb8;
	[tilespmem:$0x8400] =	vst v63  }
0x2b: {  	s17 =	sadd.s32 $0xAC400, s25  }
0x2c: {  	[hbm4b:s17+s2] =	stream.linear.scatter [tilespmem:s9], [sflag:$0x3], $0x4000, $0x38;
	[tilespmem:$0x8400] =	vst v63  }
0x2d: {  	_ =	swait.ge [sflag:s3], $0x4000  }
0x2e: {  	[sflag:s3] =	ssyncset.done $0x0  }
0x2f: {  	[sflag:s3] =	ssyncadd.s32 $0xFFFFC000  }
0x30: {  	_ =	swait.ge [sflag:s8], $0x4000  }
0x31: {  	[sflag:s8] =	ssyncset.done $0x0  }
0x32: {  	s18 =	simm.s32 $0x280;
	[sflag:s8] =	ssyncadd.s32 $0xFFFFC000  }
0x33: {  	[tilespmem:s9], [sflag:$0x2] =	stream.indirect.gather [hbm4b:s5+s6], $0x80, s18, s6, $0xb8;
	[tilespmem:$0x8400] =	vst v63  }
0x34: {  	s19 =	sadd.s32 $0xACC00, s25  }
0x35: {  	[hbm4b:s19+s2] =	stream.linear.scatter [tilespmem:s7], [sflag:$0x3], $0x4000, $0x38;
	[tilespmem:$0x8400] =	vst v63  }
0x36: {  	_ =	swait.ge [sflag:s3], $0x4000  }
0x37: {  	[sflag:s3] =	ssyncset.done $0x0  }
0x38: {  	[sflag:s3] =	ssyncadd.s32 $0xFFFFC000  }
0x39: {  	_ =	swait.ge [sflag:s11], $0x4000  }
0x3a: {  	[sflag:s11] =	ssyncset.done $0x0  }
0x3b: {  	s20 =	simm.s32 $0x300;
	[sflag:s11] =	ssyncadd.s32 $0xFFFFC000  }
0x3c: {  	[tilespmem:s7], [sflag:$0x1] =	stream.indirect.gather [hbm4b:s5+s6], $0x80, s20, s6, $0xb8;
	[tilespmem:$0x8400] =	vst v63  }
0x3d: {  	s21 =	sadd.s32 $0xAD400, s25  }
0x3e: {  	[hbm4b:s21+s2] =	stream.linear.scatter [tilespmem:s9], [sflag:$0x3], $0x4000, $0x38;
	[tilespmem:$0x8400] =	vst v63  }
0x3f: {  	_ =	swait.ge [sflag:s3], $0x4000  }
0x40: {  	[sflag:s3] =	ssyncset.done $0x0  }
0x41: {  	[sflag:s3] =	ssyncadd.s32 $0xFFFFC000  }
0x42: {  	_ =	swait.ge [sflag:s8], $0x4000  }
0x43: {  	[sflag:s8] =	ssyncset.done $0x0  }
0x44: {  	s22 =	simm.s32 $0x380;
	[sflag:s8] =	ssyncadd.s32 $0xFFFFC000  }
0x45: {  	[tilespmem:s9], [sflag:$0x2] =	stream.indirect.gather [hbm4b:s5+s6], $0x80, s22, s6, $0xb8;
	[tilespmem:$0x8400] =	vst v63  }
0x46: {  	s24 =	ssub.s32 $0x2, s24;
	s23 =	sadd.s32 $0xADC00, s25  }
0x47: {  	[hbm4b:s23+s2] =	stream.linear.scatter [tilespmem:s7], [sflag:$0x3], $0x4000, $0x38;
	[tilespmem:$0x8400] =	vst v63  }
0x48: {  	s26 =	sshrl.u32 s24, $0x1;
	_ =	swait.ge [sflag:s3], $0x4000  }
0x49: {  	s26 =	ssub.s32 s24, s26;
	[sflag:s3] =	ssyncset.done $0x0  }
0x4a: {  	s31 =	smax.u32 s26, $0x1;
	[sflag:s3] =	ssyncadd.s32 $0xFFFFC000  }
0x4b: {  	p0 =	sne.s32 s31, $0x1;
	_ =	swait.ge [sflag:s11], $0x4000  }
.Ltmp0:
0x4c: {  	[sflag:s11] =	ssyncset.done $0x0;
	(pc) =	sbr.rel @!p0 .LBB2_2-.Ltmp0, $4  }
0x4d: {  	s24 =	sadd.s32 $0xAE400, s25;
	[sflag:s11] =	ssyncadd.s32 $0xFFFFC000  }
0x4e: {  	[hbm4b:s24+s2] =	stream.linear.scatter [tilespmem:s9], [sflag:$0x3], $0x4000, $0x38;
	[tilespmem:$0x8400] =	vst v63  }
0x4f: {  	_ =	swait.ge [sflag:s3], $0x4000  }
0x50: {  	s25 =	sadd.s32 $0xFFFFFFFF, s31;
	[sflag:s3] =	ssyncset.done $0x0  }
.LBB2_1:
0x51: {  	p0 =	sne.s32 s25, $0x1;
	s25 =	sadd.s32 $0xFFFFFFFF, s25;
	[sflag:s3] =	ssyncadd.s32 $0xFFFFC000  }
0x52: {  	[tilespmem:s2], [sflag:$0x3] =	stream.linear.gather [hbm4b:s4+s2], $0x400, $0x38;
	[tilespmem:$0x8400] =	vst v63  }
0x53: {  	_ =	swait.ge [sflag:s3], $0x400  }
0x54: {  	[sflag:s3] =	ssyncset.done $0x0  }
0x55: {  	[sflag:s3] =	ssyncadd.s32 $0xFFFFFC00  }
0x56: {  	[tilespmem:s7], [sflag:$0x1] =	stream.indirect.gather [hbm4b:s5+s6], $0x80, s2, s6, $0xb8;
	[tilespmem:$0x8400] =	vst v63  }
0x57: {  	_ =	swait.ge [sflag:s8], $0x4000  }
0x58: {  	[sflag:s8] =	ssyncset.done $0x0  }
0x59: {  	[sflag:s8] =	ssyncadd.s32 $0xFFFFC000  }
0x5a: {  	[tilespmem:s9], [sflag:$0x2] =	stream.indirect.gather [hbm4b:s5+s6], $0x80, s6, s6, $0xb8;
	[tilespmem:$0x8400] =	vst v63  }
0x5b: {  	_ = 	snop  }
0x5c: {  	[hbm4b:s10+s2] =	stream.linear.scatter [tilespmem:s7], [sflag:$0x3], $0x4000, $0x38;
	[tilespmem:$0x8400] =	vst v63  }
0x5d: {  	_ =	swait.ge [sflag:s3], $0x4000  }
0x5e: {  	[sflag:s3] =	ssyncset.done $0x0  }
0x5f: {  	[sflag:s3] =	ssyncadd.s32 $0xFFFFC000  }
0x60: {  	_ =	swait.ge [sflag:s11], $0x4000  }
0x61: {  	[sflag:s11] =	ssyncset.done $0x0  }
0x62: {  	[sflag:s11] =	ssyncadd.s32 $0xFFFFC000  }
0x63: {  	[tilespmem:s7], [sflag:$0x1] =	stream.indirect.gather [hbm4b:s5+s6], $0x80, s12, s6, $0xb8;
	[tilespmem:$0x8400] =	vst v63  }
0x64: {  	_ = 	snop  }
0x65: {  	[hbm4b:s13+s2] =	stream.linear.scatter [tilespmem:s9], [sflag:$0x3], $0x4000, $0x38;
	[tilespmem:$0x8400] =	vst v63  }
0x66: {  	_ =	swait.ge [sflag:s3], $0x4000  }
0x67: {  	[sflag:s3] =	ssyncset.done $0x0  }
0x68: {  	[sflag:s3] =	ssyncadd.s32 $0xFFFFC000  }
0x69: {  	_ =	swait.ge [sflag:s8], $0x4000  }
0x6a: {  	[sflag:s8] =	ssyncset.done $0x0  }
0x6b: {  	[sflag:s8] =	ssyncadd.s32 $0xFFFFC000  }
0x6c: {  	[tilespmem:s9], [sflag:$0x2] =	stream.indirect.gather [hbm4b:s5+s6], $0x80, s14, s6, $0xb8;
	[tilespmem:$0x8400] =	vst v63  }
0x6d: {  	_ = 	snop  }
0x6e: {  	[hbm4b:s15+s2] =	stream.linear.scatter [tilespmem:s7], [sflag:$0x3], $0x4000, $0x38;
	[tilespmem:$0x8400] =	vst v63  }
0x6f: {  	_ =	swait.ge [sflag:s3], $0x4000  }
0x70: {  	[sflag:s3] =	ssyncset.done $0x0  }
0x71: {  	[sflag:s3] =	ssyncadd.s32 $0xFFFFC000  }
0x72: {  	_ =	swait.ge [sflag:s11], $0x4000  }
0x73: {  	[sflag:s11] =	ssyncset.done $0x0  }
0x74: {  	[sflag:s11] =	ssyncadd.s32 $0xFFFFC000  }
0x75: {  	[tilespmem:s7], [sflag:$0x1] =	stream.indirect.gather [hbm4b:s5+s6], $0x80, s16, s6, $0xb8;
	[tilespmem:$0x8400] =	vst v63  }
0x76: {  	_ = 	snop  }
0x77: {  	[hbm4b:s17+s2] =	stream.linear.scatter [tilespmem:s9], [sflag:$0x3], $0x4000, $0x38;
	[tilespmem:$0x8400] =	vst v63  }
0x78: {  	_ =	swait.ge [sflag:s3], $0x4000  }
0x79: {  	[sflag:s3] =	ssyncset.done $0x0  }
0x7a: {  	[sflag:s3] =	ssyncadd.s32 $0xFFFFC000  }
0x7b: {  	_ =	swait.ge [sflag:s8], $0x4000  }
0x7c: {  	[sflag:s8] =	ssyncset.done $0x0  }
0x7d: {  	[sflag:s8] =	ssyncadd.s32 $0xFFFFC000  }
0x7e: {  	[tilespmem:s9], [sflag:$0x2] =	stream.indirect.gather [hbm4b:s5+s6], $0x80, s18, s6, $0xb8;
	[tilespmem:$0x8400] =	vst v63  }
0x7f: {  	_ = 	snop  }
0x80: {  	[hbm4b:s19+s2] =	stream.linear.scatter [tilespmem:s7], [sflag:$0x3], $0x4000, $0x38;
	[tilespmem:$0x8400] =	vst v63  }
0x81: {  	_ =	swait.ge [sflag:s3], $0x4000  }
0x82: {  	[sflag:s3] =	ssyncset.done $0x0  }
0x83: {  	[sflag:s3] =	ssyncadd.s32 $0xFFFFC000  }
0x84: {  	_ =	swait.ge [sflag:s11], $0x4000  }
0x85: {  	[sflag:s11] =	ssyncset.done $0x0  }
0x86: {  	[sflag:s11] =	ssyncadd.s32 $0xFFFFC000  }
0x87: {  	[tilespmem:s7], [sflag:$0x1] =	stream.indirect.gather [hbm4b:s5+s6], $0x80, s20, s6, $0xb8;
	[tilespmem:$0x8400] =	vst v63  }
0x88: {  	_ = 	snop  }
0x89: {  	[hbm4b:s21+s2] =	stream.linear.scatter [tilespmem:s9], [sflag:$0x3], $0x4000, $0x38;
	[tilespmem:$0x8400] =	vst v63  }
0x8a: {  	_ =	swait.ge [sflag:s3], $0x4000  }
0x8b: {  	[sflag:s3] =	ssyncset.done $0x0  }
0x8c: {  	[sflag:s3] =	ssyncadd.s32 $0xFFFFC000  }
0x8d: {  	_ =	swait.ge [sflag:s8], $0x4000  }
0x8e: {  	[sflag:s8] =	ssyncset.done $0x0  }
0x8f: {  	[sflag:s8] =	ssyncadd.s32 $0xFFFFC000  }
0x90: {  	[tilespmem:s9], [sflag:$0x2] =	stream.indirect.gather [hbm4b:s5+s6], $0x80, s22, s6, $0xb8;
	[tilespmem:$0x8400] =	vst v63  }
0x91: {  	_ = 	snop  }
0x92: {  	[hbm4b:s23+s2] =	stream.linear.scatter [tilespmem:s7], [sflag:$0x3], $0x4000, $0x38;
	[tilespmem:$0x8400] =	vst v63  }
0x93: {  	_ =	swait.ge [sflag:s3], $0x4000  }
0x94: {  	[sflag:s3] =	ssyncset.done $0x0  }
0x95: {  	[sflag:s3] =	ssyncadd.s32 $0xFFFFC000  }
0x96: {  	_ =	swait.ge [sflag:s11], $0x4000  }
.Ltmp1:
0x97: {  	[sflag:s11] =	ssyncset.done $0x0;
	(pc) =	sbr.rel @p0 .LBB2_1-.Ltmp1, $4  }
0x98: {  	[sflag:s11] =	ssyncadd.s32 $0xFFFFC000  }
0x99: {  	[hbm4b:s24+s2] =	stream.linear.scatter [tilespmem:s9], [sflag:$0x3], $0x4000, $0x38;
	[tilespmem:$0x8400] =	vst v63  }
0x9a: {  	_ =	swait.ge [sflag:s3], $0x4000  }
0x9b: {  	[sflag:s3] =	ssyncset.done $0x0  }
.LBB2_2:
0x9c: {  	[sflag:s3] =	ssyncadd.s32 $0xFFFFC000  }
0x9d: {  	_ =	sfence.sel $0x180000  }
0x9e: {  	[bflag:$0x0] =	sbarrier.arrive $0xFFFF  }
0x9f: {  	p0 =	sne.s32 s1, $0x0;
	_ =	strace $0x9000004A  }
0xa0: {  	s0 =	sadd.s32 @!p0 $0x100000, s0;
	[bflag:$0x2] =	sbarrier.arrive $0xFFFF  }
0xa1: {  	[sflag:s0] =	ssyncadd.tile.s32 @!p0 $0x1;
	_ =	shalt  }
.Lfunc_end2:
_tile_overlayer_lowered:
.L_overlay_start_2:
0xa2: {  	(tag) =	ssettag $0x2  }
0xa3: {  	s0 =	rddreg [dreg:$0x0];
	s2 =	stileid.u32  }
0xa4: {  	s1 =	rddreg [dreg:$0x1];
	p0 =	sne.s32 s2, $0x0  }
0xa5: {  	s3 =	rddreg [dreg:$0x2];
	[bflag:$0x3] =	sbarrier.arrive $0xFFFF;
	s2 =	simm.s32 @!p0 $0x1C03  }
0xa6: {  	[timem:s3], [sflag:s2] =	dma.local @!p0 [hbm:s0], s1  }
0xa7: {  	s0 =	simm.s32 @!p0 $0x3  }
0xa8: {  	_ =	swait.ge @!p0 [sflag:s0], s1  }
0xa9: {  	s1 =	ssub.s32 @!p0 $0x0, s1;
	[sflag:s0] =	ssyncset.done @!p0 $0x0  }
0xaa: {  	[sflag:s0] =	ssyncadd.s32 @!p0 s1  }
0xab: {  	[bflag:$0x3] =	sbarrier.arrive $0xFFFF  }
0xac: {  	_ =	shalt  }

// kernel: kernel.16.cloned.1.call-start
scs
__scs_entry_jumppad:
0x0: {  	(pc) =	sbr.rel $0x88, $3  }
0x1: {  	(tag) =	ssettag $0x0;
	lr =	simm.s32 $0x1  }
0x2: {  	[smem:$0x3F85] =	sst lr;
	_ =	strace $0xD0000000  }
0x3: {  	_ = 	snop  }
0x4: {  	_ = 	snop  }
0x5: {  	_ = 	snop  }
0x6: {  	_ = 	snop  }
0x7: {  	_ = 	snop  }
__scs_overlays_trampoline_lowered:
0x8: {  	[smem:$0x3F94] =	sst s0  }
0x9: {  	[smem:$0x3F95] =	sst s1  }
0xa: {  	[smem:$0x3F96] =	sst s2  }
0xb: {  	[smem:$0x3F97] =	sst s3  }
0xc: {  	[smem:$0x3F98] =	sst s4  }
0xd: {  	[smem:$0x3F99] =	sst s5  }
0xe: {  	[smem:$0x3F9A] =	sst s6  }
0xf: {  	[smem:$0x3F9B] =	sst s7  }
0x10: {  	[smem:$0x3F9C] =	sst s8  }
0x11: {  	[smem:$0x3F9D] =	sst s9;
	s0 =	simm.s32 @!p0 $0x0  }
0x12: {  	s1 =	sld [smem:$0x3F83];
	s0 =	simm.s32 @p0 $0x1  }
0x13: {  	[smem:$0x3F9E] =	sst s0;
	s0 =	simm.s32 @!p1 $0x0  }
0x14: {  	s2 =	sld [smem:$0x3F82];
	s0 =	simm.s32 @p1 $0x1  }
0x15: {  	[smem:$0x3F9F] =	sst s0;
	s0 =	simm.s32 @!p2 $0x0  }
0x16: {  	s3 =	sld [smem:$0x3FDB];
	s0 =	simm.s32 @p2 $0x1  }
0x17: {  	s4 =	simm.s32 $0x1BF5;
	[smem:$0x3FA1] =	sst s0  }
0x18: {  	s0 =	sld [smem:$0x3F84];
	_ =	swait.ge [sflag:s4], $0x0  }
0x19: {  	s7 =	sld [smem:$0x3F85]  }
0x1a: {  	s8 =	sadd.s32 $0xFFFFE003, lr  }
0x1b: {  	s9 =	sadd.s32 $0xFFFFFEF7, lr;
	s5 =	simm.s32 $0xFFFFFFFF;
	p2 =	slt.u32 s8, $0xFFFFF086  }
0x1c: {  	p1 =	slt.u32 s9, $0xF7A;
	s5 =	simm.s32 @!p2 $0x0  }
0x1d: {  	s5 =	simm.s32 @p1 $0x1;
	p0 =	seq.s32 s7, s2  }
0x1e: {  	s7 =	smul.u32 @!p0 $0xF7A, s2;
	p2 =	seq.s32 @!p0 s5, $0x0  }
0x1f: {  	s9 =	smul.u32 $0xF7A, s1;
	s8 =	simm.s32 @!p0 $0x1BF5;
	p2 =	por !p2, p0  }
0x20: {  	[sflag:s8] =	ssyncset.s32 @!p0 $0xFFFFF086;
	s6 =	sadd.s32 @!p0 s3, s7;
	s7 =	simm.s32 @!p0 $0x108  }
0x21: {  	s3 =	sadd.s32 s3, s9;
	s6 =	sadd.s32 @!p0 $0x88, s6;
	s7 =	simm.s32 @p2 $0x1082  }
0x22: {  	[simem:s7], [sflag:s8] =	dma.local @!p0 [hbm:s6], $0xF7A  }
0x23: {  	s9 =	sor.u32 $0xD0000000, s2;
	s6 =	simm.s32 $0x108;
	_ =	swait.ge @!p0 [sflag:s8], $0x0  }
0x24: {  	s3 =	sadd.s32 $0x88, s3;
	s6 =	simm.s32 @!p1 $0x1082;
	[sflag:s4] =	ssyncset.s32 $0xFFFFF086  }
0x25: {  	[simem:s6], [sflag:s4] =	dma.local [hbm:s3], $0xF7A  }
0x26: {  	[smem:$0x3F85] =	sst s1;
	(tag) =	ssettag s2;
	_ =	strace s9  }
0x27: {  	s1 =	sld [smem:$0x3F95]  }
0x28: {  	s2 =	sld [smem:$0x3F96]  }
0x29: {  	s4 =	sld [smem:$0x3F98]  }
0x2a: {  	p0 =	seq.s32 s5, $0x0;
	s5 =	sld [smem:$0x3F99]  }
0x2b: {  	s6 =	sld [smem:$0x3F9A]  }
0x2c: {  	s7 =	sld [smem:$0x3F9B]  }
0x2d: {  	s3 =	simm.s32 $0x108;
	s8 =	sld [smem:$0x3F9C]  }
0x2e: {  	s3 =	simm.s32 @!p0 $0x1082;
	s9 =	sld [smem:$0x3F9D]  }
0x2f: {  	lr =	sadd.s32 s0, s3;
	s0 =	sld [smem:$0x3F94]  }
0x30: {  	s3 =	sld [smem:$0x3F97]  }
0x31: {  	[smem:$0x3FA0] =	sst s10  }
0x32: {  	s10 =	sld [smem:$0x3F9E];
	_ =	sdelay $0x3  }
0x33: {  	p0 =	seq.s32 s10, $0x1;
	s10 =	sld [smem:$0x3FA0];
	_ =	sdelay $0x3  }
0x34: {  	[smem:$0x3FA0] =	sst s10  }
0x35: {  	s10 =	sld [smem:$0x3F9F];
	_ =	sdelay $0x3  }
0x36: {  	p1 =	seq.s32 s10, $0x1;
	s10 =	sld [smem:$0x3FA0];
	_ =	sdelay $0x3  }
0x37: {  	[smem:$0x3FA0] =	sst s10  }
0x38: {  	s10 =	sld [smem:$0x3FA1]  }
0x39: {  	_ = 	snop;
	(pc) =	sbr.ind lr, $3  }
0x3a: {  	_ = 	snop  }
0x3b: {  	_ = 	snop  }
0x3c: {  	p2 =	seq.s32 s10, $0x1;
	s10 =	sld [smem:$0x3FA0]  }
0x3d: {  	_ =	shalt  }
0x3e: {  	_ =	shalt  }
0x3f: {  	_ =	shalt  }
0x40: {  	_ =	shalt  }
0x41: {  	_ =	shalt  }
0x42: {  	_ =	shalt  }
0x43: {  	_ =	shalt  }
0x44: {  	_ =	shalt  }
0x45: {  	_ =	shalt  }
0x46: {  	_ =	shalt  }
0x47: {  	_ =	shalt  }
0x48: {  	_ =	shalt  }
0x49: {  	_ =	shalt  }
0x4a: {  	_ =	shalt  }
0x4b: {  	_ =	shalt  }
0x4c: {  	_ =	shalt  }
0x4d: {  	_ =	shalt  }
0x4e: {  	_ =	shalt  }
0x4f: {  	_ =	shalt  }
0x50: {  	_ =	shalt  }
0x51: {  	_ =	shalt  }
0x52: {  	_ =	shalt  }
0x53: {  	_ =	shalt  }
0x54: {  	_ =	shalt  }
0x55: {  	_ =	shalt  }
0x56: {  	_ =	shalt  }
0x57: {  	_ =	shalt  }
0x58: {  	_ =	shalt  }
0x59: {  	_ =	shalt  }
0x5a: {  	_ =	shalt  }
0x5b: {  	_ =	shalt  }
0x5c: {  	_ =	shalt  }
0x5d: {  	_ =	shalt  }
0x5e: {  	_ =	shalt  }
0x5f: {  	_ =	shalt  }
0x60: {  	_ =	shalt  }
0x61: {  	_ =	shalt  }
0x62: {  	_ =	shalt  }
0x63: {  	_ =	shalt  }
0x64: {  	_ =	shalt  }
0x65: {  	_ =	shalt  }
0x66: {  	_ =	shalt  }
0x67: {  	_ =	shalt  }
0x68: {  	_ =	shalt  }
0x69: {  	_ =	shalt  }
0x6a: {  	_ =	shalt  }
0x6b: {  	_ =	shalt  }
0x6c: {  	_ =	shalt  }
0x6d: {  	_ =	shalt  }
0x6e: {  	_ =	shalt  }
0x6f: {  	_ =	shalt  }
0x70: {  	_ =	shalt  }
0x71: {  	_ =	shalt  }
0x72: {  	_ =	shalt  }
0x73: {  	_ =	shalt  }
0x74: {  	_ =	shalt  }
0x75: {  	_ =	shalt  }
0x76: {  	_ =	shalt  }
0x77: {  	_ =	shalt  }
0x78: {  	_ =	shalt  }
0x79: {  	_ =	shalt  }
0x7a: {  	_ =	shalt  }
0x7b: {  	_ =	shalt  }
0x7c: {  	_ =	shalt  }
0x7d: {  	_ =	shalt  }
0x7e: {  	_ =	shalt  }
0x7f: {  	_ =	shalt  }
0x80: {  	_ =	shalt  }
0x81: {  	_ =	shalt  }
0x82: {  	_ =	shalt  }
0x83: {  	_ =	shalt  }
0x84: {  	_ =	shalt  }
0x85: {  	_ =	shalt  }
0x86: {  	_ =	shalt  }
0x87: {  	_ =	shalt  }
.Lfunc_end0:
.L_simem_size_0:
called_computation.1_lowered:
.L_overlay_start_0:
0x88: {  	s2 =	sld [smem:$0x3FD9]  }
0x89: {  	s3 =	sld [smem:$0x3FFE];
	_ =	sdelay $0x1  }
0x8a: {  	s1 =	srdreg.scid  }
0x8b: {  	s0 =	sand.u32 $0x1, s1  }
0x8c: {  	s16 =	sshll.u32 s0, $0xA;
	s2 =	sadd.s32 s3, s2  }
0x8d: {  	s2 =	sadd.s32 s2, s16  }
0x8e: {  	[smem:$0x3FAC] =	sst s2  }
0x8f: {  	_ = 	snop  }
0x90: {  	(tm) =	ssettm $0x1  }
0x91: {  	s17 =	sld [smem:$0x3FFB];
	_ =	sdelay $0x3  }
0x92: {  	_ =	strace s17  }
0x93: {  	s2 =	sld [smem:$0x3FFC];
	_ =	sdelay $0x3  }
0x94: {  	_ =	strace s2  }
0x95: {  	s2 =	sld [smem:$0x3FFD];
	_ =	sdelay $0x3  }
0x96: {  	_ =	strace s2  }
0x97: {  	_ =	strace $0x8FFFFFFF  }
0x98: {  	s18 =	sld [smem:$0x3FDB];
	_ =	sdelay $0x1  }
0x99: {  	s19 =	simm.s32 $_scs_section_size  }
0x9a: {  	s4 =	simm.s32 $_size__tile_overlayer_lowered;
	s5 =	simm.s32 $_tile_overlayer_lowered  }
0x9b: {  	s22 =	simm.s32 $0x1BFF;
	s21 =	sshll.u32 s5, $0x1;
	s2 =	sadd.s32 s19, s18  }
0x9c: {  	s6 =	simm.s32 $0x0;
	s20 =	sshll.u32 s4, $0x1;
	s4 =	sadd.s32 s21, s2  }
0x9d: {  	[timem:s6], [sflag:s22] =	dma.local [hbm:s4], s20  }
0x9e: {  	_ =	swait.ge [sflag:s22], s20  }
0x9f: {  	s3 =	ssub.s32 $0x0, s20;
	[sflag:s22] =	ssyncset.done $0x0  }
0xa0: {  	[sflag:s22] =	ssyncadd.s32 s3;
	_ =	sdelay $0x1  }
0xa1: {  	s23 =	simm.s32 $0x1B8B  }
0xa2: {  	_ =	swait.ge [sflag:s23], $0x1  }
0xa3: {  	[sflag:s23] =	ssyncset.done $0x0  }
0xa4: {  	s25 =	simm.s32 $0x1B8E;
	s24 =	sld [smem:$0x3FFE];
	[sflag:s23] =	ssyncadd.s32 $0xFFFFFFFF  }
0xa5: {  	s26 =	simm.s32 $execute0_lowered;
	[smem:$0x3FD2] =	sst s25  }
0xa6: {  	s4 =	sshll.u32 s26, $0x1;
	_ =	strace $0x80000046;
	[dreg:$0x1] =	wrdreg $0xFFFFFFFF  }
0xa7: {  	s28 =	simm.s32 $_size_execute0_lowered;
	s2 =	sadd.s32 s2, s4;
	[dreg:$0x0] =	wrdreg $0x0  }
0xa8: {  	s4 =	sshll.u32 s28, $0x1;
	[dreg:$0x2] =	wrdreg s2  }
0xa9: {  	[dreg:$0x3] =	wrdreg s4  }
0xaa: {  	[dreg:$0x4] =	wrdreg $0xC0  }
0xab: {  	_ =	task [dreg:s6], $0x5FFFF  }
0xac: {  	[dreg:$0x1] =	wrdreg $0xFFFFFFFF  }
0xad: {  	[dreg:$0x0] =	wrdreg $0x60  }
0xae: {  	[dreg:$0x2] =	wrdreg s24  }
0xaf: {  	[dreg:$0x3] =	wrdreg $0x49000  }
0xb0: {  	[dreg:$0x4] =	wrdreg $0xA  }
0xb1: {  	_ =	task.clear_ibuf [dreg:s6], $0x5FFFF;
	_ =	strace $0x90000046  }
0xb2: {  	s29 =	simm.s32 $0xA;
	_ =	strace $0x80000048  }
0xb3: {  	_ =	swait.ge [sflag:s29], $0x1  }
0xb4: {  	[sflag:s29] =	ssyncadd.s32 $0xFFFFFFFF  }
0xb5: {  	_ =	strace $0x90000048  }
0xb6: {  	_ =	sfence  }
0xb7: {  	s30 =	sld [smem:$0x0];
	_ =	sdelay $0x2  }
0xb8: {  	s31 =	sshll.u32 s1, $0xD;
	s1 =	sshrl.u32 s1, $0x2  }
0xb9: {  	s3 =	sand.u32 $0x4000, s31;
	s1 =	sadd.s32 s1, s30  }
0xba: {  	s0 =	sor.u32 s3, s0;
	s1 =	sshll.u32 s1, $0x11  }
0xbb: {  	s0 =	sor.u32 s1, s0  }
0xbc: {  	s0 =	sadd.s32 $0x8F2B, s0  }
0xbd: {  	[sflag:s0] =	ssyncadd.remote.s32 $0x1  }
0xbe: {  	_ =	sfence.sel $0xFFFF  }
0xbf: {  	[dreg:$0x0] =	wrdreg $0xFFFFFFFF;
	(pc) =	sbr.abs _section_cstart, $3  }
0xc0: {  	[dreg:$0x1] =	wrdreg $0xFFFFFFFF  }
0xc1: {  	_ =	task.clear_ibuf [dreg:s6], $0x2FFFF;
	_ =	strace $0x9FFFFFFF  }
0xc2: {  	(tm) =	ssettm $0x7FFFFFFF  }
0xc3: {  	_ =	shalt  }
tec
execute0_lowered:
.L_overlay_start_1:
0x0: {  	(tag) =	ssettag $0x1  }
0x1: {  	s5 =	rddreg [dreg:$0x0];
	s0 =	srdreg.scid  }
0x2: {  	s2 =	rddreg [dreg:$0x1];
	s1 =	stileid.u32;
	s3 =	simm.s32 $0x0  }
0x3: {  	s14 =	simm.s32 $0x1;
	s15 =	simm.s32 $0x800;
	s16 =	simm.s32 $0x880  }
0x4: {  	s17 =	simm.s32 $0x80;
	s18 =	simm.s32 $0x900;
	s8 =	smul.u32 $0x280, s1  }
0x5: {  	s6 =	sand.u32 $0x1, s0;
	s0 =	rddreg [dreg:$0x2];
	s10 =	smul.u32 $0x50000, s1  }
0x6: {  	s23 =	simm.s32 $0x0;
	[smem:$0x7FF] =	sst s3;
	s7 =	smul.u32 $0x5000, s6  }
0x7: {  	s4 =	sadd.s32 $0x1A800, s5;
	s9 =	smul.u32 $0x2800, s6;
	s6 =	ssub.s32 $0x2, s6  }
0x8: {  	s13 =	smul.u32 $0x500, s1;
	_ =	strace $0x80000047;
	s29 =	sshrl.u32 s6, $0x1  }
0x9: {  	s30 =	sshrl.u32 s10, $0x2;
	s12 =	sadd.s32 s7, s5;
	s28 =	sadd.s32 s9, s8  }
0xa: {  	s31 =	ssub.s32 s6, s29;
	s7 =	sshll.u32 s28, $0x4;
	s13 =	sadd.s32 s13, s12  }
0xb: {  	s11 =	sadd.s32 s7, s5;
	s5 =	sadd.s32 s30, s2;
	s7 =	smax.u32 s31, $0x1  }
0xc: {  	s12 =	sadd.s32 $0x10800, s13;
	s13 =	sadd.s32 $0x6800, s13;
	s6 =	sadd.s32 $0x42800, s11  }
0xd: {  	s19 =	sadd.s32 $0x4000, s5;
	s8 =	sadd.s32 $0x43000, s11;
	s20 =	sadd.s32 $0x8000, s5  }
0xe: {  	s9 =	sadd.s32 $0x43800, s11;
	s21 =	sadd.s32 $0xC000, s5;
	s10 =	sadd.s32 $0x44000, s11  }
0xf: {  	s22 =	sadd.s32 $0x10000, s5;
	s11 =	sadd.s32 $0x44800, s11;
	s19 =	sshrl.u32 s19, $0x3  }
0x10: {  	v0 =	vimm.f32 $0.0e+00;
	s20 =	sshrl.u32 s20, $0x3;
	s21 =	sshrl.u32 s21, $0x3;
	s22 =	sshrl.u32 s22, $0x3  }
.LBB2_1:
0x11: {  	s24 =	simm.s32 $0x0;
	s25 =	simm.s32 $0x200  }
.LBB2_2:
0x12: {  	p0 =	sne.s32 s25, $0x1E00;
	[tilespmem:s24+$0x70] =	vst v0  }
0x13: {  	[tilespmem:s24+$0x0] =	vst v0  }
0x14: {  	[tilespmem:s24+$0x10] =	vst v0  }
.Ltmp0:
0x15: {  	[tilespmem:s24+$0x20] =	vst v0;
	(pc) =	sbr.rel @p0 .LBB2_2-.Ltmp0, $4  }
0x16: {  	[tilespmem:s24+$0x30] =	vst v0  }
0x17: {  	[tilespmem:s24+$0x40] =	vst v0  }
0x18: {  	[tilespmem:s24+$0x50] =	vst v0  }
0x19: {  	[tilespmem:s24+$0x60] =	vst v0;
	s24 =	sshra.s32 s25, $0x2;
	s25 =	sadd.s32 $0x200, s25  }
0x1a: {  	[tilespmem:s24+$0x70] =	vst v0  }
0x1b: {  	[tilespmem:s24+$0x0] =	vst v0  }
0x1c: {  	[tilespmem:s24+$0x10] =	vst v0  }
0x1d: {  	[tilespmem:s24+$0x20] =	vst v0  }
0x1e: {  	[tilespmem:s24+$0x30] =	vst v0  }
0x1f: {  	[tilespmem:s24+$0x40] =	vst v0  }
0x20: {  	[tilespmem:s24+$0x50] =	vst v0  }
0x21: {  	[tilespmem:s24+$0x60] =	vst v0;
	s31 =	sadd.s32 $0x0, s5  }
0x22: {  	[spmem:s31] =	stream.linear.scatter [tilespmem:s3], [sflag:$0x1], $0x800, $0x38;
	[tilespmem:$0x18900] =	vst v63  }
0x23: {  	s24 =	simm.s32 $0x2000;
	_ =	swait.ge [sflag:s14], $0x800  }
.LBB2_4:
0x24: {  	s25 =	sshra.s32 s24, $0x2;
	[sflag:s14] =	ssyncset.done $0x0;
	p0 =	sne.s32 s24, $0x4E000  }
.Ltmp1:
0x25: {  	s25 =	sadd.s32 s25, s5;
	[sflag:s14] =	ssyncadd.s32 $0xFFFFF800;
	(pc) =	sbr.rel @p0 .LBB2_4-.Ltmp1, $3  }
0x26: {  	[spmem:s25] =	stream.linear.scatter [tilespmem:s3], [sflag:$0x1], $0x800, $0x38;
	[tilespmem:$0x18900] =	vst v63  }
0x27: {  	s24 =	sadd.s32 $0x2000, s24;
	_ =	sdelay $0x1  }
0x28: {  	_ =	swait.ge [sflag:s14], $0x800  }
0x29: {  	[sflag:s14] =	ssyncset.done $0x0  }
0x2a: {  	[sflag:s14] =	ssyncadd.s32 $0xFFFFF800  }
0x2b: {  	s24 =	sadd.s32 $0x0, s13;
	[bflag:$0x0] =	sbarrier.arrive $0xFFFF  }
0x2c: {  	[tilespmem:s15], [sflag:$0x1] =	stream.linear.gather [hbm4b:s24+s3], $0x80, $0x38;
	[tilespmem:$0x18900] =	vst v63  }
0x2d: {  	_ =	swait.ge [sflag:s14], $0x80  }
0x2e: {  	[sflag:s14] =	ssyncset.done $0x0  }
0x2f: {  	s31 =	sadd.s32 $0x0, s12;
	[sflag:s14] =	ssyncadd.s32 $0xFFFFFF80  }
0x30: {  	[tilespmem:s16], [sflag:$0x1] =	stream.linear.gather [hbm4b:s31+s3], $0x80, $0x38;
	[tilespmem:$0x18900] =	vst v63  }
0x31: {  	_ =	swait.ge [sflag:s14], $0x80  }
0x32: {  	[sflag:s14] =	ssyncset.done $0x0  }
0x33: {  	[sflag:s14] =	ssyncadd.s32 $0xFFFFFF80  }
0x34: {  	[tilespmem:s18], [sflag:$0x1] =	stream.indirect.gather [hbm4b:s4+s17], $0x80, s15, s17, $0xb8;
	[tilespmem:$0x18900] =	vst v63  }
0x35: {  	_ =	swait.ge [sflag:s14], $0x4000  }
0x36: {  	[sflag:s14] =	ssyncset.done $0x0  }
0x37: {  	[sflag:s14] =	ssyncadd.s32 $0xFFFFC000  }
0x38: {  	[spmem:s2] =	stream.indirect.scatter.add.f32 [tilespmem:s18], [sflag:$0x1], $0x80, s16, s17, $0xb8;
	[tilespmem:$0x18900] =	vst v63  }
0x39: {  	_ =	swait.ge [sflag:s14], $0x4000  }
0x3a: {  	s25 =	simm.s32 $0x20;
	s24 =	simm.s32 $0x10;
	[sflag:s14] =	ssyncset.done $0x0  }
.LBB2_6:
0x3b: {  	s26 =	sadd.s32 s24, s13  }
0x3c: {  	[sflag:s14] =	ssyncadd.s32 $0xFFFFC000;
	s28 =	smov.u32 s25;
	s29 =	sadd.s32 $0x10, s25  }
0x3d: {  	[tilespmem:s15], [sflag:$0x1] =	stream.linear.gather [hbm4b:s26+s3], $0x80, $0x38;
	[tilespmem:$0x18900] =	vst v63  }
0x3e: {  	p0 =	sne.s32 s25, $0x4F0;
	_ =	swait.ge [sflag:s14], $0x80  }
0x3f: {  	[sflag:s14] =	ssyncset.done $0x0  }
0x40: {  	s25 =	sadd.s32 s24, s12;
	s24 =	smov.u32 s28;
	[sflag:s14] =	ssyncadd.s32 $0xFFFFFF80  }
0x41: {  	[tilespmem:s16], [sflag:$0x1] =	stream.linear.gather [hbm4b:s25+s3], $0x80, $0x38;
	[tilespmem:$0x18900] =	vst v63  }
0x42: {  	_ =	swait.ge [sflag:s14], $0x80  }
0x43: {  	[sflag:s14] =	ssyncset.done $0x0  }
0x44: {  	[sflag:s14] =	ssyncadd.s32 $0xFFFFFF80  }
0x45: {  	[tilespmem:s18], [sflag:$0x1] =	stream.indirect.gather [hbm4b:s4+s17], $0x80, s15, s17, $0xb8;
	[tilespmem:$0x18900] =	vst v63  }
0x46: {  	_ =	swait.ge [sflag:s14], $0x4000  }
.Ltmp2:
0x47: {  	[sflag:s14] =	ssyncset.done $0x0;
	(pc) =	sbr.rel @p0 .LBB2_6-.Ltmp2, $4  }
0x48: {  	[sflag:s14] =	ssyncadd.s32 $0xFFFFC000  }
0x49: {  	[spmem:s2] =	stream.indirect.scatter.add.f32 [tilespmem:s18], [sflag:$0x1], $0x80, s16, s17, $0xb8;
	[tilespmem:$0x18900] =	vst v63  }
0x4a: {  	_ =	swait.ge [sflag:s14], $0x4000  }
0x4b: {  	s25 =	smov.u32 s29;
	[sflag:s14] =	ssyncset.done $0x0  }
0x4c: {  	s25 =	sadd.s32 s24, s13;
	[sflag:s14] =	ssyncadd.s32 $0xFFFFC000  }
0x4d: {  	[tilespmem:s15], [sflag:$0x1] =	stream.linear.gather [hbm4b:s25+s3], $0x80, $0x38;
	[tilespmem:$0x18900] =	vst v63  }
0x4e: {  	_ =	swait.ge [sflag:s14], $0x80  }
0x4f: {  	[sflag:s14] =	ssyncset.done $0x0  }
0x50: {  	s29 =	sadd.s32 s24, s12;
	[sflag:s14] =	ssyncadd.s32 $0xFFFFFF80  }
0x51: {  	[tilespmem:s16], [sflag:$0x1] =	stream.linear.gather [hbm4b:s29+s3], $0x80, $0x38;
	[tilespmem:$0x18900] =	vst v63  }
0x52: {  	_ =	swait.ge [sflag:s14], $0x80  }
0x53: {  	[sflag:s14] =	ssyncset.done $0x0  }
0x54: {  	[sflag:s14] =	ssyncadd.s32 $0xFFFFFF80  }
0x55: {  	[tilespmem:s18], [sflag:$0x1] =	stream.indirect.gather [hbm4b:s4+s17], $0x80, s15, s17, $0xb8;
	[tilespmem:$0x18900] =	vst v63  }
0x56: {  	_ =	swait.ge [sflag:s14], $0x4000  }
0x57: {  	[sflag:s14] =	ssyncset.done $0x0  }
0x58: {  	[sflag:s14] =	ssyncadd.s32 $0xFFFFC000  }
0x59: {  	[spmem:s2] =	stream.indirect.scatter.add.f32 [tilespmem:s18], [sflag:$0x1], $0x80, s16, s17, $0xb8;
	[tilespmem:$0x18900] =	vst v63  }
0x5a: {  	_ =	swait.ge [sflag:s14], $0x4000  }
0x5b: {  	[sflag:s14] =	ssyncset.done $0x0  }
0x5c: {  	s30 =	sshll.u32 s1, $0x6;
	[sflag:s14] =	ssyncadd.s32 $0xFFFFC000  }
0x5d: {  	s31 =	sshrl.u32 s5, $0x3;
	s24 =	sor.u32 $0x1C01, s30;
	[bflag:$0x0] =	sbarrier.arrive $0xFFFF  }
0x5e: {  	[hbm:s6], [sflag:s24] =	dma.local [spmem:s31], $0x800  }
0x5f: {  	_ =	swait.ge [sflag:s14], $0x800  }
0x60: {  	[sflag:s14] =	ssyncset.done $0x0  }
0x61: {  	[sflag:s14] =	ssyncadd.s32 $0xFFFFF800  }
0x62: {  	[hbm:s8], [sflag:s24] =	dma.local [spmem:s19], $0x800  }
0x63: {  	_ =	swait.ge [sflag:s14], $0x800  }
0x64: {  	[sflag:s14] =	ssyncset.done $0x0  }
0x65: {  	[sflag:s14] =	ssyncadd.s32 $0xFFFFF800  }
0x66: {  	[hbm:s9], [sflag:s24] =	dma.local [spmem:s20], $0x800  }
0x67: {  	_ =	swait.ge [sflag:s14], $0x800  }
0x68: {  	[sflag:s14] =	ssyncset.done $0x0  }
0x69: {  	[sflag:s14] =	ssyncadd.s32 $0xFFFFF800  }
0x6a: {  	[hbm:s10], [sflag:s24] =	dma.local [spmem:s21], $0x800  }
0x6b: {  	s23 =	sadd.s32 $0x1, s23;
	_ =	swait.ge [sflag:s14], $0x800  }
0x6c: {  	p0 =	sne.s32 s23, s7;
	[sflag:s14] =	ssyncset.done $0x0  }
.Ltmp3:
0x6d: {  	[sflag:s14] =	ssyncadd.s32 $0xFFFFF800;
	(pc) =	sbr.rel @p0 .LBB2_1-.Ltmp3, $4  }
0x6e: {  	[hbm:s11], [sflag:s24] =	dma.local [spmem:s22], $0x800  }
0x6f: {  	_ =	swait.ge [sflag:s14], $0x800  }
0x70: {  	[sflag:s14] =	ssyncset.done $0x0  }
0x71: {  	[sflag:s14] =	ssyncadd.s32 $0xFFFFF800  }
0x72: {  	_ =	sfence.sel $0x180000  }
0x73: {  	[bflag:$0x0] =	sbarrier.arrive $0xFFFF  }
0x74: {  	p0 =	sne.s32 s1, $0x0;
	_ =	strace $0x90000047  }
0x75: {  	s0 =	sadd.s32 @!p0 $0x100000, s0;
	[bflag:$0x2] =	sbarrier.arrive $0xFFFF  }
0x76: {  	[sflag:s0] =	ssyncadd.tile.s32 @!p0 $0x1;
	_ =	shalt  }
.Lfunc_end2:
_tile_overlayer_lowered:
.L_overlay_start_2:
0x77: {  	(tag) =	ssettag $0x2  }
0x78: {  	s0 =	rddreg [dreg:$0x0];
	s2 =	stileid.u32  }
0x79: {  	s1 =	rddreg [dreg:$0x1];
	p0 =	sne.s32 s2, $0x0  }
0x7a: {  	s3 =	rddreg [dreg:$0x2];
	[bflag:$0x3] =	sbarrier.arrive $0xFFFF;
	s2 =	simm.s32 @!p0 $0x1C01  }
0x7b: {  	[timem:s3], [sflag:s2] =	dma.local @!p0 [hbm:s0], s1  }
0x7c: {  	s0 =	simm.s32 @!p0 $0x1  }
0x7d: {  	_ =	swait.ge @!p0 [sflag:s0], s1  }
0x7e: {  	s1 =	ssub.s32 @!p0 $0x0, s1;
	[sflag:s0] =	ssyncset.done @!p0 $0x0  }
0x7f: {  	[sflag:s0] =	ssyncadd.s32 @!p0 s1  }
0x80: {  	[bflag:$0x3] =	sbarrier.arrive $0xFFFF  }
0x81: {  	_ =	shalt  }

// kernel: kernel.19.cloned.1.call-start
scs
__scs_entry_jumppad:
0x0: {  	(pc) =	sbr.rel $0x88, $3  }
0x1: {  	(tag) =	ssettag $0x0;
	lr =	simm.s32 $0x1  }
0x2: {  	[smem:$0x3F85] =	sst lr;
	_ =	strace $0xD0000000  }
0x3: {  	_ = 	snop  }
0x4: {  	_ = 	snop  }
0x5: {  	_ = 	snop  }
0x6: {  	_ = 	snop  }
0x7: {  	_ = 	snop  }
__scs_overlays_trampoline_lowered:
0x8: {  	[smem:$0x3F94] =	sst s0  }
0x9: {  	[smem:$0x3F95] =	sst s1  }
0xa: {  	[smem:$0x3F96] =	sst s2  }
0xb: {  	[smem:$0x3F97] =	sst s3  }
0xc: {  	[smem:$0x3F98] =	sst s4  }
0xd: {  	[smem:$0x3F99] =	sst s5  }
0xe: {  	[smem:$0x3F9A] =	sst s6  }
0xf: {  	[smem:$0x3F9B] =	sst s7  }
0x10: {  	[smem:$0x3F9C] =	sst s8  }
0x11: {  	[smem:$0x3F9D] =	sst s9;
	s0 =	simm.s32 @!p0 $0x0  }
0x12: {  	s1 =	sld [smem:$0x3F83];
	s0 =	simm.s32 @p0 $0x1  }
0x13: {  	[smem:$0x3F9E] =	sst s0;
	s0 =	simm.s32 @!p1 $0x0  }
0x14: {  	s2 =	sld [smem:$0x3F82];
	s0 =	simm.s32 @p1 $0x1  }
0x15: {  	[smem:$0x3F9F] =	sst s0;
	s0 =	simm.s32 @!p2 $0x0  }
0x16: {  	s3 =	sld [smem:$0x3FDB];
	s0 =	simm.s32 @p2 $0x1  }
0x17: {  	s4 =	simm.s32 $0x1BF5;
	[smem:$0x3FA1] =	sst s0  }
0x18: {  	s0 =	sld [smem:$0x3F84];
	_ =	swait.ge [sflag:s4], $0x0  }
0x19: {  	s7 =	sld [smem:$0x3F85]  }
0x1a: {  	s8 =	sadd.s32 $0xFFFFE003, lr  }
0x1b: {  	s9 =	sadd.s32 $0xFFFFFEF7, lr;
	s5 =	simm.s32 $0xFFFFFFFF;
	p2 =	slt.u32 s8, $0xFFFFF086  }
0x1c: {  	p1 =	slt.u32 s9, $0xF7A;
	s5 =	simm.s32 @!p2 $0x0  }
0x1d: {  	s5 =	simm.s32 @p1 $0x1;
	p0 =	seq.s32 s7, s2  }
0x1e: {  	s7 =	smul.u32 @!p0 $0xF7A, s2;
	p2 =	seq.s32 @!p0 s5, $0x0  }
0x1f: {  	s9 =	smul.u32 $0xF7A, s1;
	s8 =	simm.s32 @!p0 $0x1BF5;
	p2 =	por !p2, p0  }
0x20: {  	[sflag:s8] =	ssyncset.s32 @!p0 $0xFFFFF086;
	s6 =	sadd.s32 @!p0 s3, s7;
	s7 =	simm.s32 @!p0 $0x108  }
0x21: {  	s3 =	sadd.s32 s3, s9;
	s6 =	sadd.s32 @!p0 $0x88, s6;
	s7 =	simm.s32 @p2 $0x1082  }
0x22: {  	[simem:s7], [sflag:s8] =	dma.local @!p0 [hbm:s6], $0xF7A  }
0x23: {  	s9 =	sor.u32 $0xD0000000, s2;
	s6 =	simm.s32 $0x108;
	_ =	swait.ge @!p0 [sflag:s8], $0x0  }
0x24: {  	s3 =	sadd.s32 $0x88, s3;
	s6 =	simm.s32 @!p1 $0x1082;
	[sflag:s4] =	ssyncset.s32 $0xFFFFF086  }
0x25: {  	[simem:s6], [sflag:s4] =	dma.local [hbm:s3], $0xF7A  }
0x26: {  	[smem:$0x3F85] =	sst s1;
	(tag) =	ssettag s2;
	_ =	strace s9  }
0x27: {  	s1 =	sld [smem:$0x3F95]  }
0x28: {  	s2 =	sld [smem:$0x3F96]  }
0x29: {  	s4 =	sld [smem:$0x3F98]  }
0x2a: {  	p0 =	seq.s32 s5, $0x0;
	s5 =	sld [smem:$0x3F99]  }
0x2b: {  	s6 =	sld [smem:$0x3F9A]  }
0x2c: {  	s7 =	sld [smem:$0x3F9B]  }
0x2d: {  	s3 =	simm.s32 $0x108;
	s8 =	sld [smem:$0x3F9C]  }
0x2e: {  	s3 =	simm.s32 @!p0 $0x1082;
	s9 =	sld [smem:$0x3F9D]  }
0x2f: {  	lr =	sadd.s32 s0, s3;
	s0 =	sld [smem:$0x3F94]  }
0x30: {  	s3 =	sld [smem:$0x3F97]  }
0x31: {  	[smem:$0x3FA0] =	sst s10  }
0x32: {  	s10 =	sld [smem:$0x3F9E];
	_ =	sdelay $0x3  }
0x33: {  	p0 =	seq.s32 s10, $0x1;
	s10 =	sld [smem:$0x3FA0];
	_ =	sdelay $0x3  }
0x34: {  	[smem:$0x3FA0] =	sst s10  }
0x35: {  	s10 =	sld [smem:$0x3F9F];
	_ =	sdelay $0x3  }
0x36: {  	p1 =	seq.s32 s10, $0x1;
	s10 =	sld [smem:$0x3FA0];
	_ =	sdelay $0x3  }
0x37: {  	[smem:$0x3FA0] =	sst s10  }
0x38: {  	s10 =	sld [smem:$0x3FA1]  }
0x39: {  	_ = 	snop;
	(pc) =	sbr.ind lr, $3  }
0x3a: {  	_ = 	snop  }
0x3b: {  	_ = 	snop  }
0x3c: {  	p2 =	seq.s32 s10, $0x1;
	s10 =	sld [smem:$0x3FA0]  }
0x3d: {  	_ =	shalt  }
0x3e: {  	_ =	shalt  }
0x3f: {  	_ =	shalt  }
0x40: {  	_ =	shalt  }
0x41: {  	_ =	shalt  }
0x42: {  	_ =	shalt  }
0x43: {  	_ =	shalt  }
0x44: {  	_ =	shalt  }
0x45: {  	_ =	shalt  }
0x46: {  	_ =	shalt  }
0x47: {  	_ =	shalt  }
0x48: {  	_ =	shalt  }
0x49: {  	_ =	shalt  }
0x4a: {  	_ =	shalt  }
0x4b: {  	_ =	shalt  }
0x4c: {  	_ =	shalt  }
0x4d: {  	_ =	shalt  }
0x4e: {  	_ =	shalt  }
0x4f: {  	_ =	shalt  }
0x50: {  	_ =	shalt  }
0x51: {  	_ =	shalt  }
0x52: {  	_ =	shalt  }
0x53: {  	_ =	shalt  }
0x54: {  	_ =	shalt  }
0x55: {  	_ =	shalt  }
0x56: {  	_ =	shalt  }
0x57: {  	_ =	shalt  }
0x58: {  	_ =	shalt  }
0x59: {  	_ =	shalt  }
0x5a: {  	_ =	shalt  }
0x5b: {  	_ =	shalt  }
0x5c: {  	_ =	shalt  }
0x5d: {  	_ =	shalt  }
0x5e: {  	_ =	shalt  }
0x5f: {  	_ =	shalt  }
0x60: {  	_ =	shalt  }
0x61: {  	_ =	shalt  }
0x62: {  	_ =	shalt  }
0x63: {  	_ =	shalt  }
0x64: {  	_ =	shalt  }
0x65: {  	_ =	shalt  }
0x66: {  	_ =	shalt  }
0x67: {  	_ =	shalt  }
0x68: {  	_ =	shalt  }
0x69: {  	_ =	shalt  }
0x6a: {  	_ =	shalt  }
0x6b: {  	_ =	shalt  }
0x6c: {  	_ =	shalt  }
0x6d: {  	_ =	shalt  }
0x6e: {  	_ =	shalt  }
0x6f: {  	_ =	shalt  }
0x70: {  	_ =	shalt  }
0x71: {  	_ =	shalt  }
0x72: {  	_ =	shalt  }
0x73: {  	_ =	shalt  }
0x74: {  	_ =	shalt  }
0x75: {  	_ =	shalt  }
0x76: {  	_ =	shalt  }
0x77: {  	_ =	shalt  }
0x78: {  	_ =	shalt  }
0x79: {  	_ =	shalt  }
0x7a: {  	_ =	shalt  }
0x7b: {  	_ =	shalt  }
0x7c: {  	_ =	shalt  }
0x7d: {  	_ =	shalt  }
0x7e: {  	_ =	shalt  }
0x7f: {  	_ =	shalt  }
0x80: {  	_ =	shalt  }
0x81: {  	_ =	shalt  }
0x82: {  	_ =	shalt  }
0x83: {  	_ =	shalt  }
0x84: {  	_ =	shalt  }
0x85: {  	_ =	shalt  }
0x86: {  	_ =	shalt  }
0x87: {  	_ =	shalt  }
.Lfunc_end0:
.L_simem_size_0:
called_computation.2_lowered:
.L_overlay_start_0:
0x88: {  	s2 =	sld [smem:$0x3FD9]  }
0x89: {  	s3 =	sld [smem:$0x3FFE];
	_ =	sdelay $0x1  }
0x8a: {  	s1 =	srdreg.scid  }
0x8b: {  	s0 =	sand.u32 $0x1, s1  }
0x8c: {  	s16 =	sshll.u32 s0, $0xA;
	s2 =	sadd.s32 s3, s2  }
0x8d: {  	s2 =	sadd.s32 s2, s16  }
0x8e: {  	[smem:$0x3FAC] =	sst s2  }
0x8f: {  	_ = 	snop  }
0x90: {  	(tm) =	ssettm $0x1  }
0x91: {  	s17 =	sld [smem:$0x3FFB];
	_ =	sdelay $0x3  }
0x92: {  	_ =	strace s17  }
0x93: {  	s2 =	sld [smem:$0x3FFC];
	_ =	sdelay $0x3  }
0x94: {  	_ =	strace s2  }
0x95: {  	s2 =	sld [smem:$0x3FFD];
	_ =	sdelay $0x3  }
0x96: {  	_ =	strace s2  }
0x97: {  	_ =	strace $0x8FFFFFFF  }
0x98: {  	s18 =	sld [smem:$0x3FDB];
	_ =	sdelay $0x1  }
0x99: {  	s19 =	simm.s32 $_scs_section_size  }
0x9a: {  	s4 =	simm.s32 $_size__tile_overlayer_lowered;
	s5 =	simm.s32 $_tile_overlayer_lowered  }
0x9b: {  	s22 =	simm.s32 $0x1BFF;
	s21 =	sshll.u32 s5, $0x1;
	s2 =	sadd.s32 s19, s18  }
0x9c: {  	s6 =	simm.s32 $0x0;
	s20 =	sshll.u32 s4, $0x1;
	s4 =	sadd.s32 s21, s2  }
0x9d: {  	[timem:s6], [sflag:s22] =	dma.local [hbm:s4], s20  }
0x9e: {  	_ =	swait.ge [sflag:s22], s20  }
0x9f: {  	s3 =	ssub.s32 $0x0, s20;
	[sflag:s22] =	ssyncset.done $0x0  }
0xa0: {  	[sflag:s22] =	ssyncadd.s32 s3;
	_ =	sdelay $0x1  }
0xa1: {  	s23 =	simm.s32 $0x1B8B  }
0xa2: {  	_ =	swait.ge [sflag:s23], $0x1  }
0xa3: {  	[sflag:s23] =	ssyncset.done $0x0  }
0xa4: {  	s25 =	simm.s32 $0x1B8E;
	s24 =	sld [smem:$0x3FFE];
	[sflag:s23] =	ssyncadd.s32 $0xFFFFFFFF  }
0xa5: {  	s26 =	simm.s32 $execute0_lowered;
	[smem:$0x3FD2] =	sst s25  }
0xa6: {  	s4 =	sshll.u32 s26, $0x1;
	_ =	strace $0x8000004C;
	[dreg:$0x1] =	wrdreg $0xFFFFFFFF  }
0xa7: {  	s28 =	simm.s32 $_size_execute0_lowered;
	s2 =	sadd.s32 s2, s4;
	[dreg:$0x0] =	wrdreg $0x0  }
0xa8: {  	s4 =	sshll.u32 s28, $0x1;
	[dreg:$0x2] =	wrdreg s2  }
0xa9: {  	[dreg:$0x3] =	wrdreg s4  }
0xaa: {  	[dreg:$0x4] =	wrdreg $0xC0  }
0xab: {  	_ =	task [dreg:s6], $0x5FFFF  }
0xac: {  	[dreg:$0x1] =	wrdreg $0xFFFFFFFF  }
0xad: {  	[dreg:$0x0] =	wrdreg $0x60  }
0xae: {  	[dreg:$0x2] =	wrdreg s24  }
0xaf: {  	[dreg:$0x3] =	wrdreg $0x49000  }
0xb0: {  	[dreg:$0x4] =	wrdreg $0x9  }
0xb1: {  	_ =	task.clear_ibuf [dreg:s6], $0x5FFFF;
	_ =	strace $0x9000004C  }
0xb2: {  	s29 =	simm.s32 $0x9;
	_ =	strace $0x8000004E  }
0xb3: {  	_ =	swait.ge [sflag:s29], $0x1  }
0xb4: {  	[sflag:s29] =	ssyncadd.s32 $0xFFFFFFFF  }
0xb5: {  	_ =	strace $0x9000004E  }
0xb6: {  	_ =	sfence  }
0xb7: {  	s30 =	sld [smem:$0x0];
	_ =	sdelay $0x2  }
0xb8: {  	s31 =	sshll.u32 s1, $0xD;
	s1 =	sshrl.u32 s1, $0x2  }
0xb9: {  	s3 =	sand.u32 $0x4000, s31;
	s1 =	sadd.s32 s1, s30  }
0xba: {  	s0 =	sor.u32 s3, s0;
	s1 =	sshll.u32 s1, $0x11  }
0xbb: {  	s0 =	sor.u32 s1, s0  }
0xbc: {  	s0 =	sadd.s32 $0x8F2B, s0  }
0xbd: {  	[sflag:s0] =	ssyncadd.remote.s32 $0x1  }
0xbe: {  	_ =	sfence.sel $0xFFFF  }
0xbf: {  	[dreg:$0x0] =	wrdreg $0xFFFFFFFF;
	(pc) =	sbr.abs _section_cstart, $3  }
0xc0: {  	[dreg:$0x1] =	wrdreg $0xFFFFFFFF  }
0xc1: {  	_ =	task.clear_ibuf [dreg:s6], $0x2FFFF;
	_ =	strace $0x9FFFFFFF  }
0xc2: {  	(tm) =	ssettm $0x7FFFFFFF  }
0xc3: {  	_ =	shalt  }
tec
execute0_lowered:
.L_overlay_start_1:
0x0: {  	(tag) =	ssettag $0x1  }
0x1: {  	s5 =	rddreg [dreg:$0x0];
	s0 =	srdreg.scid  }
0x2: {  	s2 =	rddreg [dreg:$0x1];
	s1 =	stileid.u32;
	s3 =	simm.s32 $0x0  }
0x3: {  	s14 =	simm.s32 $0x1;
	s15 =	simm.s32 $0x800;
	s16 =	simm.s32 $0x880  }
0x4: {  	s17 =	simm.s32 $0x80;
	s18 =	simm.s32 $0x900;
	s8 =	smul.u32 $0x280, s1  }
0x5: {  	s6 =	sand.u32 $0x1, s0;
	s0 =	rddreg [dreg:$0x2];
	s10 =	smul.u32 $0x50000, s1  }
0x6: {  	s23 =	simm.s32 $0x0;
	[smem:$0x7FF] =	sst s3;
	s7 =	smul.u32 $0x5000, s6  }
0x7: {  	s4 =	sadd.s32 $0x1A800, s5;
	s9 =	smul.u32 $0x2800, s6;
	s6 =	ssub.s32 $0x2, s6  }
0x8: {  	s13 =	smul.u32 $0x500, s1;
	_ =	strace $0x8000004D;
	s29 =	sshrl.u32 s6, $0x1  }
0x9: {  	s30 =	sshrl.u32 s10, $0x2;
	s12 =	sadd.s32 s7, s5;
	s28 =	sadd.s32 s9, s8  }
0xa: {  	s31 =	ssub.s32 s6, s29;
	s7 =	sshll.u32 s28, $0x4;
	s13 =	sadd.s32 s13, s12  }
0xb: {  	s11 =	sadd.s32 s7, s5;
	s5 =	sadd.s32 s30, s2;
	s7 =	smax.u32 s31, $0x1  }
0xc: {  	s12 =	sadd.s32 $0x10800, s13;
	s13 =	sadd.s32 $0x6800, s13;
	s6 =	sadd.s32 $0x6A800, s11  }
0xd: {  	s19 =	sadd.s32 $0x4000, s5;
	s8 =	sadd.s32 $0x6B000, s11;
	s20 =	sadd.s32 $0x8000, s5  }
0xe: {  	s9 =	sadd.s32 $0x6B800, s11;
	s21 =	sadd.s32 $0xC000, s5;
	s10 =	sadd.s32 $0x6C000, s11  }
0xf: {  	s22 =	sadd.s32 $0x10000, s5;
	s11 =	sadd.s32 $0x6C800, s11;
	s19 =	sshrl.u32 s19, $0x3  }
0x10: {  	v0 =	vimm.f32 $0.0e+00;
	s20 =	sshrl.u32 s20, $0x3;
	s21 =	sshrl.u32 s21, $0x3;
	s22 =	sshrl.u32 s22, $0x3  }
.LBB2_1:
0x11: {  	s24 =	simm.s32 $0x0;
	s25 =	simm.s32 $0x200  }
.LBB2_2:
0x12: {  	p0 =	sne.s32 s25, $0x1E00;
	[tilespmem:s24+$0x70] =	vst v0  }
0x13: {  	[tilespmem:s24+$0x0] =	vst v0  }
0x14: {  	[tilespmem:s24+$0x10] =	vst v0  }
.Ltmp0:
0x15: {  	[tilespmem:s24+$0x20] =	vst v0;
	(pc) =	sbr.rel @p0 .LBB2_2-.Ltmp0, $4  }
0x16: {  	[tilespmem:s24+$0x30] =	vst v0  }
0x17: {  	[tilespmem:s24+$0x40] =	vst v0  }
0x18: {  	[tilespmem:s24+$0x50] =	vst v0  }
0x19: {  	[tilespmem:s24+$0x60] =	vst v0;
	s24 =	sshra.s32 s25, $0x2;
	s25 =	sadd.s32 $0x200, s25  }
0x1a: {  	[tilespmem:s24+$0x70] =	vst v0  }
0x1b: {  	[tilespmem:s24+$0x0] =	vst v0  }
0x1c: {  	[tilespmem:s24+$0x10] =	vst v0  }
0x1d: {  	[tilespmem:s24+$0x20] =	vst v0  }
0x1e: {  	[tilespmem:s24+$0x30] =	vst v0  }
0x1f: {  	[tilespmem:s24+$0x40] =	vst v0  }
0x20: {  	[tilespmem:s24+$0x50] =	vst v0  }
0x21: {  	[tilespmem:s24+$0x60] =	vst v0;
	s31 =	sadd.s32 $0x0, s5  }
0x22: {  	[spmem:s31] =	stream.linear.scatter [tilespmem:s3], [sflag:$0x1], $0x800, $0x38;
	[tilespmem:$0x18900] =	vst v63  }
0x23: {  	s24 =	simm.s32 $0x2000;
	_ =	swait.ge [sflag:s14], $0x800  }
.LBB2_4:
0x24: {  	s25 =	sshra.s32 s24, $0x2;
	[sflag:s14] =	ssyncset.done $0x0;
	p0 =	sne.s32 s24, $0x4E000  }
.Ltmp1:
0x25: {  	s25 =	sadd.s32 s25, s5;
	[sflag:s14] =	ssyncadd.s32 $0xFFFFF800;
	(pc) =	sbr.rel @p0 .LBB2_4-.Ltmp1, $3  }
0x26: {  	[spmem:s25] =	stream.linear.scatter [tilespmem:s3], [sflag:$0x1], $0x800, $0x38;
	[tilespmem:$0x18900] =	vst v63  }
0x27: {  	s24 =	sadd.s32 $0x2000, s24;
	_ =	sdelay $0x1  }
0x28: {  	_ =	swait.ge [sflag:s14], $0x800  }
0x29: {  	[sflag:s14] =	ssyncset.done $0x0  }
0x2a: {  	[sflag:s14] =	ssyncadd.s32 $0xFFFFF800  }
0x2b: {  	s24 =	sadd.s32 $0x0, s13;
	[bflag:$0x0] =	sbarrier.arrive $0xFFFF  }
0x2c: {  	[tilespmem:s15], [sflag:$0x1] =	stream.linear.gather [hbm4b:s24+s3], $0x80, $0x38;
	[tilespmem:$0x18900] =	vst v63  }
0x2d: {  	_ =	swait.ge [sflag:s14], $0x80  }
0x2e: {  	[sflag:s14] =	ssyncset.done $0x0  }
0x2f: {  	s31 =	sadd.s32 $0x0, s12;
	[sflag:s14] =	ssyncadd.s32 $0xFFFFFF80  }
0x30: {  	[tilespmem:s16], [sflag:$0x1] =	stream.linear.gather [hbm4b:s31+s3], $0x80, $0x38;
	[tilespmem:$0x18900] =	vst v63  }
0x31: {  	_ =	swait.ge [sflag:s14], $0x80  }
0x32: {  	[sflag:s14] =	ssyncset.done $0x0  }
0x33: {  	[sflag:s14] =	ssyncadd.s32 $0xFFFFFF80  }
0x34: {  	[tilespmem:s18], [sflag:$0x1] =	stream.indirect.gather [hbm4b:s4+s17], $0x80, s15, s17, $0xb8;
	[tilespmem:$0x18900] =	vst v63  }
0x35: {  	_ =	swait.ge [sflag:s14], $0x4000  }
0x36: {  	[sflag:s14] =	ssyncset.done $0x0  }
0x37: {  	[sflag:s14] =	ssyncadd.s32 $0xFFFFC000  }
0x38: {  	[spmem:s2] =	stream.indirect.scatter.add.f32 [tilespmem:s18], [sflag:$0x1], $0x80, s16, s17, $0xb8;
	[tilespmem:$0x18900] =	vst v63  }
0x39: {  	_ =	swait.ge [sflag:s14], $0x4000  }
0x3a: {  	s25 =	simm.s32 $0x20;
	s24 =	simm.s32 $0x10;
	[sflag:s14] =	ssyncset.done $0x0  }
.LBB2_6:
0x3b: {  	s26 =	sadd.s32 s24, s13  }
0x3c: {  	[sflag:s14] =	ssyncadd.s32 $0xFFFFC000;
	s28 =	smov.u32 s25;
	s29 =	sadd.s32 $0x10, s25  }
0x3d: {  	[tilespmem:s15], [sflag:$0x1] =	stream.linear.gather [hbm4b:s26+s3], $0x80, $0x38;
	[tilespmem:$0x18900] =	vst v63  }
0x3e: {  	p0 =	sne.s32 s25, $0x4F0;
	_ =	swait.ge [sflag:s14], $0x80  }
0x3f: {  	[sflag:s14] =	ssyncset.done $0x0  }
0x40: {  	s25 =	sadd.s32 s24, s12;
	s24 =	smov.u32 s28;
	[sflag:s14] =	ssyncadd.s32 $0xFFFFFF80  }
0x41: {  	[tilespmem:s16], [sflag:$0x1] =	stream.linear.gather [hbm4b:s25+s3], $0x80, $0x38;
	[tilespmem:$0x18900] =	vst v63  }
0x42: {  	_ =	swait.ge [sflag:s14], $0x80  }
0x43: {  	[sflag:s14] =	ssyncset.done $0x0  }
0x44: {  	[sflag:s14] =	ssyncadd.s32 $0xFFFFFF80  }
0x45: {  	[tilespmem:s18], [sflag:$0x1] =	stream.indirect.gather [hbm4b:s4+s17], $0x80, s15, s17, $0xb8;
	[tilespmem:$0x18900] =	vst v63  }
0x46: {  	_ =	swait.ge [sflag:s14], $0x4000  }
.Ltmp2:
0x47: {  	[sflag:s14] =	ssyncset.done $0x0;
	(pc) =	sbr.rel @p0 .LBB2_6-.Ltmp2, $4  }
0x48: {  	[sflag:s14] =	ssyncadd.s32 $0xFFFFC000  }
0x49: {  	[spmem:s2] =	stream.indirect.scatter.add.f32 [tilespmem:s18], [sflag:$0x1], $0x80, s16, s17, $0xb8;
	[tilespmem:$0x18900] =	vst v63  }
0x4a: {  	_ =	swait.ge [sflag:s14], $0x4000  }
0x4b: {  	s25 =	smov.u32 s29;
	[sflag:s14] =	ssyncset.done $0x0  }
0x4c: {  	s25 =	sadd.s32 s24, s13;
	[sflag:s14] =	ssyncadd.s32 $0xFFFFC000  }
0x4d: {  	[tilespmem:s15], [sflag:$0x1] =	stream.linear.gather [hbm4b:s25+s3], $0x80, $0x38;
	[tilespmem:$0x18900] =	vst v63  }
0x4e: {  	_ =	swait.ge [sflag:s14], $0x80  }
0x4f: {  	[sflag:s14] =	ssyncset.done $0x0  }
0x50: {  	s29 =	sadd.s32 s24, s12;
	[sflag:s14] =	ssyncadd.s32 $0xFFFFFF80  }
0x51: {  	[tilespmem:s16], [sflag:$0x1] =	stream.linear.gather [hbm4b:s29+s3], $0x80, $0x38;
	[tilespmem:$0x18900] =	vst v63  }
0x52: {  	_ =	swait.ge [sflag:s14], $0x80  }
0x53: {  	[sflag:s14] =	ssyncset.done $0x0  }
0x54: {  	[sflag:s14] =	ssyncadd.s32 $0xFFFFFF80  }
0x55: {  	[tilespmem:s18], [sflag:$0x1] =	stream.indirect.gather [hbm4b:s4+s17], $0x80, s15, s17, $0xb8;
	[tilespmem:$0x18900] =	vst v63  }
0x56: {  	_ =	swait.ge [sflag:s14], $0x4000  }
0x57: {  	[sflag:s14] =	ssyncset.done $0x0  }
0x58: {  	[sflag:s14] =	ssyncadd.s32 $0xFFFFC000  }
0x59: {  	[spmem:s2] =	stream.indirect.scatter.add.f32 [tilespmem:s18], [sflag:$0x1], $0x80, s16, s17, $0xb8;
	[tilespmem:$0x18900] =	vst v63  }
0x5a: {  	_ =	swait.ge [sflag:s14], $0x4000  }
0x5b: {  	[sflag:s14] =	ssyncset.done $0x0  }
0x5c: {  	s30 =	sshll.u32 s1, $0x6;
	[sflag:s14] =	ssyncadd.s32 $0xFFFFC000  }
0x5d: {  	s31 =	sshrl.u32 s5, $0x3;
	s24 =	sor.u32 $0x1C01, s30;
	[bflag:$0x0] =	sbarrier.arrive $0xFFFF  }
0x5e: {  	[hbm:s6], [sflag:s24] =	dma.local [spmem:s31], $0x800  }
0x5f: {  	_ =	swait.ge [sflag:s14], $0x800  }
0x60: {  	[sflag:s14] =	ssyncset.done $0x0  }
0x61: {  	[sflag:s14] =	ssyncadd.s32 $0xFFFFF800  }
0x62: {  	[hbm:s8], [sflag:s24] =	dma.local [spmem:s19], $0x800  }
0x63: {  	_ =	swait.ge [sflag:s14], $0x800  }
0x64: {  	[sflag:s14] =	ssyncset.done $0x0  }
0x65: {  	[sflag:s14] =	ssyncadd.s32 $0xFFFFF800  }
0x66: {  	[hbm:s9], [sflag:s24] =	dma.local [spmem:s20], $0x800  }
0x67: {  	_ =	swait.ge [sflag:s14], $0x800  }
0x68: {  	[sflag:s14] =	ssyncset.done $0x0  }
0x69: {  	[sflag:s14] =	ssyncadd.s32 $0xFFFFF800  }
0x6a: {  	[hbm:s10], [sflag:s24] =	dma.local [spmem:s21], $0x800  }
0x6b: {  	s23 =	sadd.s32 $0x1, s23;
	_ =	swait.ge [sflag:s14], $0x800  }
0x6c: {  	p0 =	sne.s32 s23, s7;
	[sflag:s14] =	ssyncset.done $0x0  }
.Ltmp3:
0x6d: {  	[sflag:s14] =	ssyncadd.s32 $0xFFFFF800;
	(pc) =	sbr.rel @p0 .LBB2_1-.Ltmp3, $4  }
0x6e: {  	[hbm:s11], [sflag:s24] =	dma.local [spmem:s22], $0x800  }
0x6f: {  	_ =	swait.ge [sflag:s14], $0x800  }
0x70: {  	[sflag:s14] =	ssyncset.done $0x0  }
0x71: {  	[sflag:s14] =	ssyncadd.s32 $0xFFFFF800  }
0x72: {  	_ =	sfence.sel $0x180000  }
0x73: {  	[bflag:$0x0] =	sbarrier.arrive $0xFFFF  }
0x74: {  	p0 =	sne.s32 s1, $0x0;
	_ =	strace $0x9000004D  }
0x75: {  	s0 =	sadd.s32 @!p0 $0x100000, s0;
	[bflag:$0x2] =	sbarrier.arrive $0xFFFF  }
0x76: {  	[sflag:s0] =	ssyncadd.tile.s32 @!p0 $0x1;
	_ =	shalt  }
.Lfunc_end2:
_tile_overlayer_lowered:
.L_overlay_start_2:
0x77: {  	(tag) =	ssettag $0x2  }
0x78: {  	s0 =	rddreg [dreg:$0x0];
	s2 =	stileid.u32  }
0x79: {  	s1 =	rddreg [dreg:$0x1];
	p0 =	sne.s32 s2, $0x0  }
0x7a: {  	s3 =	rddreg [dreg:$0x2];
	[bflag:$0x3] =	sbarrier.arrive $0xFFFF;
	s2 =	simm.s32 @!p0 $0x1C01  }
0x7b: {  	[timem:s3], [sflag:s2] =	dma.local @!p0 [hbm:s0], s1  }
0x7c: {  	s0 =	simm.s32 @!p0 $0x1  }
0x7d: {  	_ =	swait.ge @!p0 [sflag:s0], s1  }
0x7e: {  	s1 =	ssub.s32 @!p0 $0x0, s1;
	[sflag:s0] =	ssyncset.done @!p0 $0x0  }
0x7f: {  	[sflag:s0] =	ssyncadd.s32 @!p0 s1  }
0x80: {  	[bflag:$0x3] =	sbarrier.arrive $0xFFFF  }
0x81: {  	_ =	shalt  }

// kernel: kernel.22.cloned.1.call-start
scs
__scs_entry_jumppad:
0x0: {  	(pc) =	sbr.rel $0x88, $3  }
0x1: {  	(tag) =	ssettag $0x0;
	lr =	simm.s32 $0x1  }
0x2: {  	[smem:$0x3F85] =	sst lr;
	_ =	strace $0xD0000000  }
0x3: {  	_ = 	snop  }
0x4: {  	_ = 	snop  }
0x5: {  	_ = 	snop  }
0x6: {  	_ = 	snop  }
0x7: {  	_ = 	snop  }
__scs_overlays_trampoline_lowered:
0x8: {  	[smem:$0x3F94] =	sst s0  }
0x9: {  	[smem:$0x3F95] =	sst s1  }
0xa: {  	[smem:$0x3F96] =	sst s2  }
0xb: {  	[smem:$0x3F97] =	sst s3  }
0xc: {  	[smem:$0x3F98] =	sst s4  }
0xd: {  	[smem:$0x3F99] =	sst s5  }
0xe: {  	[smem:$0x3F9A] =	sst s6  }
0xf: {  	[smem:$0x3F9B] =	sst s7  }
0x10: {  	[smem:$0x3F9C] =	sst s8  }
0x11: {  	[smem:$0x3F9D] =	sst s9;
	s0 =	simm.s32 @!p0 $0x0  }
0x12: {  	s1 =	sld [smem:$0x3F83];
	s0 =	simm.s32 @p0 $0x1  }
0x13: {  	[smem:$0x3F9E] =	sst s0;
	s0 =	simm.s32 @!p1 $0x0  }
0x14: {  	s2 =	sld [smem:$0x3F82];
	s0 =	simm.s32 @p1 $0x1  }
0x15: {  	[smem:$0x3F9F] =	sst s0;
	s0 =	simm.s32 @!p2 $0x0  }
0x16: {  	s3 =	sld [smem:$0x3FDB];
	s0 =	simm.s32 @p2 $0x1  }
0x17: {  	s4 =	simm.s32 $0x1BF5;
	[smem:$0x3FA1] =	sst s0  }
0x18: {  	s0 =	sld [smem:$0x3F84];
	_ =	swait.ge [sflag:s4], $0x0  }
0x19: {  	s7 =	sld [smem:$0x3F85]  }
0x1a: {  	s8 =	sadd.s32 $0xFFFFE003, lr  }
0x1b: {  	s9 =	sadd.s32 $0xFFFFFEF7, lr;
	s5 =	simm.s32 $0xFFFFFFFF;
	p2 =	slt.u32 s8, $0xFFFFF086  }
0x1c: {  	p1 =	slt.u32 s9, $0xF7A;
	s5 =	simm.s32 @!p2 $0x0  }
0x1d: {  	s5 =	simm.s32 @p1 $0x1;
	p0 =	seq.s32 s7, s2  }
0x1e: {  	s7 =	smul.u32 @!p0 $0xF7A, s2;
	p2 =	seq.s32 @!p0 s5, $0x0  }
0x1f: {  	s9 =	smul.u32 $0xF7A, s1;
	s8 =	simm.s32 @!p0 $0x1BF5;
	p2 =	por !p2, p0  }
0x20: {  	[sflag:s8] =	ssyncset.s32 @!p0 $0xFFFFF086;
	s6 =	sadd.s32 @!p0 s3, s7;
	s7 =	simm.s32 @!p0 $0x108  }
0x21: {  	s3 =	sadd.s32 s3, s9;
	s6 =	sadd.s32 @!p0 $0x88, s6;
	s7 =	simm.s32 @p2 $0x1082  }
0x22: {  	[simem:s7], [sflag:s8] =	dma.local @!p0 [hbm:s6], $0xF7A  }
0x23: {  	s9 =	sor.u32 $0xD0000000, s2;
	s6 =	simm.s32 $0x108;
	_ =	swait.ge @!p0 [sflag:s8], $0x0  }
0x24: {  	s3 =	sadd.s32 $0x88, s3;
	s6 =	simm.s32 @!p1 $0x1082;
	[sflag:s4] =	ssyncset.s32 $0xFFFFF086  }
0x25: {  	[simem:s6], [sflag:s4] =	dma.local [hbm:s3], $0xF7A  }
0x26: {  	[smem:$0x3F85] =	sst s1;
	(tag) =	ssettag s2;
	_ =	strace s9  }
0x27: {  	s1 =	sld [smem:$0x3F95]  }
0x28: {  	s2 =	sld [smem:$0x3F96]  }
0x29: {  	s4 =	sld [smem:$0x3F98]  }
0x2a: {  	p0 =	seq.s32 s5, $0x0;
	s5 =	sld [smem:$0x3F99]  }
0x2b: {  	s6 =	sld [smem:$0x3F9A]  }
0x2c: {  	s7 =	sld [smem:$0x3F9B]  }
0x2d: {  	s3 =	simm.s32 $0x108;
	s8 =	sld [smem:$0x3F9C]  }
0x2e: {  	s3 =	simm.s32 @!p0 $0x1082;
	s9 =	sld [smem:$0x3F9D]  }
0x2f: {  	lr =	sadd.s32 s0, s3;
	s0 =	sld [smem:$0x3F94]  }
0x30: {  	s3 =	sld [smem:$0x3F97]  }
0x31: {  	[smem:$0x3FA0] =	sst s10  }
0x32: {  	s10 =	sld [smem:$0x3F9E];
	_ =	sdelay $0x3  }
0x33: {  	p0 =	seq.s32 s10, $0x1;
	s10 =	sld [smem:$0x3FA0];
	_ =	sdelay $0x3  }
0x34: {  	[smem:$0x3FA0] =	sst s10  }
0x35: {  	s10 =	sld [smem:$0x3F9F];
	_ =	sdelay $0x3  }
0x36: {  	p1 =	seq.s32 s10, $0x1;
	s10 =	sld [smem:$0x3FA0];
	_ =	sdelay $0x3  }
0x37: {  	[smem:$0x3FA0] =	sst s10  }
0x38: {  	s10 =	sld [smem:$0x3FA1]  }
0x39: {  	_ = 	snop;
	(pc) =	sbr.ind lr, $3  }
0x3a: {  	_ = 	snop  }
0x3b: {  	_ = 	snop  }
0x3c: {  	p2 =	seq.s32 s10, $0x1;
	s10 =	sld [smem:$0x3FA0]  }
0x3d: {  	_ =	shalt  }
0x3e: {  	_ =	shalt  }
0x3f: {  	_ =	shalt  }
0x40: {  	_ =	shalt  }
0x41: {  	_ =	shalt  }
0x42: {  	_ =	shalt  }
0x43: {  	_ =	shalt  }
0x44: {  	_ =	shalt  }
0x45: {  	_ =	shalt  }
0x46: {  	_ =	shalt  }
0x47: {  	_ =	shalt  }
0x48: {  	_ =	shalt  }
0x49: {  	_ =	shalt  }
0x4a: {  	_ =	shalt  }
0x4b: {  	_ =	shalt  }
0x4c: {  	_ =	shalt  }
0x4d: {  	_ =	shalt  }
0x4e: {  	_ =	shalt  }
0x4f: {  	_ =	shalt  }
0x50: {  	_ =	shalt  }
0x51: {  	_ =	shalt  }
0x52: {  	_ =	shalt  }
0x53: {  	_ =	shalt  }
0x54: {  	_ =	shalt  }
0x55: {  	_ =	shalt  }
0x56: {  	_ =	shalt  }
0x57: {  	_ =	shalt  }
0x58: {  	_ =	shalt  }
0x59: {  	_ =	shalt  }
0x5a: {  	_ =	shalt  }
0x5b: {  	_ =	shalt  }
0x5c: {  	_ =	shalt  }
0x5d: {  	_ =	shalt  }
0x5e: {  	_ =	shalt  }
0x5f: {  	_ =	shalt  }
0x60: {  	_ =	shalt  }
0x61: {  	_ =	shalt  }
0x62: {  	_ =	shalt  }
0x63: {  	_ =	shalt  }
0x64: {  	_ =	shalt  }
0x65: {  	_ =	shalt  }
0x66: {  	_ =	shalt  }
0x67: {  	_ =	shalt  }
0x68: {  	_ =	shalt  }
0x69: {  	_ =	shalt  }
0x6a: {  	_ =	shalt  }
0x6b: {  	_ =	shalt  }
0x6c: {  	_ =	shalt  }
0x6d: {  	_ =	shalt  }
0x6e: {  	_ =	shalt  }
0x6f: {  	_ =	shalt  }
0x70: {  	_ =	shalt  }
0x71: {  	_ =	shalt  }
0x72: {  	_ =	shalt  }
0x73: {  	_ =	shalt  }
0x74: {  	_ =	shalt  }
0x75: {  	_ =	shalt  }
0x76: {  	_ =	shalt  }
0x77: {  	_ =	shalt  }
0x78: {  	_ =	shalt  }
0x79: {  	_ =	shalt  }
0x7a: {  	_ =	shalt  }
0x7b: {  	_ =	shalt  }
0x7c: {  	_ =	shalt  }
0x7d: {  	_ =	shalt  }
0x7e: {  	_ =	shalt  }
0x7f: {  	_ =	shalt  }
0x80: {  	_ =	shalt  }
0x81: {  	_ =	shalt  }
0x82: {  	_ =	shalt  }
0x83: {  	_ =	shalt  }
0x84: {  	_ =	shalt  }
0x85: {  	_ =	shalt  }
0x86: {  	_ =	shalt  }
0x87: {  	_ =	shalt  }
.Lfunc_end0:
.L_simem_size_0:
called_computation.3_lowered:
.L_overlay_start_0:
0x88: {  	s2 =	sld [smem:$0x3FD9]  }
0x89: {  	s3 =	sld [smem:$0x3FFE];
	_ =	sdelay $0x1  }
0x8a: {  	s1 =	srdreg.scid  }
0x8b: {  	s0 =	sand.u32 $0x1, s1  }
0x8c: {  	s16 =	sshll.u32 s0, $0xA;
	s2 =	sadd.s32 s3, s2  }
0x8d: {  	s2 =	sadd.s32 s2, s16  }
0x8e: {  	[smem:$0x3FAC] =	sst s2  }
0x8f: {  	_ = 	snop  }
0x90: {  	(tm) =	ssettm $0x1  }
0x91: {  	s17 =	sld [smem:$0x3FFB];
	_ =	sdelay $0x3  }
0x92: {  	_ =	strace s17  }
0x93: {  	s2 =	sld [smem:$0x3FFC];
	_ =	sdelay $0x3  }
0x94: {  	_ =	strace s2  }
0x95: {  	s2 =	sld [smem:$0x3FFD];
	_ =	sdelay $0x3  }
0x96: {  	_ =	strace s2  }
0x97: {  	_ =	strace $0x8FFFFFFF  }
0x98: {  	s18 =	sld [smem:$0x3FDB];
	_ =	sdelay $0x1  }
0x99: {  	s19 =	simm.s32 $_scs_section_size  }
0x9a: {  	s4 =	simm.s32 $_size__tile_overlayer_lowered;
	s5 =	simm.s32 $_tile_overlayer_lowered  }
0x9b: {  	s22 =	simm.s32 $0x1BFF;
	s21 =	sshll.u32 s5, $0x1;
	s2 =	sadd.s32 s19, s18  }
0x9c: {  	s6 =	simm.s32 $0x0;
	s20 =	sshll.u32 s4, $0x1;
	s4 =	sadd.s32 s21, s2  }
0x9d: {  	[timem:s6], [sflag:s22] =	dma.local [hbm:s4], s20  }
0x9e: {  	_ =	swait.ge [sflag:s22], s20  }
0x9f: {  	s3 =	ssub.s32 $0x0, s20;
	[sflag:s22] =	ssyncset.done $0x0  }
0xa0: {  	[sflag:s22] =	ssyncadd.s32 s3;
	_ =	sdelay $0x1  }
0xa1: {  	s23 =	simm.s32 $0x1B8B  }
0xa2: {  	_ =	swait.ge [sflag:s23], $0x1  }
0xa3: {  	[sflag:s23] =	ssyncset.done $0x0  }
0xa4: {  	s25 =	simm.s32 $0x1B8E;
	s24 =	sld [smem:$0x3FFE];
	[sflag:s23] =	ssyncadd.s32 $0xFFFFFFFF  }
0xa5: {  	s26 =	simm.s32 $execute0_lowered;
	[smem:$0x3FD2] =	sst s25  }
0xa6: {  	s4 =	sshll.u32 s26, $0x1;
	_ =	strace $0x8000004F;
	[dreg:$0x1] =	wrdreg $0xFFFFFFFF  }
0xa7: {  	s28 =	simm.s32 $_size_execute0_lowered;
	s2 =	sadd.s32 s2, s4;
	[dreg:$0x0] =	wrdreg $0x0  }
0xa8: {  	s4 =	sshll.u32 s28, $0x1;
	[dreg:$0x2] =	wrdreg s2  }
0xa9: {  	[dreg:$0x3] =	wrdreg s4  }
0xaa: {  	[dreg:$0x4] =	wrdreg $0xC0  }
0xab: {  	_ =	task [dreg:s6], $0x5FFFF  }
0xac: {  	[dreg:$0x1] =	wrdreg $0xFFFFFFFF  }
0xad: {  	[dreg:$0x0] =	wrdreg $0x60  }
0xae: {  	[dreg:$0x2] =	wrdreg s24  }
0xaf: {  	[dreg:$0x3] =	wrdreg $0x49000  }
0xb0: {  	[dreg:$0x4] =	wrdreg $0x9  }
0xb1: {  	_ =	task.clear_ibuf [dreg:s6], $0x5FFFF;
	_ =	strace $0x9000004F  }
0xb2: {  	s29 =	simm.s32 $0x9;
	_ =	strace $0x80000051  }
0xb3: {  	_ =	swait.ge [sflag:s29], $0x1  }
0xb4: {  	[sflag:s29] =	ssyncadd.s32 $0xFFFFFFFF  }
0xb5: {  	_ =	strace $0x90000051  }
0xb6: {  	_ =	sfence  }
0xb7: {  	s30 =	sld [smem:$0x0];
	_ =	sdelay $0x2  }
0xb8: {  	s31 =	sshll.u32 s1, $0xD;
	s1 =	sshrl.u32 s1, $0x2  }
0xb9: {  	s3 =	sand.u32 $0x4000, s31;
	s1 =	sadd.s32 s1, s30  }
0xba: {  	s0 =	sor.u32 s3, s0;
	s1 =	sshll.u32 s1, $0x11  }
0xbb: {  	s0 =	sor.u32 s1, s0  }
0xbc: {  	s0 =	sadd.s32 $0x8F2B, s0  }
0xbd: {  	[sflag:s0] =	ssyncadd.remote.s32 $0x1  }
0xbe: {  	_ =	sfence.sel $0xFFFF  }
0xbf: {  	[dreg:$0x0] =	wrdreg $0xFFFFFFFF;
	(pc) =	sbr.abs _section_cstart, $3  }
0xc0: {  	[dreg:$0x1] =	wrdreg $0xFFFFFFFF  }
0xc1: {  	_ =	task.clear_ibuf [dreg:s6], $0x2FFFF;
	_ =	strace $0x9FFFFFFF  }
0xc2: {  	(tm) =	ssettm $0x7FFFFFFF  }
0xc3: {  	_ =	shalt  }
tec
execute0_lowered:
.L_overlay_start_1:
0x0: {  	(tag) =	ssettag $0x1  }
0x1: {  	s5 =	rddreg [dreg:$0x0];
	s0 =	srdreg.scid  }
0x2: {  	s2 =	rddreg [dreg:$0x1];
	s1 =	stileid.u32;
	s3 =	simm.s32 $0x0  }
0x3: {  	s14 =	simm.s32 $0x1;
	s15 =	simm.s32 $0x800;
	s16 =	simm.s32 $0x880  }
0x4: {  	s17 =	simm.s32 $0x80;
	s18 =	simm.s32 $0x900;
	s8 =	smul.u32 $0x280, s1  }
0x5: {  	s6 =	sand.u32 $0x1, s0;
	s0 =	rddreg [dreg:$0x2];
	s10 =	smul.u32 $0x50000, s1  }
0x6: {  	s23 =	simm.s32 $0x0;
	[smem:$0x7FF] =	sst s3;
	s7 =	smul.u32 $0x5000, s6  }
0x7: {  	s4 =	sadd.s32 $0x1A800, s5;
	s9 =	smul.u32 $0x2800, s6;
	s6 =	ssub.s32 $0x2, s6  }
0x8: {  	s13 =	smul.u32 $0x500, s1;
	_ =	strace $0x80000050;
	s29 =	sshrl.u32 s6, $0x1  }
0x9: {  	s30 =	sshrl.u32 s10, $0x2;
	s12 =	sadd.s32 s7, s5;
	s28 =	sadd.s32 s9, s8  }
0xa: {  	s31 =	ssub.s32 s6, s29;
	s7 =	sshll.u32 s28, $0x4;
	s13 =	sadd.s32 s13, s12  }
0xb: {  	s11 =	sadd.s32 s7, s5;
	s5 =	sadd.s32 s30, s2;
	s7 =	smax.u32 s31, $0x1  }
0xc: {  	s12 =	sadd.s32 $0x10800, s13;
	s13 =	sadd.s32 $0x6800, s13;
	s6 =	sadd.s32 $0x6A800, s11  }
0xd: {  	s19 =	sadd.s32 $0x4000, s5;
	s8 =	sadd.s32 $0x6B000, s11;
	s20 =	sadd.s32 $0x8000, s5  }
0xe: {  	s9 =	sadd.s32 $0x6B800, s11;
	s21 =	sadd.s32 $0xC000, s5;
	s10 =	sadd.s32 $0x6C000, s11  }
0xf: {  	s22 =	sadd.s32 $0x10000, s5;
	s11 =	sadd.s32 $0x6C800, s11;
	s19 =	sshrl.u32 s19, $0x3  }
0x10: {  	v0 =	vimm.f32 $0.0e+00;
	s20 =	sshrl.u32 s20, $0x3;
	s21 =	sshrl.u32 s21, $0x3;
	s22 =	sshrl.u32 s22, $0x3  }
.LBB2_1:
0x11: {  	s24 =	simm.s32 $0x0;
	s25 =	simm.s32 $0x200  }
.LBB2_2:
0x12: {  	p0 =	sne.s32 s25, $0x1E00;
	[tilespmem:s24+$0x70] =	vst v0  }
0x13: {  	[tilespmem:s24+$0x0] =	vst v0  }
0x14: {  	[tilespmem:s24+$0x10] =	vst v0  }
.Ltmp0:
0x15: {  	[tilespmem:s24+$0x20] =	vst v0;
	(pc) =	sbr.rel @p0 .LBB2_2-.Ltmp0, $4  }
0x16: {  	[tilespmem:s24+$0x30] =	vst v0  }
0x17: {  	[tilespmem:s24+$0x40] =	vst v0  }
0x18: {  	[tilespmem:s24+$0x50] =	vst v0  }
0x19: {  	[tilespmem:s24+$0x60] =	vst v0;
	s24 =	sshra.s32 s25, $0x2;
	s25 =	sadd.s32 $0x200, s25  }
0x1a: {  	[tilespmem:s24+$0x70] =	vst v0  }
0x1b: {  	[tilespmem:s24+$0x0] =	vst v0  }
0x1c: {  	[tilespmem:s24+$0x10] =	vst v0  }
0x1d: {  	[tilespmem:s24+$0x20] =	vst v0  }
0x1e: {  	[tilespmem:s24+$0x30] =	vst v0  }
0x1f: {  	[tilespmem:s24+$0x40] =	vst v0  }
0x20: {  	[tilespmem:s24+$0x50] =	vst v0  }
0x21: {  	[tilespmem:s24+$0x60] =	vst v0;
	s31 =	sadd.s32 $0x0, s5  }
0x22: {  	[spmem:s31] =	stream.linear.scatter [tilespmem:s3], [sflag:$0x1], $0x800, $0x38;
	[tilespmem:$0x18900] =	vst v63  }
0x23: {  	s24 =	simm.s32 $0x2000;
	_ =	swait.ge [sflag:s14], $0x800  }
.LBB2_4:
0x24: {  	s25 =	sshra.s32 s24, $0x2;
	[sflag:s14] =	ssyncset.done $0x0;
	p0 =	sne.s32 s24, $0x4E000  }
.Ltmp1:
0x25: {  	s25 =	sadd.s32 s25, s5;
	[sflag:s14] =	ssyncadd.s32 $0xFFFFF800;
	(pc) =	sbr.rel @p0 .LBB2_4-.Ltmp1, $3  }
0x26: {  	[spmem:s25] =	stream.linear.scatter [tilespmem:s3], [sflag:$0x1], $0x800, $0x38;
	[tilespmem:$0x18900] =	vst v63  }
0x27: {  	s24 =	sadd.s32 $0x2000, s24;
	_ =	sdelay $0x1  }
0x28: {  	_ =	swait.ge [sflag:s14], $0x800  }
0x29: {  	[sflag:s14] =	ssyncset.done $0x0  }
0x2a: {  	[sflag:s14] =	ssyncadd.s32 $0xFFFFF800  }
0x2b: {  	s24 =	sadd.s32 $0x0, s13;
	[bflag:$0x0] =	sbarrier.arrive $0xFFFF  }
0x2c: {  	[tilespmem:s15], [sflag:$0x1] =	stream.linear.gather [hbm4b:s24+s3], $0x80, $0x38;
	[tilespmem:$0x18900] =	vst v63  }
0x2d: {  	_ =	swait.ge [sflag:s14], $0x80  }
0x2e: {  	[sflag:s14] =	ssyncset.done $0x0  }
0x2f: {  	s31 =	sadd.s32 $0x0, s12;
	[sflag:s14] =	ssyncadd.s32 $0xFFFFFF80  }
0x30: {  	[tilespmem:s16], [sflag:$0x1] =	stream.linear.gather [hbm4b:s31+s3], $0x80, $0x38;
	[tilespmem:$0x18900] =	vst v63  }
0x31: {  	_ =	swait.ge [sflag:s14], $0x80  }
0x32: {  	[sflag:s14] =	ssyncset.done $0x0  }
0x33: {  	[sflag:s14] =	ssyncadd.s32 $0xFFFFFF80  }
0x34: {  	[tilespmem:s18], [sflag:$0x1] =	stream.indirect.gather [hbm4b:s4+s17], $0x80, s15, s17, $0xb8;
	[tilespmem:$0x18900] =	vst v63  }
0x35: {  	_ =	swait.ge [sflag:s14], $0x4000  }
0x36: {  	[sflag:s14] =	ssyncset.done $0x0  }
0x37: {  	[sflag:s14] =	ssyncadd.s32 $0xFFFFC000  }
0x38: {  	[spmem:s2] =	stream.indirect.scatter.add.f32 [tilespmem:s18], [sflag:$0x1], $0x80, s16, s17, $0xb8;
	[tilespmem:$0x18900] =	vst v63  }
0x39: {  	_ =	swait.ge [sflag:s14], $0x4000  }
0x3a: {  	s25 =	simm.s32 $0x20;
	s24 =	simm.s32 $0x10;
	[sflag:s14] =	ssyncset.done $0x0  }
.LBB2_6:
0x3b: {  	s26 =	sadd.s32 s24, s13  }
0x3c: {  	[sflag:s14] =	ssyncadd.s32 $0xFFFFC000;
	s28 =	smov.u32 s25;
	s29 =	sadd.s32 $0x10, s25  }
0x3d: {  	[tilespmem:s15], [sflag:$0x1] =	stream.linear.gather [hbm4b:s26+s3], $0x80, $0x38;
	[tilespmem:$0x18900] =	vst v63  }
0x3e: {  	p0 =	sne.s32 s25, $0x4F0;
	_ =	swait.ge [sflag:s14], $0x80  }
0x3f: {  	[sflag:s14] =	ssyncset.done $0x0  }
0x40: {  	s25 =	sadd.s32 s24, s12;
	s24 =	smov.u32 s28;
	[sflag:s14] =	ssyncadd.s32 $0xFFFFFF80  }
0x41: {  	[tilespmem:s16], [sflag:$0x1] =	stream.linear.gather [hbm4b:s25+s3], $0x80, $0x38;
	[tilespmem:$0x18900] =	vst v63  }
0x42: {  	_ =	swait.ge [sflag:s14], $0x80  }
0x43: {  	[sflag:s14] =	ssyncset.done $0x0  }
0x44: {  	[sflag:s14] =	ssyncadd.s32 $0xFFFFFF80  }
0x45: {  	[tilespmem:s18], [sflag:$0x1] =	stream.indirect.gather [hbm4b:s4+s17], $0x80, s15, s17, $0xb8;
	[tilespmem:$0x18900] =	vst v63  }
0x46: {  	_ =	swait.ge [sflag:s14], $0x4000  }
.Ltmp2:
0x47: {  	[sflag:s14] =	ssyncset.done $0x0;
	(pc) =	sbr.rel @p0 .LBB2_6-.Ltmp2, $4  }
0x48: {  	[sflag:s14] =	ssyncadd.s32 $0xFFFFC000  }
0x49: {  	[spmem:s2] =	stream.indirect.scatter.add.f32 [tilespmem:s18], [sflag:$0x1], $0x80, s16, s17, $0xb8;
	[tilespmem:$0x18900] =	vst v63  }
0x4a: {  	_ =	swait.ge [sflag:s14], $0x4000  }
0x4b: {  	s25 =	smov.u32 s29;
	[sflag:s14] =	ssyncset.done $0x0  }
0x4c: {  	s25 =	sadd.s32 s24, s13;
	[sflag:s14] =	ssyncadd.s32 $0xFFFFC000  }
0x4d: {  	[tilespmem:s15], [sflag:$0x1] =	stream.linear.gather [hbm4b:s25+s3], $0x80, $0x38;
	[tilespmem:$0x18900] =	vst v63  }
0x4e: {  	_ =	swait.ge [sflag:s14], $0x80  }
0x4f: {  	[sflag:s14] =	ssyncset.done $0x0  }
0x50: {  	s29 =	sadd.s32 s24, s12;
	[sflag:s14] =	ssyncadd.s32 $0xFFFFFF80  }
0x51: {  	[tilespmem:s16], [sflag:$0x1] =	stream.linear.gather [hbm4b:s29+s3], $0x80, $0x38;
	[tilespmem:$0x18900] =	vst v63  }
0x52: {  	_ =	swait.ge [sflag:s14], $0x80  }
0x53: {  	[sflag:s14] =	ssyncset.done $0x0  }
0x54: {  	[sflag:s14] =	ssyncadd.s32 $0xFFFFFF80  }
0x55: {  	[tilespmem:s18], [sflag:$0x1] =	stream.indirect.gather [hbm4b:s4+s17], $0x80, s15, s17, $0xb8;
	[tilespmem:$0x18900] =	vst v63  }
0x56: {  	_ =	swait.ge [sflag:s14], $0x4000  }
0x57: {  	[sflag:s14] =	ssyncset.done $0x0  }
0x58: {  	[sflag:s14] =	ssyncadd.s32 $0xFFFFC000  }
0x59: {  	[spmem:s2] =	stream.indirect.scatter.add.f32 [tilespmem:s18], [sflag:$0x1], $0x80, s16, s17, $0xb8;
	[tilespmem:$0x18900] =	vst v63  }
0x5a: {  	_ =	swait.ge [sflag:s14], $0x4000  }
0x5b: {  	[sflag:s14] =	ssyncset.done $0x0  }
0x5c: {  	s30 =	sshll.u32 s1, $0x6;
	[sflag:s14] =	ssyncadd.s32 $0xFFFFC000  }
0x5d: {  	s31 =	sshrl.u32 s5, $0x3;
	s24 =	sor.u32 $0x1C01, s30;
	[bflag:$0x0] =	sbarrier.arrive $0xFFFF  }
0x5e: {  	[hbm:s6], [sflag:s24] =	dma.local [spmem:s31], $0x800  }
0x5f: {  	_ =	swait.ge [sflag:s14], $0x800  }
0x60: {  	[sflag:s14] =	ssyncset.done $0x0  }
0x61: {  	[sflag:s14] =	ssyncadd.s32 $0xFFFFF800  }
0x62: {  	[hbm:s8], [sflag:s24] =	dma.local [spmem:s19], $0x800  }
0x63: {  	_ =	swait.ge [sflag:s14], $0x800  }
0x64: {  	[sflag:s14] =	ssyncset.done $0x0  }
0x65: {  	[sflag:s14] =	ssyncadd.s32 $0xFFFFF800  }
0x66: {  	[hbm:s9], [sflag:s24] =	dma.local [spmem:s20], $0x800  }
0x67: {  	_ =	swait.ge [sflag:s14], $0x800  }
0x68: {  	[sflag:s14] =	ssyncset.done $0x0  }
0x69: {  	[sflag:s14] =	ssyncadd.s32 $0xFFFFF800  }
0x6a: {  	[hbm:s10], [sflag:s24] =	dma.local [spmem:s21], $0x800  }
0x6b: {  	s23 =	sadd.s32 $0x1, s23;
	_ =	swait.ge [sflag:s14], $0x800  }
0x6c: {  	p0 =	sne.s32 s23, s7;
	[sflag:s14] =	ssyncset.done $0x0  }
.Ltmp3:
0x6d: {  	[sflag:s14] =	ssyncadd.s32 $0xFFFFF800;
	(pc) =	sbr.rel @p0 .LBB2_1-.Ltmp3, $4  }
0x6e: {  	[hbm:s11], [sflag:s24] =	dma.local [spmem:s22], $0x800  }
0x6f: {  	_ =	swait.ge [sflag:s14], $0x800  }
0x70: {  	[sflag:s14] =	ssyncset.done $0x0  }
0x71: {  	[sflag:s14] =	ssyncadd.s32 $0xFFFFF800  }
0x72: {  	_ =	sfence.sel $0x180000  }
0x73: {  	[bflag:$0x0] =	sbarrier.arrive $0xFFFF  }
0x74: {  	p0 =	sne.s32 s1, $0x0;
	_ =	strace $0x90000050  }
0x75: {  	s0 =	sadd.s32 @!p0 $0x100000, s0;
	[bflag:$0x2] =	sbarrier.arrive $0xFFFF  }
0x76: {  	[sflag:s0] =	ssyncadd.tile.s32 @!p0 $0x1;
	_ =	shalt  }
.Lfunc_end2:
_tile_overlayer_lowered:
.L_overlay_start_2:
0x77: {  	(tag) =	ssettag $0x2  }
0x78: {  	s0 =	rddreg [dreg:$0x0];
	s2 =	stileid.u32  }
0x79: {  	s1 =	rddreg [dreg:$0x1];
	p0 =	sne.s32 s2, $0x0  }
0x7a: {  	s3 =	rddreg [dreg:$0x2];
	[bflag:$0x3] =	sbarrier.arrive $0xFFFF;
	s2 =	simm.s32 @!p0 $0x1C01  }
0x7b: {  	[timem:s3], [sflag:s2] =	dma.local @!p0 [hbm:s0], s1  }
0x7c: {  	s0 =	simm.s32 @!p0 $0x1  }
0x7d: {  	_ =	swait.ge @!p0 [sflag:s0], s1  }
0x7e: {  	s1 =	ssub.s32 @!p0 $0x0, s1;
	[sflag:s0] =	ssyncset.done @!p0 $0x0  }
0x7f: {  	[sflag:s0] =	ssyncadd.s32 @!p0 s1  }
0x80: {  	[bflag:$0x3] =	sbarrier.arrive $0xFFFF  }
0x81: {  	_ =	shalt  }

// kernel: kernel.25.cloned.1.call-start
scs
__scs_entry_jumppad:
0x0: {  	(pc) =	sbr.rel $0x88, $3  }
0x1: {  	(tag) =	ssettag $0x0;
	lr =	simm.s32 $0x1  }
0x2: {  	[smem:$0x3F85] =	sst lr;
	_ =	strace $0xD0000000  }
0x3: {  	_ = 	snop  }
0x4: {  	_ = 	snop  }
0x5: {  	_ = 	snop  }
0x6: {  	_ = 	snop  }
0x7: {  	_ = 	snop  }
__scs_overlays_trampoline_lowered:
0x8: {  	[smem:$0x3F94] =	sst s0  }
0x9: {  	[smem:$0x3F95] =	sst s1  }
0xa: {  	[smem:$0x3F96] =	sst s2  }
0xb: {  	[smem:$0x3F97] =	sst s3  }
0xc: {  	[smem:$0x3F98] =	sst s4  }
0xd: {  	[smem:$0x3F99] =	sst s5  }
0xe: {  	[smem:$0x3F9A] =	sst s6  }
0xf: {  	[smem:$0x3F9B] =	sst s7  }
0x10: {  	[smem:$0x3F9C] =	sst s8  }
0x11: {  	[smem:$0x3F9D] =	sst s9;
	s0 =	simm.s32 @!p0 $0x0  }
0x12: {  	s1 =	sld [smem:$0x3F83];
	s0 =	simm.s32 @p0 $0x1  }
0x13: {  	[smem:$0x3F9E] =	sst s0;
	s0 =	simm.s32 @!p1 $0x0  }
0x14: {  	s2 =	sld [smem:$0x3F82];
	s0 =	simm.s32 @p1 $0x1  }
0x15: {  	[smem:$0x3F9F] =	sst s0;
	s0 =	simm.s32 @!p2 $0x0  }
0x16: {  	s3 =	sld [smem:$0x3FDB];
	s0 =	simm.s32 @p2 $0x1  }
0x17: {  	s4 =	simm.s32 $0x1BF5;
	[smem:$0x3FA1] =	sst s0  }
0x18: {  	s0 =	sld [smem:$0x3F84];
	_ =	swait.ge [sflag:s4], $0x0  }
0x19: {  	s7 =	sld [smem:$0x3F85]  }
0x1a: {  	s8 =	sadd.s32 $0xFFFFE003, lr  }
0x1b: {  	s9 =	sadd.s32 $0xFFFFFEF7, lr;
	s5 =	simm.s32 $0xFFFFFFFF;
	p2 =	slt.u32 s8, $0xFFFFF086  }
0x1c: {  	p1 =	slt.u32 s9, $0xF7A;
	s5 =	simm.s32 @!p2 $0x0  }
0x1d: {  	s5 =	simm.s32 @p1 $0x1;
	p0 =	seq.s32 s7, s2  }
0x1e: {  	s7 =	smul.u32 @!p0 $0xF7A, s2;
	p2 =	seq.s32 @!p0 s5, $0x0  }
0x1f: {  	s9 =	smul.u32 $0xF7A, s1;
	s8 =	simm.s32 @!p0 $0x1BF5;
	p2 =	por !p2, p0  }
0x20: {  	[sflag:s8] =	ssyncset.s32 @!p0 $0xFFFFF086;
	s6 =	sadd.s32 @!p0 s3, s7;
	s7 =	simm.s32 @!p0 $0x108  }
0x21: {  	s3 =	sadd.s32 s3, s9;
	s6 =	sadd.s32 @!p0 $0x88, s6;
	s7 =	simm.s32 @p2 $0x1082  }
0x22: {  	[simem:s7], [sflag:s8] =	dma.local @!p0 [hbm:s6], $0xF7A  }
0x23: {  	s9 =	sor.u32 $0xD0000000, s2;
	s6 =	simm.s32 $0x108;
	_ =	swait.ge @!p0 [sflag:s8], $0x0  }
0x24: {  	s3 =	sadd.s32 $0x88, s3;
	s6 =	simm.s32 @!p1 $0x1082;
	[sflag:s4] =	ssyncset.s32 $0xFFFFF086  }
0x25: {  	[simem:s6], [sflag:s4] =	dma.local [hbm:s3], $0xF7A  }
0x26: {  	[smem:$0x3F85] =	sst s1;
	(tag) =	ssettag s2;
	_ =	strace s9  }
0x27: {  	s1 =	sld [smem:$0x3F95]  }
0x28: {  	s2 =	sld [smem:$0x3F96]  }
0x29: {  	s4 =	sld [smem:$0x3F98]  }
0x2a: {  	p0 =	seq.s32 s5, $0x0;
	s5 =	sld [smem:$0x3F99]  }
0x2b: {  	s6 =	sld [smem:$0x3F9A]  }
0x2c: {  	s7 =	sld [smem:$0x3F9B]  }
0x2d: {  	s3 =	simm.s32 $0x108;
	s8 =	sld [smem:$0x3F9C]  }
0x2e: {  	s3 =	simm.s32 @!p0 $0x1082;
	s9 =	sld [smem:$0x3F9D]  }
0x2f: {  	lr =	sadd.s32 s0, s3;
	s0 =	sld [smem:$0x3F94]  }
0x30: {  	s3 =	sld [smem:$0x3F97]  }
0x31: {  	[smem:$0x3FA0] =	sst s10  }
0x32: {  	s10 =	sld [smem:$0x3F9E];
	_ =	sdelay $0x3  }
0x33: {  	p0 =	seq.s32 s10, $0x1;
	s10 =	sld [smem:$0x3FA0];
	_ =	sdelay $0x3  }
0x34: {  	[smem:$0x3FA0] =	sst s10  }
0x35: {  	s10 =	sld [smem:$0x3F9F];
	_ =	sdelay $0x3  }
0x36: {  	p1 =	seq.s32 s10, $0x1;
	s10 =	sld [smem:$0x3FA0];
	_ =	sdelay $0x3  }
0x37: {  	[smem:$0x3FA0] =	sst s10  }
0x38: {  	s10 =	sld [smem:$0x3FA1]  }
0x39: {  	_ = 	snop;
	(pc) =	sbr.ind lr, $3  }
0x3a: {  	_ = 	snop  }
0x3b: {  	_ = 	snop  }
0x3c: {  	p2 =	seq.s32 s10, $0x1;
	s10 =	sld [smem:$0x3FA0]  }
0x3d: {  	_ =	shalt  }
0x3e: {  	_ =	shalt  }
0x3f: {  	_ =	shalt  }
0x40: {  	_ =	shalt  }
0x41: {  	_ =	shalt  }
0x42: {  	_ =	shalt  }
0x43: {  	_ =	shalt  }
0x44: {  	_ =	shalt  }
0x45: {  	_ =	shalt  }
0x46: {  	_ =	shalt  }
0x47: {  	_ =	shalt  }
0x48: {  	_ =	shalt  }
0x49: {  	_ =	shalt  }
0x4a: {  	_ =	shalt  }
0x4b: {  	_ =	shalt  }
0x4c: {  	_ =	shalt  }
0x4d: {  	_ =	shalt  }
0x4e: {  	_ =	shalt  }
0x4f: {  	_ =	shalt  }
0x50: {  	_ =	shalt  }
0x51: {  	_ =	shalt  }
0x52: {  	_ =	shalt  }
0x53: {  	_ =	shalt  }
0x54: {  	_ =	shalt  }
0x55: {  	_ =	shalt  }
0x56: {  	_ =	shalt  }
0x57: {  	_ =	shalt  }
0x58: {  	_ =	shalt  }
0x59: {  	_ =	shalt  }
0x5a: {  	_ =	shalt  }
0x5b: {  	_ =	shalt  }
0x5c: {  	_ =	shalt  }
0x5d: {  	_ =	shalt  }
0x5e: {  	_ =	shalt  }
0x5f: {  	_ =	shalt  }
0x60: {  	_ =	shalt  }
0x61: {  	_ =	shalt  }
0x62: {  	_ =	shalt  }
0x63: {  	_ =	shalt  }
0x64: {  	_ =	shalt  }
0x65: {  	_ =	shalt  }
0x66: {  	_ =	shalt  }
0x67: {  	_ =	shalt  }
0x68: {  	_ =	shalt  }
0x69: {  	_ =	shalt  }
0x6a: {  	_ =	shalt  }
0x6b: {  	_ =	shalt  }
0x6c: {  	_ =	shalt  }
0x6d: {  	_ =	shalt  }
0x6e: {  	_ =	shalt  }
0x6f: {  	_ =	shalt  }
0x70: {  	_ =	shalt  }
0x71: {  	_ =	shalt  }
0x72: {  	_ =	shalt  }
0x73: {  	_ =	shalt  }
0x74: {  	_ =	shalt  }
0x75: {  	_ =	shalt  }
0x76: {  	_ =	shalt  }
0x77: {  	_ =	shalt  }
0x78: {  	_ =	shalt  }
0x79: {  	_ =	shalt  }
0x7a: {  	_ =	shalt  }
0x7b: {  	_ =	shalt  }
0x7c: {  	_ =	shalt  }
0x7d: {  	_ =	shalt  }
0x7e: {  	_ =	shalt  }
0x7f: {  	_ =	shalt  }
0x80: {  	_ =	shalt  }
0x81: {  	_ =	shalt  }
0x82: {  	_ =	shalt  }
0x83: {  	_ =	shalt  }
0x84: {  	_ =	shalt  }
0x85: {  	_ =	shalt  }
0x86: {  	_ =	shalt  }
0x87: {  	_ =	shalt  }
.Lfunc_end0:
.L_simem_size_0:
called_computation.4_lowered:
.L_overlay_start_0:
0x88: {  	s2 =	sld [smem:$0x3FD9]  }
0x89: {  	s3 =	sld [smem:$0x3FFE];
	_ =	sdelay $0x1  }
0x8a: {  	s1 =	srdreg.scid  }
0x8b: {  	s0 =	sand.u32 $0x1, s1  }
0x8c: {  	s16 =	sshll.u32 s0, $0xA;
	s2 =	sadd.s32 s3, s2  }
0x8d: {  	s2 =	sadd.s32 s2, s16  }
0x8e: {  	[smem:$0x3FAC] =	sst s2  }
0x8f: {  	_ = 	snop  }
0x90: {  	(tm) =	ssettm $0x1  }
0x91: {  	s17 =	sld [smem:$0x3FFB];
	_ =	sdelay $0x3  }
0x92: {  	_ =	strace s17  }
0x93: {  	s2 =	sld [smem:$0x3FFC];
	_ =	sdelay $0x3  }
0x94: {  	_ =	strace s2  }
0x95: {  	s2 =	sld [smem:$0x3FFD];
	_ =	sdelay $0x3  }
0x96: {  	_ =	strace s2  }
0x97: {  	_ =	strace $0x8FFFFFFF  }
0x98: {  	s18 =	sld [smem:$0x3FDB];
	_ =	sdelay $0x1  }
0x99: {  	s19 =	simm.s32 $_scs_section_size  }
0x9a: {  	s4 =	simm.s32 $_size__tile_overlayer_lowered;
	s5 =	simm.s32 $_tile_overlayer_lowered  }
0x9b: {  	s22 =	simm.s32 $0x1BFF;
	s21 =	sshll.u32 s5, $0x1;
	s2 =	sadd.s32 s19, s18  }
0x9c: {  	s6 =	simm.s32 $0x0;
	s20 =	sshll.u32 s4, $0x1;
	s4 =	sadd.s32 s21, s2  }
0x9d: {  	[timem:s6], [sflag:s22] =	dma.local [hbm:s4], s20  }
0x9e: {  	_ =	swait.ge [sflag:s22], s20  }
0x9f: {  	s3 =	ssub.s32 $0x0, s20;
	[sflag:s22] =	ssyncset.done $0x0  }
0xa0: {  	[sflag:s22] =	ssyncadd.s32 s3;
	_ =	sdelay $0x1  }
0xa1: {  	s23 =	simm.s32 $0x1B8B  }
0xa2: {  	_ =	swait.ge [sflag:s23], $0x1  }
0xa3: {  	[sflag:s23] =	ssyncset.done $0x0  }
0xa4: {  	s25 =	simm.s32 $0x1B8E;
	s24 =	sld [smem:$0x3FFE];
	[sflag:s23] =	ssyncadd.s32 $0xFFFFFFFF  }
0xa5: {  	s26 =	simm.s32 $execute0_lowered;
	[smem:$0x3FD2] =	sst s25  }
0xa6: {  	s4 =	sshll.u32 s26, $0x1;
	_ =	strace $0x80000052;
	[dreg:$0x1] =	wrdreg $0xFFFFFFFF  }
0xa7: {  	s28 =	simm.s32 $_size_execute0_lowered;
	s2 =	sadd.s32 s2, s4;
	[dreg:$0x0] =	wrdreg $0x0  }
0xa8: {  	s4 =	sshll.u32 s28, $0x1;
	[dreg:$0x2] =	wrdreg s2  }
0xa9: {  	[dreg:$0x3] =	wrdreg s4  }
0xaa: {  	[dreg:$0x4] =	wrdreg $0xC0  }
0xab: {  	_ =	task [dreg:s6], $0x5FFFF  }
0xac: {  	[dreg:$0x1] =	wrdreg $0xFFFFFFFF  }
0xad: {  	[dreg:$0x0] =	wrdreg $0x60  }
0xae: {  	[dreg:$0x2] =	wrdreg s24  }
0xaf: {  	[dreg:$0x3] =	wrdreg $0x49000  }
0xb0: {  	[dreg:$0x4] =	wrdreg $0x9  }
0xb1: {  	_ =	task.clear_ibuf [dreg:s6], $0x5FFFF;
	_ =	strace $0x90000052  }
0xb2: {  	s29 =	simm.s32 $0x9;
	_ =	strace $0x80000054  }
0xb3: {  	_ =	swait.ge [sflag:s29], $0x1  }
0xb4: {  	[sflag:s29] =	ssyncadd.s32 $0xFFFFFFFF  }
0xb5: {  	_ =	strace $0x90000054  }
0xb6: {  	_ =	sfence  }
0xb7: {  	s30 =	sld [smem:$0x0];
	_ =	sdelay $0x2  }
0xb8: {  	s31 =	sshll.u32 s1, $0xD;
	s1 =	sshrl.u32 s1, $0x2  }
0xb9: {  	s3 =	sand.u32 $0x4000, s31;
	s1 =	sadd.s32 s1, s30  }
0xba: {  	s0 =	sor.u32 s3, s0;
	s1 =	sshll.u32 s1, $0x11  }
0xbb: {  	s0 =	sor.u32 s1, s0  }
0xbc: {  	s0 =	sadd.s32 $0x8F2B, s0  }
0xbd: {  	[sflag:s0] =	ssyncadd.remote.s32 $0x1  }
0xbe: {  	_ =	sfence.sel $0xFFFF  }
0xbf: {  	[dreg:$0x0] =	wrdreg $0xFFFFFFFF;
	(pc) =	sbr.abs _section_cstart, $3  }
0xc0: {  	[dreg:$0x1] =	wrdreg $0xFFFFFFFF  }
0xc1: {  	_ =	task.clear_ibuf [dreg:s6], $0x2FFFF;
	_ =	strace $0x9FFFFFFF  }
0xc2: {  	(tm) =	ssettm $0x7FFFFFFF  }
0xc3: {  	_ =	shalt  }
tec
execute0_lowered:
.L_overlay_start_1:
0x0: {  	(tag) =	ssettag $0x1  }
0x1: {  	s5 =	rddreg [dreg:$0x0];
	s0 =	srdreg.scid  }
0x2: {  	s2 =	rddreg [dreg:$0x1];
	s1 =	stileid.u32;
	s3 =	simm.s32 $0x0  }
0x3: {  	s14 =	simm.s32 $0x1;
	s15 =	simm.s32 $0x800;
	s16 =	simm.s32 $0x880  }
0x4: {  	s17 =	simm.s32 $0x80;
	s18 =	simm.s32 $0x900;
	s8 =	smul.u32 $0x280, s1  }
0x5: {  	s6 =	sand.u32 $0x1, s0;
	s0 =	rddreg [dreg:$0x2];
	s10 =	smul.u32 $0x50000, s1  }
0x6: {  	s23 =	simm.s32 $0x0;
	[smem:$0x7FF] =	sst s3;
	s7 =	smul.u32 $0x5000, s6  }
0x7: {  	s4 =	sadd.s32 $0x1A800, s5;
	s9 =	smul.u32 $0x2800, s6;
	s6 =	ssub.s32 $0x2, s6  }
0x8: {  	s13 =	smul.u32 $0x500, s1;
	_ =	strace $0x80000053;
	s29 =	sshrl.u32 s6, $0x1  }
0x9: {  	s30 =	sshrl.u32 s10, $0x2;
	s12 =	sadd.s32 s7, s5;
	s28 =	sadd.s32 s9, s8  }
0xa: {  	s31 =	ssub.s32 s6, s29;
	s7 =	sshll.u32 s28, $0x4;
	s13 =	sadd.s32 s13, s12  }
0xb: {  	s11 =	sadd.s32 s7, s5;
	s5 =	sadd.s32 s30, s2;
	s7 =	smax.u32 s31, $0x1  }
0xc: {  	s12 =	sadd.s32 $0x10800, s13;
	s13 =	sadd.s32 $0x6800, s13;
	s6 =	sadd.s32 $0x92800, s11  }
0xd: {  	s19 =	sadd.s32 $0x4000, s5;
	s8 =	sadd.s32 $0x93000, s11;
	s20 =	sadd.s32 $0x8000, s5  }
0xe: {  	s9 =	sadd.s32 $0x93800, s11;
	s21 =	sadd.s32 $0xC000, s5;
	s10 =	sadd.s32 $0x94000, s11  }
0xf: {  	s22 =	sadd.s32 $0x10000, s5;
	s11 =	sadd.s32 $0x94800, s11;
	s19 =	sshrl.u32 s19, $0x3  }
0x10: {  	v0 =	vimm.f32 $0.0e+00;
	s20 =	sshrl.u32 s20, $0x3;
	s21 =	sshrl.u32 s21, $0x3;
	s22 =	sshrl.u32 s22, $0x3  }
.LBB2_1:
0x11: {  	s24 =	simm.s32 $0x0;
	s25 =	simm.s32 $0x200  }
.LBB2_2:
0x12: {  	p0 =	sne.s32 s25, $0x1E00;
	[tilespmem:s24+$0x70] =	vst v0  }
0x13: {  	[tilespmem:s24+$0x0] =	vst v0  }
0x14: {  	[tilespmem:s24+$0x10] =	vst v0  }
.Ltmp0:
0x15: {  	[tilespmem:s24+$0x20] =	vst v0;
	(pc) =	sbr.rel @p0 .LBB2_2-.Ltmp0, $4  }
0x16: {  	[tilespmem:s24+$0x30] =	vst v0  }
0x17: {  	[tilespmem:s24+$0x40] =	vst v0  }
0x18: {  	[tilespmem:s24+$0x50] =	vst v0  }
0x19: {  	[tilespmem:s24+$0x60] =	vst v0;
	s24 =	sshra.s32 s25, $0x2;
	s25 =	sadd.s32 $0x200, s25  }
0x1a: {  	[tilespmem:s24+$0x70] =	vst v0  }
0x1b: {  	[tilespmem:s24+$0x0] =	vst v0  }
0x1c: {  	[tilespmem:s24+$0x10] =	vst v0  }
0x1d: {  	[tilespmem:s24+$0x20] =	vst v0  }
0x1e: {  	[tilespmem:s24+$0x30] =	vst v0  }
0x1f: {  	[tilespmem:s24+$0x40] =	vst v0  }
0x20: {  	[tilespmem:s24+$0x50] =	vst v0  }
0x21: {  	[tilespmem:s24+$0x60] =	vst v0;
	s31 =	sadd.s32 $0x0, s5  }
0x22: {  	[spmem:s31] =	stream.linear.scatter [tilespmem:s3], [sflag:$0x1], $0x800, $0x38;
	[tilespmem:$0x18900] =	vst v63  }
0x23: {  	s24 =	simm.s32 $0x2000;
	_ =	swait.ge [sflag:s14], $0x800  }
.LBB2_4:
0x24: {  	s25 =	sshra.s32 s24, $0x2;
	[sflag:s14] =	ssyncset.done $0x0;
	p0 =	sne.s32 s24, $0x4E000  }
.Ltmp1:
0x25: {  	s25 =	sadd.s32 s25, s5;
	[sflag:s14] =	ssyncadd.s32 $0xFFFFF800;
	(pc) =	sbr.rel @p0 .LBB2_4-.Ltmp1, $3  }
0x26: {  	[spmem:s25] =	stream.linear.scatter [tilespmem:s3], [sflag:$0x1], $0x800, $0x38;
	[tilespmem:$0x18900] =	vst v63  }
0x27: {  	s24 =	sadd.s32 $0x2000, s24;
	_ =	sdelay $0x1  }
0x28: {  	_ =	swait.ge [sflag:s14], $0x800  }
0x29: {  	[sflag:s14] =	ssyncset.done $0x0  }
0x2a: {  	[sflag:s14] =	ssyncadd.s32 $0xFFFFF800  }
0x2b: {  	s24 =	sadd.s32 $0x0, s13;
	[bflag:$0x0] =	sbarrier.arrive $0xFFFF  }
0x2c: {  	[tilespmem:s15], [sflag:$0x1] =	stream.linear.gather [hbm4b:s24+s3], $0x80, $0x38;
	[tilespmem:$0x18900] =	vst v63  }
0x2d: {  	_ =	swait.ge [sflag:s14], $0x80  }
0x2e: {  	[sflag:s14] =	ssyncset.done $0x0  }
0x2f: {  	s31 =	sadd.s32 $0x0, s12;
	[sflag:s14] =	ssyncadd.s32 $0xFFFFFF80  }
0x30: {  	[tilespmem:s16], [sflag:$0x1] =	stream.linear.gather [hbm4b:s31+s3], $0x80, $0x38;
	[tilespmem:$0x18900] =	vst v63  }
0x31: {  	_ =	swait.ge [sflag:s14], $0x80  }
0x32: {  	[sflag:s14] =	ssyncset.done $0x0  }
0x33: {  	[sflag:s14] =	ssyncadd.s32 $0xFFFFFF80  }
0x34: {  	[tilespmem:s18], [sflag:$0x1] =	stream.indirect.gather [hbm4b:s4+s17], $0x80, s15, s17, $0xb8;
	[tilespmem:$0x18900] =	vst v63  }
0x35: {  	_ =	swait.ge [sflag:s14], $0x4000  }
0x36: {  	[sflag:s14] =	ssyncset.done $0x0  }
0x37: {  	[sflag:s14] =	ssyncadd.s32 $0xFFFFC000  }
0x38: {  	[spmem:s2] =	stream.indirect.scatter.add.f32 [tilespmem:s18], [sflag:$0x1], $0x80, s16, s17, $0xb8;
	[tilespmem:$0x18900] =	vst v63  }
0x39: {  	_ =	swait.ge [sflag:s14], $0x4000  }
0x3a: {  	s25 =	simm.s32 $0x20;
	s24 =	simm.s32 $0x10;
	[sflag:s14] =	ssyncset.done $0x0  }
.LBB2_6:
0x3b: {  	s26 =	sadd.s32 s24, s13  }
0x3c: {  	[sflag:s14] =	ssyncadd.s32 $0xFFFFC000;
	s28 =	smov.u32 s25;
	s29 =	sadd.s32 $0x10, s25  }
0x3d: {  	[tilespmem:s15], [sflag:$0x1] =	stream.linear.gather [hbm4b:s26+s3], $0x80, $0x38;
	[tilespmem:$0x18900] =	vst v63  }
0x3e: {  	p0 =	sne.s32 s25, $0x4F0;
	_ =	swait.ge [sflag:s14], $0x80  }
0x3f: {  	[sflag:s14] =	ssyncset.done $0x0  }
0x40: {  	s25 =	sadd.s32 s24, s12;
	s24 =	smov.u32 s28;
	[sflag:s14] =	ssyncadd.s32 $0xFFFFFF80  }
0x41: {  	[tilespmem:s16], [sflag:$0x1] =	stream.linear.gather [hbm4b:s25+s3], $0x80, $0x38;
	[tilespmem:$0x18900] =	vst v63  }
0x42: {  	_ =	swait.ge [sflag:s14], $0x80  }
0x43: {  	[sflag:s14] =	ssyncset.done $0x0  }
0x44: {  	[sflag:s14] =	ssyncadd.s32 $0xFFFFFF80  }
0x45: {  	[tilespmem:s18], [sflag:$0x1] =	stream.indirect.gather [hbm4b:s4+s17], $0x80, s15, s17, $0xb8;
	[tilespmem:$0x18900] =	vst v63  }
0x46: {  	_ =	swait.ge [sflag:s14], $0x4000  }
.Ltmp2:
0x47: {  	[sflag:s14] =	ssyncset.done $0x0;
	(pc) =	sbr.rel @p0 .LBB2_6-.Ltmp2, $4  }
0x48: {  	[sflag:s14] =	ssyncadd.s32 $0xFFFFC000  }
0x49: {  	[spmem:s2] =	stream.indirect.scatter.add.f32 [tilespmem:s18], [sflag:$0x1], $0x80, s16, s17, $0xb8;
	[tilespmem:$0x18900] =	vst v63  }
0x4a: {  	_ =	swait.ge [sflag:s14], $0x4000  }
0x4b: {  	s25 =	smov.u32 s29;
	[sflag:s14] =	ssyncset.done $0x0  }
0x4c: {  	s25 =	sadd.s32 s24, s13;
	[sflag:s14] =	ssyncadd.s32 $0xFFFFC000  }
0x4d: {  	[tilespmem:s15], [sflag:$0x1] =	stream.linear.gather [hbm4b:s25+s3], $0x80, $0x38;
	[tilespmem:$0x18900] =	vst v63  }
0x4e: {  	_ =	swait.ge [sflag:s14], $0x80  }
0x4f: {  	[sflag:s14] =	ssyncset.done $0x0  }
0x50: {  	s29 =	sadd.s32 s24, s12;
	[sflag:s14] =	ssyncadd.s32 $0xFFFFFF80  }
0x51: {  	[tilespmem:s16], [sflag:$0x1] =	stream.linear.gather [hbm4b:s29+s3], $0x80, $0x38;
	[tilespmem:$0x18900] =	vst v63  }
0x52: {  	_ =	swait.ge [sflag:s14], $0x80  }
0x53: {  	[sflag:s14] =	ssyncset.done $0x0  }
0x54: {  	[sflag:s14] =	ssyncadd.s32 $0xFFFFFF80  }
0x55: {  	[tilespmem:s18], [sflag:$0x1] =	stream.indirect.gather [hbm4b:s4+s17], $0x80, s15, s17, $0xb8;
	[tilespmem:$0x18900] =	vst v63  }
0x56: {  	_ =	swait.ge [sflag:s14], $0x4000  }
0x57: {  	[sflag:s14] =	ssyncset.done $0x0  }
0x58: {  	[sflag:s14] =	ssyncadd.s32 $0xFFFFC000  }
0x59: {  	[spmem:s2] =	stream.indirect.scatter.add.f32 [tilespmem:s18], [sflag:$0x1], $0x80, s16, s17, $0xb8;
	[tilespmem:$0x18900] =	vst v63  }
0x5a: {  	_ =	swait.ge [sflag:s14], $0x4000  }
0x5b: {  	[sflag:s14] =	ssyncset.done $0x0  }
0x5c: {  	s30 =	sshll.u32 s1, $0x6;
	[sflag:s14] =	ssyncadd.s32 $0xFFFFC000  }
0x5d: {  	s31 =	sshrl.u32 s5, $0x3;
	s24 =	sor.u32 $0x1C01, s30;
	[bflag:$0x0] =	sbarrier.arrive $0xFFFF  }
0x5e: {  	[hbm:s6], [sflag:s24] =	dma.local [spmem:s31], $0x800  }
0x5f: {  	_ =	swait.ge [sflag:s14], $0x800  }
0x60: {  	[sflag:s14] =	ssyncset.done $0x0  }
0x61: {  	[sflag:s14] =	ssyncadd.s32 $0xFFFFF800  }
0x62: {  	[hbm:s8], [sflag:s24] =	dma.local [spmem:s19], $0x800  }
0x63: {  	_ =	swait.ge [sflag:s14], $0x800  }
0x64: {  	[sflag:s14] =	ssyncset.done $0x0  }
0x65: {  	[sflag:s14] =	ssyncadd.s32 $0xFFFFF800  }
0x66: {  	[hbm:s9], [sflag:s24] =	dma.local [spmem:s20], $0x800  }
0x67: {  	_ =	swait.ge [sflag:s14], $0x800  }
0x68: {  	[sflag:s14] =	ssyncset.done $0x0  }
0x69: {  	[sflag:s14] =	ssyncadd.s32 $0xFFFFF800  }
0x6a: {  	[hbm:s10], [sflag:s24] =	dma.local [spmem:s21], $0x800  }
0x6b: {  	s23 =	sadd.s32 $0x1, s23;
	_ =	swait.ge [sflag:s14], $0x800  }
0x6c: {  	p0 =	sne.s32 s23, s7;
	[sflag:s14] =	ssyncset.done $0x0  }
.Ltmp3:
0x6d: {  	[sflag:s14] =	ssyncadd.s32 $0xFFFFF800;
	(pc) =	sbr.rel @p0 .LBB2_1-.Ltmp3, $4  }
0x6e: {  	[hbm:s11], [sflag:s24] =	dma.local [spmem:s22], $0x800  }
0x6f: {  	_ =	swait.ge [sflag:s14], $0x800  }
0x70: {  	[sflag:s14] =	ssyncset.done $0x0  }
0x71: {  	[sflag:s14] =	ssyncadd.s32 $0xFFFFF800  }
0x72: {  	_ =	sfence.sel $0x180000  }
0x73: {  	[bflag:$0x0] =	sbarrier.arrive $0xFFFF  }
0x74: {  	p0 =	sne.s32 s1, $0x0;
	_ =	strace $0x90000053  }
0x75: {  	s0 =	sadd.s32 @!p0 $0x100000, s0;
	[bflag:$0x2] =	sbarrier.arrive $0xFFFF  }
0x76: {  	[sflag:s0] =	ssyncadd.tile.s32 @!p0 $0x1;
	_ =	shalt  }
.Lfunc_end2:
_tile_overlayer_lowered:
.L_overlay_start_2:
0x77: {  	(tag) =	ssettag $0x2  }
0x78: {  	s0 =	rddreg [dreg:$0x0];
	s2 =	stileid.u32  }
0x79: {  	s1 =	rddreg [dreg:$0x1];
	p0 =	sne.s32 s2, $0x0  }
0x7a: {  	s3 =	rddreg [dreg:$0x2];
	[bflag:$0x3] =	sbarrier.arrive $0xFFFF;
	s2 =	simm.s32 @!p0 $0x1C01  }
0x7b: {  	[timem:s3], [sflag:s2] =	dma.local @!p0 [hbm:s0], s1  }
0x7c: {  	s0 =	simm.s32 @!p0 $0x1  }
0x7d: {  	_ =	swait.ge @!p0 [sflag:s0], s1  }
0x7e: {  	s1 =	ssub.s32 @!p0 $0x0, s1;
	[sflag:s0] =	ssyncset.done @!p0 $0x0  }
0x7f: {  	[sflag:s0] =	ssyncadd.s32 @!p0 s1  }
0x80: {  	[bflag:$0x3] =	sbarrier.arrive $0xFFFF  }
0x81: {  	_ =	shalt  }

</sc_bundles>
